<compile_context>
chip_gen: v7x
topology: tpu7x:2x2x1
jax: 0.10.2.dev20260603
libtpu: 0.0.44.dev20260713+nightly
codegen_flags: <defaults>
</compile_context>

<pallas_src>
import functools

import jax
import jax.numpy as jnp
import numpy as np
from jax import lax
from jax.experimental import pallas as pl
from jax.experimental.pallas import tpu as pltpu
from jax.experimental.pallas import tpu_sc as plsc

N_NODES = 10000
N_EDGES = 320000
HIDDEN = 128
GRAPHS = 32
LAYERS = 2

NC = 2
NS = 16
NW = NC * NS

CH = 128

EMB_CHUNKS = 3
EMB_PER_W = EMB_CHUNKS * CH
N_PAD = NW * EMB_PER_W

EDGE_CHUNKS = 80
EDGE_PER_W = EDGE_CHUNKS * CH
E_PAD = NW * EDGE_PER_W
NBUF = 2

ACC_ROWS = 10112
ZROWS = ACC_ROWS // NS
CPROWS = 624
CPREM = N_NODES - NS * CPROWS

_sc_mesh = plsc.VectorSubcoreMesh(core_axis_name="c", subcore_axis_name="s")


NI = 4


@functools.partial(
    pl.kernel,
    out_type=jax.ShapeDtypeStruct((N_PAD, HIDDEN), jnp.float32),
    mesh=_sc_mesh,
    scratch_types=(
        [pltpu.VMEM((EMB_CHUNKS, CH), jnp.int32)]
        + [pltpu.VMEM((CH, HIDDEN), jnp.float32)] * EMB_CHUNKS
        + [pltpu.SemaphoreType.DMA] * EMB_CHUNKS
        + [pltpu.SemaphoreType.DMA]
    ),
)
def _emb_gather(emb_hbm, idx_hbm, out_hbm, idx_v, *bufs):
    rows = bufs[:EMB_CHUNKS]
    gsem = bufs[EMB_CHUNKS:2 * EMB_CHUNKS]
    wsem = bufs[2 * EMB_CHUNKS]
    c = lax.axis_index("c")
    s = lax.axis_index("s")
    wid = s * NC + c
    base = wid * EMB_PER_W

    pltpu.sync_copy(idx_hbm.at[wid], idx_v)
    for b in range(EMB_CHUNKS):
        pltpu.async_copy(emb_hbm.at[idx_v.at[b]], rows[b], gsem[b])
    for b in range(EMB_CHUNKS):
        o = pl.multiple_of(base + b * CH, CH)
        pltpu.make_async_copy(emb_hbm.at[idx_v.at[b]], rows[b],
                              gsem[b]).wait()
        pltpu.async_copy(rows[b], out_hbm.at[pl.ds(o, CH)], wsem)
    for b in range(EMB_CHUNKS):
        o = pl.multiple_of(base + b * CH, CH)
        pltpu.make_async_copy(rows[b], out_hbm.at[pl.ds(o, CH)],
                              wsem).wait()


@functools.partial(
    pl.kernel,
    out_type=jax.ShapeDtypeStruct((NC, N_NODES, HIDDEN), jnp.float32),
    mesh=_sc_mesh,
    scratch_types=(
        [pltpu.VMEM_SHARED((ACC_ROWS, HIDDEN), jnp.float32)]
        + [pltpu.VMEM((2, CH), jnp.int32)] * NI
        + [pltpu.VMEM((CH, HIDDEN), jnp.float32)] * NBUF
        + [pltpu.SemaphoreType.DMA] * NI
        + [pltpu.SemaphoreType.DMA] * NBUF
        + [pltpu.SemaphoreType.DMA, pltpu.SemaphoreType.DMA]
    ),
)
def _edge_scatter(h_hbm, ei_hbm, zeros_hbm, out_hbm, accum, *bufs):
    idxb = bufs[:NI]
    rows = bufs[NI:NI + NBUF]
    isem = bufs[NI + NBUF:2 * NI + NBUF]
    gsem = bufs[2 * NI + NBUF:2 * NI + 2 * NBUF]
    ssem = bufs[2 * NI + 2 * NBUF]
    zsem = bufs[2 * NI + 2 * NBUF + 1]
    c = lax.axis_index("c")
    s = lax.axis_index("s")
    wid = s * NC + c

    zslice = accum.at[pl.ds(pl.multiple_of(s * ZROWS, 8), ZROWS)]
    zdesc = pltpu.async_copy(zeros_hbm, zslice, zsem)

    for t in range(NI):
        pltpu.async_copy(ei_hbm.at[wid, t], idxb[t], isem[t])
    for b in range(NBUF):
        pltpu.make_async_copy(ei_hbm.at[wid, b], idxb[b], isem[b]).wait()
        pltpu.async_copy(h_hbm.at[idxb[b].at[0]], rows[b], gsem[b])

    zdesc.wait()
    plsc.subcore_barrier()

    def step(o, carry):
        for t in range(NI):
            j = o * NI + t
            b = t % NBUF
            pltpu.make_async_copy(h_hbm.at[idxb[t].at[0]], rows[b],
                                  gsem[b]).wait()
            pltpu.sync_copy(rows[b], accum.at[idxb[t].at[1]], add=True)

            @pl.when(j + NI < EDGE_CHUNKS)
            def _reidx():
                pltpu.async_copy(ei_hbm.at[wid, j + NI], idxb[t], isem[t])

            @pl.when(j + NBUF < EDGE_CHUNKS)
            def _regather():
                tn = (t + NBUF) % NI
                pltpu.make_async_copy(ei_hbm.at[wid, j + NBUF], idxb[tn],
                                      isem[tn]).wait()
                pltpu.async_copy(h_hbm.at[idxb[tn].at[0]], rows[b],
                                 gsem[b])
        return carry

    lax.fori_loop(0, EDGE_CHUNKS // NI, step, 0)
    plsc.subcore_barrier()

    r0 = pl.multiple_of(s * CPROWS, 8)
    pltpu.sync_copy(accum.at[pl.ds(r0, CPROWS)],
                    out_hbm.at[c, pl.ds(r0, CPROWS)])

    @pl.when(s == 0)
    def _rem():
        pltpu.sync_copy(accum.at[pl.ds(NS * CPROWS, CPREM)],
                        out_hbm.at[c, pl.ds(NS * CPROWS, CPREM)])


_GRID_R = 1000


def _gru_block(p0, p1, h, wih, whh, bih, bhh):
    xn = p0 + p1
    gi = jnp.dot(xn, wih, preferred_element_type=jnp.float32) + bih
    gh = jnp.dot(h, whh, preferred_element_type=jnp.float32) + bhh
    r = jax.nn.sigmoid(gi[:, :HIDDEN] + gh[:, :HIDDEN])
    z = jax.nn.sigmoid(gi[:, HIDDEN:2 * HIDDEN] + gh[:, HIDDEN:2 * HIDDEN])
    n = jnp.tanh(gi[:, 2 * HIDDEN:] + r * gh[:, 2 * HIDDEN:])
    return (1.0 - z) * n + z * h


def _gru_body(p0_ref, p1_ref, h_ref, wih_ref, whh_ref, bih_ref, bhh_ref,
              out_ref):
    out_ref[...] = _gru_block(p0_ref[0], p1_ref[0], h_ref[...],
                              wih_ref[...], whh_ref[...],
                              bih_ref[...], bhh_ref[...])


_P_SPEC0 = pl.BlockSpec((1, 1000, HIDDEN), lambda i: (0, i, 0))
_P_SPEC1 = pl.BlockSpec((1, 1000, HIDDEN), lambda i: (1, i, 0))


def _gru_tc(part, h, wih_t, whh_t, bih, bhh):
    grid = (N_NODES // _GRID_R,)
    blk = lambda i: (i, 0)
    whole = lambda i: (0, 0)
    return pl.pallas_call(
        _gru_body,
        grid=grid,
        in_specs=[
            _P_SPEC0,
            _P_SPEC1,
            pl.BlockSpec((_GRID_R, HIDDEN), blk),
            pl.BlockSpec((HIDDEN, 3 * HIDDEN), whole),
            pl.BlockSpec((HIDDEN, 3 * HIDDEN), whole),
            pl.BlockSpec((1, 3 * HIDDEN), whole),
            pl.BlockSpec((1, 3 * HIDDEN), whole),
        ],
        out_specs=pl.BlockSpec((_GRID_R, HIDDEN), blk),
        out_shape=jax.ShapeDtypeStruct((N_NODES, HIDDEN), jnp.float32),
    )(part, part, h, wih_t, whh_t, bih, bhh)


def _gru_tail_body(p0_ref, p1_ref, h_ref, wih_ref, whh_ref, bih_ref,
                   bhh_ref, bat_ref, dw_ref, db_ref, cw_ref, cb_ref,
                   out_ref, pooled_ref):
    i = pl.program_id(0)

    @pl.when(i == 0)
    def _init():
        pooled_ref[...] = jnp.full((GRAPHS, HIDDEN), -jnp.inf,
                                   dtype=jnp.float32)

    hn = _gru_block(p0_ref[0], p1_ref[0], h_ref[...],
                    wih_ref[...], whh_ref[...],
                    bih_ref[...], bhh_ref[...])
    hd = jnp.dot(hn, dw_ref[...], preferred_element_type=jnp.float32)
    hd = hd + db_ref[...]
    bat = bat_ref[...]
    neg = jnp.float32(-jnp.inf)
    zero = jnp.float32(0.0)
    for g in range(GRAPHS):
        madd = jnp.where(bat == g, zero, neg)
        m = (hd + madd).max(axis=0, keepdims=True)
        pooled_ref[g:g + 1, :] = jnp.maximum(pooled_ref[g:g + 1, :], m)

    @pl.when(i == pl.num_programs(0) - 1)
    def _fin():
        logits = jnp.dot(pooled_ref[...], cw_ref[...],
                         preferred_element_type=jnp.float32) + cb_ref[...]
        out_ref[...] = jax.nn.sigmoid(logits)


def _gru_tail_tc(part, h, wih_t, whh_t, bih, bhh, bat2d, dw_t, db, cw_t, cb):
    grid = (N_NODES // _GRID_R,)
    blk = lambda i: (i, 0)
    whole = lambda i: (0, 0)
    return pl.pallas_call(
        _gru_tail_body,
        grid=grid,
        in_specs=[
            _P_SPEC0,
            _P_SPEC1,
            pl.BlockSpec((_GRID_R, HIDDEN), blk),
            pl.BlockSpec((HIDDEN, 3 * HIDDEN), whole),
            pl.BlockSpec((HIDDEN, 3 * HIDDEN), whole),
            pl.BlockSpec((1, 3 * HIDDEN), whole),
            pl.BlockSpec((1, 3 * HIDDEN), whole),
            pl.BlockSpec((_GRID_R, 1), blk),
            pl.BlockSpec((HIDDEN, HIDDEN), whole),
            pl.BlockSpec((1, HIDDEN), whole),
            pl.BlockSpec((HIDDEN, 1), whole),
            pl.BlockSpec((1, 1), whole),
        ],
        out_specs=pl.BlockSpec((GRAPHS, 1), whole),
        out_shape=jax.ShapeDtypeStruct((GRAPHS, 1), jnp.float32),
        scratch_shapes=[pltpu.VMEM((GRAPHS, HIDDEN), jnp.float32)],
    )(part, part, h, wih_t, whh_t, bih, bhh, bat2d, dw_t, db, cw_t, cb)


def kernel(x, edge_index, batch, emb, W_ih, W_hh, b_ih, b_hh,
           dense_W, dense_b, clf_W, clf_b):
    x_pad = jnp.concatenate(
        [x, jnp.zeros((N_PAD - N_NODES,), jnp.int32)])

    npad = E_PAD - N_EDGES
    pad_iota = np.arange(npad, dtype=np.int32)
    pad_src = jnp.asarray(pad_iota % N_NODES)
    pad_dst = jnp.asarray(N_NODES + pad_iota % (ACC_ROWS - N_NODES))
    src = jnp.concatenate(
        [edge_index[0], pad_src]).reshape(NW, EDGE_CHUNKS, 1, CH)
    dst = jnp.concatenate(
        [edge_index[1], pad_dst]).reshape(NW, EDGE_CHUNKS, 1, CH)
    ei = jnp.concatenate([src, dst], axis=2)
    zeros = jnp.zeros((ZROWS, HIDDEN), jnp.float32)

    h_pad = _emb_gather(emb, x_pad.reshape(NW, EMB_CHUNKS, CH))
    part = _edge_scatter(h_pad, ei, zeros)
    h = _gru_tc(part, h_pad, W_ih[0].T, W_hh[0].T,
                b_ih[0][None, :], b_hh[0][None, :])
    part = _edge_scatter(h, ei, zeros)
    out2 = _gru_tail_tc(part, h, W_ih[1].T, W_hh[1].T,
                        b_ih[1][None, :], b_hh[1][None, :],
                        batch[:, None], dense_W.T, dense_b[None, :],
                        clf_W.T, clf_b[None, :])
    return out2[:, 0]

# --- scband reference (transcript-rebuilt; emitter-appended) ---
"""Pipeline reference for scband-espi-msg-model-65197603553511 (READ-ONLY COPY).

The authoritative reference and input builder live on the scoring server;
editing this copy changes nothing except your own understanding.
"""

import jax, jax.numpy as jnp
import numpy as np

N_NODES = 10000
N_EDGES = 320000
HIDDEN = 128
TOKENS = 50000
LAYERS = 2
GRAPHS = 32


def setup_inputs(seed: int = 0) -> dict:
    key = jax.random.key(seed)
    ks = jax.random.split(key, 12)
    inp = {}
    inp["x"] = jax.random.randint(ks[0], (N_NODES,), 0, TOKENS, dtype=jnp.int32)
    inp["edge_index"] = jax.random.randint(ks[1], (2, N_EDGES), 0, N_NODES, dtype=jnp.int32)
    inp["batch"] = jnp.sort(jax.random.randint(ks[2], (N_NODES,), 0, GRAPHS, dtype=jnp.int32))
    # learned parameters
    s = 1.0 / np.sqrt(HIDDEN)
    inp["emb"] = jax.random.normal(ks[3], (TOKENS, HIDDEN), dtype=jnp.float32)
    inp["W_ih"] = jax.random.uniform(ks[4], (LAYERS, 3 * HIDDEN, HIDDEN), minval=-s, maxval=s, dtype=jnp.float32)
    inp["W_hh"] = jax.random.uniform(ks[5], (LAYERS, 3 * HIDDEN, HIDDEN), minval=-s, maxval=s, dtype=jnp.float32)
    inp["b_ih"] = jax.random.uniform(ks[6], (LAYERS, 3 * HIDDEN), minval=-s, maxval=s, dtype=jnp.float32)
    inp["b_hh"] = jax.random.uniform(ks[7], (LAYERS, 3 * HIDDEN), minval=-s, maxval=s, dtype=jnp.float32)
    inp["dense_W"] = jax.random.uniform(ks[8], (HIDDEN, HIDDEN), minval=-s, maxval=s, dtype=jnp.float32)
    inp["dense_b"] = jax.random.uniform(ks[9], (HIDDEN,), minval=-s, maxval=s, dtype=jnp.float32)
    inp["clf_W"] = jax.random.uniform(ks[10], (1, HIDDEN), minval=-s, maxval=s, dtype=jnp.float32)
    inp["clf_b"] = jax.random.uniform(ks[11], (1,), minval=-s, maxval=s, dtype=jnp.float32)
    return inp


def _gru_cell(inp, h, W_ih, W_hh, b_ih, b_hh):
    gi = inp @ W_ih.T + b_ih
    gh = h @ W_hh.T + b_hh
    i_r, i_z, i_n = jnp.split(gi, 3, axis=-1)
    h_r, h_z, h_n = jnp.split(gh, 3, axis=-1)
    r = jax.nn.sigmoid(i_r + h_r)
    z = jax.nn.sigmoid(i_z + h_z)
    n = jnp.tanh(i_n + r * h_n)
    return (1.0 - z) * n + z * h


def reference(x, edge_index, batch, emb, W_ih, W_hh, b_ih, b_hh, dense_W, dense_b, clf_W, clf_b):
    # embedding lookup (gather)
    h = jnp.take(emb, x, axis=0)
    src, dst = edge_index[0], edge_index[1]
    # GGNN layers: scatter-add message passing + GRU update (dropout = identity in eval)
    for l in range(LAYERS):
        msgs = jnp.take(h, src, axis=0)
        x_neighbor = jax.ops.segment_sum(msgs, dst, num_segments=N_NODES)
        h = _gru_cell(x_neighbor, h, W_ih[l], W_hh[l], b_ih[l], b_hh[l])
    h = h @ dense_W.T + dense_b
    # global max pool per graph
    pooled = jax.ops.segment_max(h, batch, num_segments=GRAPHS)
    out = pooled @ clf_W.T + clf_b
    out = jax.nn.sigmoid(out)
    return out.squeeze(-1)

if __name__ == "__main__":
    import jax
    _d = setup_inputs()
    print(jax.jit(kernel)(*tuple(_d.values())))

</pallas_src>

<mosaic_0001>
#map = affine_map<(d0, d1) -> (0, 0)>
#map1 = affine_map<(d0, d1) -> (0, 0, 0, 0)>
#map2 = affine_map<(d0, d1) -> (0, 0, 0)>
module attributes {stable_mosaic.version = 14 : i64} {
  func.func @_edge_scatter(%arg0: i32, %arg1: i32, %arg2: memref<10000x128xf32, #tpu.memory_space<hbm>>, %arg3: memref<32x80x2x128xi32, #tpu.memory_space<hbm>>, %arg4: memref<632x128xf32, #tpu.memory_space<hbm>>, %arg5: memref<2x10000x128xf32, #tpu.memory_space<hbm>>, %arg6: memref<10112x128xf32, #tpu.memory_space<vmem_shared>>, %arg7: memref<2x128xi32, #tpu.memory_space<vmem>>, %arg8: memref<2x128xi32, #tpu.memory_space<vmem>>, %arg9: memref<2x128xi32, #tpu.memory_space<vmem>>, %arg10: memref<2x128xi32, #tpu.memory_space<vmem>>, %arg11: memref<128x128xf32, #tpu.memory_space<vmem>>, %arg12: memref<128x128xf32, #tpu.memory_space<vmem>>, %arg13: memref<!tpu.dma_semaphore, #tpu.memory_space<semaphore_mem>>, %arg14: memref<!tpu.dma_semaphore, #tpu.memory_space<semaphore_mem>>, %arg15: memref<!tpu.dma_semaphore, #tpu.memory_space<semaphore_mem>>, %arg16: memref<!tpu.dma_semaphore, #tpu.memory_space<semaphore_mem>>, %arg17: memref<!tpu.dma_semaphore, #tpu.memory_space<semaphore_mem>>, %arg18: memref<!tpu.dma_semaphore, #tpu.memory_space<semaphore_mem>>, %arg19: memref<!tpu.dma_semaphore, #tpu.memory_space<semaphore_mem>>, %arg20: memref<!tpu.dma_semaphore, #tpu.memory_space<semaphore_mem>>) attributes {dimension_semantics = [#tpu.dimension_semantics<core_parallel>, #tpu.dimension_semantics<subcore_parallel>], iteration_bounds = array<i64: 2, 16>, scalar_prefetch = 0 : i64, scratch_operands = 15 : i64, tpu.core_type = #tpu.core_type<sc_vector_subcore>, window_params = [{transform_indices = #map}, {transform_indices = #map1}, {transform_indices = #map}, {transform_indices = #map2}]} {
    %mul3A = arith.constant 2 : i32
    %mul3A_0 = arith.muli %arg1, %mul3A : i32
    %add3A = arith.addi %mul3A_0, %arg0 : i32
    %mul3A_1 = arith.constant 632 : i32
    %mul3A_2 = arith.muli %arg1, %mul3A_1 : i32
    %multiple_of3A = tpu.assume_multiple %mul3A_2, 8 : i32
    %dma_start3A = arith.constant 0 : i32
    %dma_start3A_3 = tpu.memref_slice %arg6[%multiple_of3A, %dma_start3A] : memref<10112x128xf32, #tpu.memory_space<vmem_shared>> -> memref<632x128xf32, #tpu.memory_space<vmem_shared>>
    tpu.enqueue_dma source(%arg4 : memref<632x128xf32, #tpu.memory_space<hbm>>) target(%dma_start3A_3 : memref<632x128xf32, #tpu.memory_space<vmem_shared>>) target_semaphore(%arg20 : memref<!tpu.dma_semaphore, #tpu.memory_space<semaphore_mem>>)
    %dma_start3A_4 = arith.constant 0 : i32
    %dma_start3A_5 = arith.constant 0 : i32
    %dma_start3A_6 = arith.constant 0 : i32
    %dma_start3A_7 = tpu.memref_slice %arg3[%add3A, %dma_start3A_4, %dma_start3A_5, %dma_start3A_6] : memref<32x80x2x128xi32, #tpu.memory_space<hbm>> -> memref<1x1x2x128xi32, #tpu.memory_space<hbm>>
    %dma_start3A_8 = tpu.memref_squeeze %dma_start3A_7 : memref<1x1x2x128xi32, #tpu.memory_space<hbm>> -> memref<2x128xi32, #tpu.memory_space<hbm>>
    %dma_start3A_9 = arith.constant 0 : i32
    %dma_start3A_10 = arith.constant 0 : i32
    %dma_start3A_11 = tpu.memref_slice %arg3[%add3A, %dma_start3A_4, %dma_start3A_9, %dma_start3A_10] : memref<32x80x2x128xi32, #tpu.memory_space<hbm>> -> memref<1x1x2x128xi32, #tpu.memory_space<hbm>>
    %dma_start3A_12 = tpu.memref_squeeze %dma_start3A_11 : memref<1x1x2x128xi32, #tpu.memory_space<hbm>> -> memref<2x128xi32, #tpu.memory_space<hbm>>
    tpu.enqueue_dma source(%dma_start3A_12 : memref<2x128xi32, #tpu.memory_space<hbm>>) target(%arg7 : memref<2x128xi32, #tpu.memory_space<vmem>>) target_semaphore(%arg13 : memref<!tpu.dma_semaphore, #tpu.memory_space<semaphore_mem>>)
    %dma_start3A_13 = arith.constant 1 : i32
    %dma_start3A_14 = arith.constant 0 : i32
    %dma_start3A_15 = arith.constant 0 : i32
    %dma_start3A_16 = tpu.memref_slice %arg3[%add3A, %dma_start3A_13, %dma_start3A_14, %dma_start3A_15] : memref<32x80x2x128xi32, #tpu.memory_space<hbm>> -> memref<1x1x2x128xi32, #tpu.memory_space<hbm>>
    %dma_start3A_17 = tpu.memref_squeeze %dma_start3A_16 : memref<1x1x2x128xi32, #tpu.memory_space<hbm>> -> memref<2x128xi32, #tpu.memory_space<hbm>>
    %dma_start3A_18 = arith.constant 0 : i32
    %dma_start3A_19 = arith.constant 0 : i32
    %dma_start3A_20 = tpu.memref_slice %arg3[%add3A, %dma_start3A_13, %dma_start3A_18, %dma_start3A_19] : memref<32x80x2x128xi32, #tpu.memory_space<hbm>> -> memref<1x1x2x128xi32, #tpu.memory_space<hbm>>
    %dma_start3A_21 = tpu.memref_squeeze %dma_start3A_20 : memref<1x1x2x128xi32, #tpu.memory_space<hbm>> -> memref<2x128xi32, #tpu.memory_space<hbm>>
    tpu.enqueue_dma source(%dma_start3A_21 : memref<2x128xi32, #tpu.memory_space<hbm>>) target(%arg8 : memref<2x128xi32, #tpu.memory_space<vmem>>) target_semaphore(%arg14 : memref<!tpu.dma_semaphore, #tpu.memory_space<semaphore_mem>>)
    %dma_start3A_22 = arith.constant 2 : i32
    %dma_start3A_23 = arith.constant 0 : i32
    %dma_start3A_24 = arith.constant 0 : i32
    %dma_start3A_25 = tpu.memref_slice %arg3[%add3A, %dma_start3A_22, %dma_start3A_23, %dma_start3A_24] : memref<32x80x2x128xi32, #tpu.memory_space<hbm>> -> memref<1x1x2x128xi32, #tpu.memory_space<hbm>>
    %dma_start3A_26 = tpu.memref_squeeze %dma_start3A_25 : memref<1x1x2x128xi32, #tpu.memory_space<hbm>> -> memref<2x128xi32, #tpu.memory_space<hbm>>
    %dma_start3A_27 = arith.constant 0 : i32
    %dma_start3A_28 = arith.constant 0 : i32
    %dma_start3A_29 = tpu.memref_slice %arg3[%add3A, %dma_start3A_22, %dma_start3A_27, %dma_start3A_28] : memref<32x80x2x128xi32, #tpu.memory_space<hbm>> -> memref<1x1x2x128xi32, #tpu.memory_space<hbm>>
    %dma_start3A_30 = tpu.memref_squeeze %dma_start3A_29 : memref<1x1x2x128xi32, #tpu.memory_space<hbm>> -> memref<2x128xi32, #tpu.memory_space<hbm>>
    tpu.enqueue_dma source(%dma_start3A_30 : memref<2x128xi32, #tpu.memory_space<hbm>>) target(%arg9 : memref<2x128xi32, #tpu.memory_space<vmem>>) target_semaphore(%arg15 : memref<!tpu.dma_semaphore, #tpu.memory_space<semaphore_mem>>)
    %dma_start3A_31 = arith.constant 3 : i32
    %dma_start3A_32 = arith.constant 0 : i32
    %dma_start3A_33 = arith.constant 0 : i32
    %dma_start3A_34 = tpu.memref_slice %arg3[%add3A, %dma_start3A_31, %dma_start3A_32, %dma_start3A_33] : memref<32x80x2x128xi32, #tpu.memory_space<hbm>> -> memref<1x1x2x128xi32, #tpu.memory_space<hbm>>
    %dma_start3A_35 = tpu.memref_squeeze %dma_start3A_34 : memref<1x1x2x128xi32, #tpu.memory_space<hbm>> -> memref<2x128xi32, #tpu.memory_space<hbm>>
    %dma_start3A_36 = arith.constant 0 : i32
    %dma_start3A_37 = arith.constant 0 : i32
    %dma_start3A_38 = tpu.memref_slice %arg3[%add3A, %dma_start3A_31, %dma_start3A_36, %dma_start3A_37] : memref<32x80x2x128xi32, #tpu.memory_space<hbm>> -> memref<1x1x2x128xi32, #tpu.memory_space<hbm>>
    %dma_start3A_39 = tpu.memref_squeeze %dma_start3A_38 : memref<1x1x2x128xi32, #tpu.memory_space<hbm>> -> memref<2x128xi32, #tpu.memory_space<hbm>>
    tpu.enqueue_dma source(%dma_start3A_39 : memref<2x128xi32, #tpu.memory_space<hbm>>) target(%arg10 : memref<2x128xi32, #tpu.memory_space<vmem>>) target_semaphore(%arg16 : memref<!tpu.dma_semaphore, #tpu.memory_space<semaphore_mem>>)
    %dma_wait3A = arith.constant 0 : i32
    %dma_wait3A_40 = arith.constant 0 : i32
    %dma_wait3A_41 = arith.constant 0 : i32
    %dma_wait3A_42 = tpu.memref_slice %arg3[%add3A, %dma_wait3A, %dma_wait3A_40, %dma_wait3A_41] : memref<32x80x2x128xi32, #tpu.memory_space<hbm>> -> memref<1x1x2x128xi32, #tpu.memory_space<hbm>>
    %dma_wait3A_43 = tpu.memref_squeeze %dma_wait3A_42 : memref<1x1x2x128xi32, #tpu.memory_space<hbm>> -> memref<2x128xi32, #tpu.memory_space<hbm>>
    %dma_wait3A_44 = arith.constant 0 : i32
    %dma_wait3A_45 = arith.constant 0 : i32
    %dma_wait3A_46 = tpu.memref_slice %arg3[%add3A, %dma_wait3A, %dma_wait3A_44, %dma_wait3A_45] : memref<32x80x2x128xi32, #tpu.memory_space<hbm>> -> memref<1x1x2x128xi32, #tpu.memory_space<hbm>>
    %dma_wait3A_47 = tpu.memref_squeeze %dma_wait3A_46 : memref<1x1x2x128xi32, #tpu.memory_space<hbm>> -> memref<2x128xi32, #tpu.memory_space<hbm>>
    tpu.wait_dma2 semaphore(%arg13 : memref<!tpu.dma_semaphore, #tpu.memory_space<semaphore_mem>>) src(%dma_wait3A_47 : memref<2x128xi32, #tpu.memory_space<hbm>>) dst(%arg7 : memref<2x128xi32, #tpu.memory_space<vmem>>)
    %dma_start3A_48 = arith.constant 0 : i32
    %dma_start3A_49 = arith.constant 0 : i32
    %dma_start3A_50 = tpu.memref_slice %arg7[%dma_start3A_48, %dma_start3A_49] : memref<2x128xi32, #tpu.memory_space<vmem>> -> memref<1x128xi32, #tpu.memory_space<vmem>>
    %dma_start3A_51 = tpu.memref_squeeze %dma_start3A_50 : memref<1x128xi32, #tpu.memory_space<vmem>> -> memref<128xi32, #tpu.memory_space<vmem>>
    %dma_start3A_52 = arith.constant 0 : i32
    %dma_start3A_53 = arith.constant 0 : i32
    %dma_start3A_54 = tpu.memref_slice %arg2[%dma_start3A_52, %dma_start3A_53] : memref<10000x128xf32, #tpu.memory_space<hbm>> -> memref<10000x128xf32, #tpu.memory_space<hbm>>
    tpu.enqueue_indirect_dma source(%dma_start3A_54 : memref<10000x128xf32, #tpu.memory_space<hbm>>) target(%arg11 : memref<128x128xf32, #tpu.memory_space<vmem>>) offsets(%dma_start3A_51 : memref<128xi32, #tpu.memory_space<vmem>>) semaphore(%arg17 : memref<!tpu.dma_semaphore, #tpu.memory_space<semaphore_mem>>)
    %dma_wait3A_55 = arith.constant 1 : i32
    %dma_wait3A_56 = arith.constant 0 : i32
    %dma_wait3A_57 = arith.constant 0 : i32
    %dma_wait3A_58 = tpu.memref_slice %arg3[%add3A, %dma_wait3A_55, %dma_wait3A_56, %dma_wait3A_57] : memref<32x80x2x128xi32, #tpu.memory_space<hbm>> -> memref<1x1x2x128xi32, #tpu.memory_space<hbm>>
    %dma_wait3A_59 = tpu.memref_squeeze %dma_wait3A_58 : memref<1x1x2x128xi32, #tpu.memory_space<hbm>> -> memref<2x128xi32, #tpu.memory_space<hbm>>
    %dma_wait3A_60 = arith.constant 0 : i32
    %dma_wait3A_61 = arith.constant 0 : i32
    %dma_wait3A_62 = tpu.memref_slice %arg3[%add3A, %dma_wait3A_55, %dma_wait3A_60, %dma_wait3A_61] : memref<32x80x2x128xi32, #tpu.memory_space<hbm>> -> memref<1x1x2x128xi32, #tpu.memory_space<hbm>>
    %dma_wait3A_63 = tpu.memref_squeeze %dma_wait3A_62 : memref<1x1x2x128xi32, #tpu.memory_space<hbm>> -> memref<2x128xi32, #tpu.memory_space<hbm>>
    tpu.wait_dma2 semaphore(%arg14 : memref<!tpu.dma_semaphore, #tpu.memory_space<semaphore_mem>>) src(%dma_wait3A_63 : memref<2x128xi32, #tpu.memory_space<hbm>>) dst(%arg8 : memref<2x128xi32, #tpu.memory_space<vmem>>)
    %dma_start3A_64 = arith.constant 0 : i32
    %dma_start3A_65 = arith.constant 0 : i32
    %dma_start3A_66 = tpu.memref_slice %arg8[%dma_start3A_64, %dma_start3A_65] : memref<2x128xi32, #tpu.memory_space<vmem>> -> memref<1x128xi32, #tpu.memory_space<vmem>>
    %dma_start3A_67 = tpu.memref_squeeze %dma_start3A_66 : memref<1x128xi32, #tpu.memory_space<vmem>> -> memref<128xi32, #tpu.memory_space<vmem>>
    %dma_start3A_68 = arith.constant 0 : i32
    %dma_start3A_69 = arith.constant 0 : i32
    %dma_start3A_70 = tpu.memref_slice %arg2[%dma_start3A_68, %dma_start3A_69] : memref<10000x128xf32, #tpu.memory_space<hbm>> -> memref<10000x128xf32, #tpu.memory_space<hbm>>
    tpu.enqueue_indirect_dma source(%dma_start3A_70 : memref<10000x128xf32, #tpu.memory_space<hbm>>) target(%arg12 : memref<128x128xf32, #tpu.memory_space<vmem>>) offsets(%dma_start3A_67 : memref<128xi32, #tpu.memory_space<vmem>>) semaphore(%arg18 : memref<!tpu.dma_semaphore, #tpu.memory_space<semaphore_mem>>)
    %dma_wait3A_71 = arith.constant 0 : i32
    %dma_wait3A_72 = tpu.memref_slice %arg6[%multiple_of3A, %dma_wait3A_71] : memref<10112x128xf32, #tpu.memory_space<vmem_shared>> -> memref<632x128xf32, #tpu.memory_space<vmem_shared>>
    tpu.wait_dma2 semaphore(%arg20 : memref<!tpu.dma_semaphore, #tpu.memory_space<semaphore_mem>>) src(%arg4 : memref<632x128xf32, #tpu.memory_space<hbm>>) dst(%dma_wait3A_72 : memref<632x128xf32, #tpu.memory_space<vmem_shared>>)
    %barrier3A = arith.constant 0 : index
    tpu.barrier barrier_id(%barrier3A)
    %scan3A = arith.constant 0 : i32
    %scan3A_73 = arith.constant 0 : i32
    %scan3A_74 = arith.constant 20 : i32
    %scan3A_75 = arith.addi %scan3A_73, %scan3A_74 : i32
    %scan3A_76 = arith.constant 1 : i32
    scf.for %scan3A_84 = %scan3A_73 to %scan3A_75 step %scan3A_76  : i32 {
      %mul3A_85 = arith.constant 4 : i32
      %mul3A_86 = arith.muli %scan3A_84, %mul3A_85 : i32
      %add3A_87 = arith.constant 0 : i32
      %add3A_88 = arith.addi %mul3A_86, %add3A_87 : i32
      %dma_wait3A_89 = arith.constant 0 : i32
      %dma_wait3A_90 = arith.constant 0 : i32
      %dma_wait3A_91 = tpu.memref_slice %arg7[%dma_wait3A_89, %dma_wait3A_90] : memref<2x128xi32, #tpu.memory_space<vmem>> -> memref<1x128xi32, #tpu.memory_space<vmem>>
      %dma_wait3A_92 = tpu.memref_squeeze %dma_wait3A_91 : memref<1x128xi32, #tpu.memory_space<vmem>> -> memref<128xi32, #tpu.memory_space<vmem>>
      %dma_wait3A_93 = arith.constant 0 : i32
      %dma_wait3A_94 = arith.constant 0 : i32
      %dma_wait3A_95 = tpu.memref_slice %arg2[%dma_wait3A_93, %dma_wait3A_94] : memref<10000x128xf32, #tpu.memory_space<hbm>> -> memref<10000x128xf32, #tpu.memory_space<hbm>>
      tpu.wait_indirect_dma semaphore(%arg17 : memref<!tpu.dma_semaphore, #tpu.memory_space<semaphore_mem>>) src(%dma_wait3A_95 : memref<10000x128xf32, #tpu.memory_space<hbm>>) dst(%arg11 : memref<128x128xf32, #tpu.memory_space<vmem>>)
      %run_scoped3A = arith.constant 1 : i32
      "tpu.region"() ({
        %run_scoped3A_187 = tpu.sem_alloc : memref<!tpu.dma_semaphore, #tpu.memory_space<semaphore_mem>>
        %dma_start3A_188 = arith.constant 0 : i32
        %dma_start3A_189 = tpu.memref_slice %arg7[%run_scoped3A, %dma_start3A_188] : memref<2x128xi32, #tpu.memory_space<vmem>> -> memref<1x128xi32, #tpu.memory_space<vmem>>
        %dma_start3A_190 = tpu.memref_squeeze %dma_start3A_189 : memref<1x128xi32, #tpu.memory_space<vmem>> -> memref<128xi32, #tpu.memory_space<vmem>>
        %dma_start3A_191 = arith.constant 0 : i32
        %dma_start3A_192 = arith.constant 0 : i32
        %dma_start3A_193 = tpu.memref_slice %arg6[%dma_start3A_191, %dma_start3A_192] : memref<10112x128xf32, #tpu.memory_space<vmem_shared>> -> memref<10112x128xf32, #tpu.memory_space<vmem_shared>>
        tpu.enqueue_indirect_dma source(%arg11 : memref<128x128xf32, #tpu.memory_space<vmem>>) target(%dma_start3A_193 : memref<10112x128xf32, #tpu.memory_space<vmem_shared>>) offsets(%dma_start3A_190 : memref<128xi32, #tpu.memory_space<vmem>>) semaphore(%run_scoped3A_187 : memref<!tpu.dma_semaphore, #tpu.memory_space<semaphore_mem>>) {add = true}
        %dma_wait3A_194 = arith.constant 0 : i32
        %dma_wait3A_195 = tpu.memref_slice %arg7[%run_scoped3A, %dma_wait3A_194] : memref<2x128xi32, #tpu.memory_space<vmem>> -> memref<1x128xi32, #tpu.memory_space<vmem>>
        %dma_wait3A_196 = tpu.memref_squeeze %dma_wait3A_195 : memref<1x128xi32, #tpu.memory_space<vmem>> -> memref<128xi32, #tpu.memory_space<vmem>>
        %dma_wait3A_197 = arith.constant 0 : i32
        %dma_wait3A_198 = arith.constant 0 : i32
        %dma_wait3A_199 = tpu.memref_slice %arg6[%dma_wait3A_197, %dma_wait3A_198] : memref<10112x128xf32, #tpu.memory_space<vmem_shared>> -> memref<10112x128xf32, #tpu.memory_space<vmem_shared>>
        tpu.wait_indirect_dma semaphore(%run_scoped3A_187 : memref<!tpu.dma_semaphore, #tpu.memory_space<semaphore_mem>>) src(%arg11 : memref<128x128xf32, #tpu.memory_space<vmem>>) dst(%dma_wait3A_199 : memref<10112x128xf32, #tpu.memory_space<vmem_shared>>)
        tpu.yield
      }) : () -> ()
      %add3A_96 = arith.constant 4 : i32
      %add3A_97 = arith.addi %add3A_88, %add3A_96 : i32
      %lt3A = arith.constant 80 : i32
      %lt3A_98 = arith.cmpi slt, %add3A_97, %lt3A : i32
      %convert_element_type3A_99 = arith.extui %lt3A_98 : i1 to i32
      %cond3A_100 = arith.constant 0 : i32
      %cond3A_101 = arith.cmpi ne, %convert_element_type3A_99, %cond3A_100 : i32
      scf.if %cond3A_101 {
        %add3A_187 = arith.constant 4 : i32
        %add3A_188 = arith.addi %add3A_88, %add3A_187 : i32
        %dma_start3A_189 = arith.constant 0 : i32
        %dma_start3A_190 = arith.constant 0 : i32
        %dma_start3A_191 = tpu.memref_slice %arg3[%add3A, %add3A_188, %dma_start3A_189, %dma_start3A_190] : memref<32x80x2x128xi32, #tpu.memory_space<hbm>> -> memref<1x1x2x128xi32, #tpu.memory_space<hbm>>
        %dma_start3A_192 = tpu.memref_squeeze %dma_start3A_191 : memref<1x1x2x128xi32, #tpu.memory_space<hbm>> -> memref<2x128xi32, #tpu.memory_space<hbm>>
        %dma_start3A_193 = arith.constant 0 : i32
        %dma_start3A_194 = arith.constant 0 : i32
        %dma_start3A_195 = tpu.memref_slice %arg3[%add3A, %add3A_188, %dma_start3A_193, %dma_start3A_194] : memref<32x80x2x128xi32, #tpu.memory_space<hbm>> -> memref<1x1x2x128xi32, #tpu.memory_space<hbm>>
        %dma_start3A_196 = tpu.memref_squeeze %dma_start3A_195 : memref<1x1x2x128xi32, #tpu.memory_space<hbm>> -> memref<2x128xi32, #tpu.memory_space<hbm>>
        tpu.enqueue_dma source(%dma_start3A_196 : memref<2x128xi32, #tpu.memory_space<hbm>>) target(%arg7 : memref<2x128xi32, #tpu.memory_space<vmem>>) target_semaphore(%arg13 : memref<!tpu.dma_semaphore, #tpu.memory_space<semaphore_mem>>)
      } else {
      }
      %add3A_102 = arith.constant 2 : i32
      %add3A_103 = arith.addi %add3A_88, %add3A_102 : i32
      %lt3A_104 = arith.constant 80 : i32
      %lt3A_105 = arith.cmpi slt, %add3A_103, %lt3A_104 : i32
      %convert_element_type3A_106 = arith.extui %lt3A_105 : i1 to i32
      %cond3A_107 = arith.constant 0 : i32
      %cond3A_108 = arith.cmpi ne, %convert_element_type3A_106, %cond3A_107 : i32
      scf.if %cond3A_108 {
        %add3A_187 = arith.constant 2 : i32
        %add3A_188 = arith.addi %add3A_88, %add3A_187 : i32
        %dma_wait3A_189 = arith.constant 0 : i32
        %dma_wait3A_190 = arith.constant 0 : i32
        %dma_wait3A_191 = tpu.memref_slice %arg3[%add3A, %add3A_188, %dma_wait3A_189, %dma_wait3A_190] : memref<32x80x2x128xi32, #tpu.memory_space<hbm>> -> memref<1x1x2x128xi32, #tpu.memory_space<hbm>>
        %dma_wait3A_192 = tpu.memref_squeeze %dma_wait3A_191 : memref<1x1x2x128xi32, #tpu.memory_space<hbm>> -> memref<2x128xi32, #tpu.memory_space<hbm>>
        %dma_wait3A_193 = arith.constant 0 : i32
        %dma_wait3A_194 = arith.constant 0 : i32
        %dma_wait3A_195 = tpu.memref_slice %arg3[%add3A, %add3A_188, %dma_wait3A_193, %dma_wait3A_194] : memref<32x80x2x128xi32, #tpu.memory_space<hbm>> -> memref<1x1x2x128xi32, #tpu.memory_space<hbm>>
        %dma_wait3A_196 = tpu.memref_squeeze %dma_wait3A_195 : memref<1x1x2x128xi32, #tpu.memory_space<hbm>> -> memref<2x128xi32, #tpu.memory_space<hbm>>
        tpu.wait_dma2 semaphore(%arg15 : memref<!tpu.dma_semaphore, #tpu.memory_space<semaphore_mem>>) src(%dma_wait3A_196 : memref<2x128xi32, #tpu.memory_space<hbm>>) dst(%arg9 : memref<2x128xi32, #tpu.memory_space<vmem>>)
        %dma_start3A_197 = arith.constant 0 : i32
        %dma_start3A_198 = arith.constant 0 : i32
        %dma_start3A_199 = tpu.memref_slice %arg9[%dma_start3A_197, %dma_start3A_198] : memref<2x128xi32, #tpu.memory_space<vmem>> -> memref<1x128xi32, #tpu.memory_space<vmem>>
        %dma_start3A_200 = tpu.memref_squeeze %dma_start3A_199 : memref<1x128xi32, #tpu.memory_space<vmem>> -> memref<128xi32, #tpu.memory_space<vmem>>
        %dma_start3A_201 = arith.constant 0 : i32
        %dma_start3A_202 = arith.constant 0 : i32
        %dma_start3A_203 = tpu.memref_slice %arg2[%dma_start3A_201, %dma_start3A_202] : memref<10000x128xf32, #tpu.memory_space<hbm>> -> memref<10000x128xf32, #tpu.memory_space<hbm>>
        tpu.enqueue_indirect_dma source(%dma_start3A_203 : memref<10000x128xf32, #tpu.memory_space<hbm>>) target(%arg11 : memref<128x128xf32, #tpu.memory_space<vmem>>) offsets(%dma_start3A_200 : memref<128xi32, #tpu.memory_space<vmem>>) semaphore(%arg17 : memref<!tpu.dma_semaphore, #tpu.memory_space<semaphore_mem>>)
      } else {
      }
      %mul3A_109 = arith.constant 4 : i32
      %mul3A_110 = arith.muli %scan3A_84, %mul3A_109 : i32
      %add3A_111 = arith.constant 1 : i32
      %add3A_112 = arith.addi %mul3A_110, %add3A_111 : i32
      %dma_wait3A_113 = arith.constant 0 : i32
      %dma_wait3A_114 = arith.constant 0 : i32
      %dma_wait3A_115 = tpu.memref_slice %arg8[%dma_wait3A_113, %dma_wait3A_114] : memref<2x128xi32, #tpu.memory_space<vmem>> -> memref<1x128xi32, #tpu.memory_space<vmem>>
      %dma_wait3A_116 = tpu.memref_squeeze %dma_wait3A_115 : memref<1x128xi32, #tpu.memory_space<vmem>> -> memref<128xi32, #tpu.memory_space<vmem>>
      %dma_wait3A_117 = arith.constant 0 : i32
      %dma_wait3A_118 = arith.constant 0 : i32
      %dma_wait3A_119 = tpu.memref_slice %arg2[%dma_wait3A_117, %dma_wait3A_118] : memref<10000x128xf32, #tpu.memory_space<hbm>> -> memref<10000x128xf32, #tpu.memory_space<hbm>>
      tpu.wait_indirect_dma semaphore(%arg18 : memref<!tpu.dma_semaphore, #tpu.memory_space<semaphore_mem>>) src(%dma_wait3A_119 : memref<10000x128xf32, #tpu.memory_space<hbm>>) dst(%arg12 : memref<128x128xf32, #tpu.memory_space<vmem>>)
      %run_scoped3A_120 = arith.constant 1 : i32
      "tpu.region"() ({
        %run_scoped3A_187 = tpu.sem_alloc : memref<!tpu.dma_semaphore, #tpu.memory_space<semaphore_mem>>
        %dma_start3A_188 = arith.constant 0 : i32
        %dma_start3A_189 = tpu.memref_slice %arg8[%run_scoped3A_120, %dma_start3A_188] : memref<2x128xi32, #tpu.memory_space<vmem>> -> memref<1x128xi32, #tpu.memory_space<vmem>>
        %dma_start3A_190 = tpu.memref_squeeze %dma_start3A_189 : memref<1x128xi32, #tpu.memory_space<vmem>> -> memref<128xi32, #tpu.memory_space<vmem>>
        %dma_start3A_191 = arith.constant 0 : i32
        %dma_start3A_192 = arith.constant 0 : i32
        %dma_start3A_193 = tpu.memref_slice %arg6[%dma_start3A_191, %dma_start3A_192] : memref<10112x128xf32, #tpu.memory_space<vmem_shared>> -> memref<10112x128xf32, #tpu.memory_space<vmem_shared>>
        tpu.enqueue_indirect_dma source(%arg12 : memref<128x128xf32, #tpu.memory_space<vmem>>) target(%dma_start3A_193 : memref<10112x128xf32, #tpu.memory_space<vmem_shared>>) offsets(%dma_start3A_190 : memref<128xi32, #tpu.memory_space<vmem>>) semaphore(%run_scoped3A_187 : memref<!tpu.dma_semaphore, #tpu.memory_space<semaphore_mem>>) {add = true}
        %dma_wait3A_194 = arith.constant 0 : i32
        %dma_wait3A_195 = tpu.memref_slice %arg8[%run_scoped3A_120, %dma_wait3A_194] : memref<2x128xi32, #tpu.memory_space<vmem>> -> memref<1x128xi32, #tpu.memory_space<vmem>>
        %dma_wait3A_196 = tpu.memref_squeeze %dma_wait3A_195 : memref<1x128xi32, #tpu.memory_space<vmem>> -> memref<128xi32, #tpu.memory_space<vmem>>
        %dma_wait3A_197 = arith.constant 0 : i32
        %dma_wait3A_198 = arith.constant 0 : i32
        %dma_wait3A_199 = tpu.memref_slice %arg6[%dma_wait3A_197, %dma_wait3A_198] : memref<10112x128xf32, #tpu.memory_space<vmem_shared>> -> memref<10112x128xf32, #tpu.memory_space<vmem_shared>>
        tpu.wait_indirect_dma semaphore(%run_scoped3A_187 : memref<!tpu.dma_semaphore, #tpu.memory_space<semaphore_mem>>) src(%arg12 : memref<128x128xf32, #tpu.memory_space<vmem>>) dst(%dma_wait3A_199 : memref<10112x128xf32, #tpu.memory_space<vmem_shared>>)
        tpu.yield
      }) : () -> ()
      %add3A_121 = arith.constant 4 : i32
      %add3A_122 = arith.addi %add3A_112, %add3A_121 : i32
      %lt3A_123 = arith.constant 80 : i32
      %lt3A_124 = arith.cmpi slt, %add3A_122, %lt3A_123 : i32
      %convert_element_type3A_125 = arith.extui %lt3A_124 : i1 to i32
      %cond3A_126 = arith.constant 0 : i32
      %cond3A_127 = arith.cmpi ne, %convert_element_type3A_125, %cond3A_126 : i32
      scf.if %cond3A_127 {
        %add3A_187 = arith.constant 4 : i32
        %add3A_188 = arith.addi %add3A_112, %add3A_187 : i32
        %dma_start3A_189 = arith.constant 0 : i32
        %dma_start3A_190 = arith.constant 0 : i32
        %dma_start3A_191 = tpu.memref_slice %arg3[%add3A, %add3A_188, %dma_start3A_189, %dma_start3A_190] : memref<32x80x2x128xi32, #tpu.memory_space<hbm>> -> memref<1x1x2x128xi32, #tpu.memory_space<hbm>>
        %dma_start3A_192 = tpu.memref_squeeze %dma_start3A_191 : memref<1x1x2x128xi32, #tpu.memory_space<hbm>> -> memref<2x128xi32, #tpu.memory_space<hbm>>
        %dma_start3A_193 = arith.constant 0 : i32
        %dma_start3A_194 = arith.constant 0 : i32
        %dma_start3A_195 = tpu.memref_slice %arg3[%add3A, %add3A_188, %dma_start3A_193, %dma_start3A_194] : memref<32x80x2x128xi32, #tpu.memory_space<hbm>> -> memref<1x1x2x128xi32, #tpu.memory_space<hbm>>
        %dma_start3A_196 = tpu.memref_squeeze %dma_start3A_195 : memref<1x1x2x128xi32, #tpu.memory_space<hbm>> -> memref<2x128xi32, #tpu.memory_space<hbm>>
        tpu.enqueue_dma source(%dma_start3A_196 : memref<2x128xi32, #tpu.memory_space<hbm>>) target(%arg8 : memref<2x128xi32, #tpu.memory_space<vmem>>) target_semaphore(%arg14 : memref<!tpu.dma_semaphore, #tpu.memory_space<semaphore_mem>>)
      } else {
      }
      %add3A_128 = arith.constant 2 : i32
      %add3A_129 = arith.addi %add3A_112, %add3A_128 : i32
      %lt3A_130 = arith.constant 80 : i32
      %lt3A_131 = arith.cmpi slt, %add3A_129, %lt3A_130 : i32
      %convert_element_type3A_132 = arith.extui %lt3A_131 : i1 to i32
      %cond3A_133 = arith.constant 0 : i32
      %cond3A_134 = arith.cmpi ne, %convert_element_type3A_132, %cond3A_133 : i32
      scf.if %cond3A_134 {
        %add3A_187 = arith.constant 2 : i32
        %add3A_188 = arith.addi %add3A_112, %add3A_187 : i32
        %dma_wait3A_189 = arith.constant 0 : i32
        %dma_wait3A_190 = arith.constant 0 : i32
        %dma_wait3A_191 = tpu.memref_slice %arg3[%add3A, %add3A_188, %dma_wait3A_189, %dma_wait3A_190] : memref<32x80x2x128xi32, #tpu.memory_space<hbm>> -> memref<1x1x2x128xi32, #tpu.memory_space<hbm>>
        %dma_wait3A_192 = tpu.memref_squeeze %dma_wait3A_191 : memref<1x1x2x128xi32, #tpu.memory_space<hbm>> -> memref<2x128xi32, #tpu.memory_space<hbm>>
        %dma_wait3A_193 = arith.constant 0 : i32
        %dma_wait3A_194 = arith.constant 0 : i32
        %dma_wait3A_195 = tpu.memref_slice %arg3[%add3A, %add3A_188, %dma_wait3A_193, %dma_wait3A_194] : memref<32x80x2x128xi32, #tpu.memory_space<hbm>> -> memref<1x1x2x128xi32, #tpu.memory_space<hbm>>
        %dma_wait3A_196 = tpu.memref_squeeze %dma_wait3A_195 : memref<1x1x2x128xi32, #tpu.memory_space<hbm>> -> memref<2x128xi32, #tpu.memory_space<hbm>>
        tpu.wait_dma2 semaphore(%arg16 : memref<!tpu.dma_semaphore, #tpu.memory_space<semaphore_mem>>) src(%dma_wait3A_196 : memref<2x128xi32, #tpu.memory_space<hbm>>) dst(%arg10 : memref<2x128xi32, #tpu.memory_space<vmem>>)
        %dma_start3A_197 = arith.constant 0 : i32
        %dma_start3A_198 = arith.constant 0 : i32
        %dma_start3A_199 = tpu.memref_slice %arg10[%dma_start3A_197, %dma_start3A_198] : memref<2x128xi32, #tpu.memory_space<vmem>> -> memref<1x128xi32, #tpu.memory_space<vmem>>
        %dma_start3A_200 = tpu.memref_squeeze %dma_start3A_199 : memref<1x128xi32, #tpu.memory_space<vmem>> -> memref<128xi32, #tpu.memory_space<vmem>>
        %dma_start3A_201 = arith.constant 0 : i32
        %dma_start3A_202 = arith.constant 0 : i32
        %dma_start3A_203 = tpu.memref_slice %arg2[%dma_start3A_201, %dma_start3A_202] : memref<10000x128xf32, #tpu.memory_space<hbm>> -> memref<10000x128xf32, #tpu.memory_space<hbm>>
        tpu.enqueue_indirect_dma source(%dma_start3A_203 : memref<10000x128xf32, #tpu.memory_space<hbm>>) target(%arg12 : memref<128x128xf32, #tpu.memory_space<vmem>>) offsets(%dma_start3A_200 : memref<128xi32, #tpu.memory_space<vmem>>) semaphore(%arg18 : memref<!tpu.dma_semaphore, #tpu.memory_space<semaphore_mem>>)
      } else {
      }
      %mul3A_135 = arith.constant 4 : i32
      %mul3A_136 = arith.muli %scan3A_84, %mul3A_135 : i32
      %add3A_137 = arith.constant 2 : i32
      %add3A_138 = arith.addi %mul3A_136, %add3A_137 : i32
      %dma_wait3A_139 = arith.constant 0 : i32
      %dma_wait3A_140 = arith.constant 0 : i32
      %dma_wait3A_141 = tpu.memref_slice %arg9[%dma_wait3A_139, %dma_wait3A_140] : memref<2x128xi32, #tpu.memory_space<vmem>> -> memref<1x128xi32, #tpu.memory_space<vmem>>
      %dma_wait3A_142 = tpu.memref_squeeze %dma_wait3A_141 : memref<1x128xi32, #tpu.memory_space<vmem>> -> memref<128xi32, #tpu.memory_space<vmem>>
      %dma_wait3A_143 = arith.constant 0 : i32
      %dma_wait3A_144 = arith.constant 0 : i32
      %dma_wait3A_145 = tpu.memref_slice %arg2[%dma_wait3A_143, %dma_wait3A_144] : memref<10000x128xf32, #tpu.memory_space<hbm>> -> memref<10000x128xf32, #tpu.memory_space<hbm>>
      tpu.wait_indirect_dma semaphore(%arg17 : memref<!tpu.dma_semaphore, #tpu.memory_space<semaphore_mem>>) src(%dma_wait3A_145 : memref<10000x128xf32, #tpu.memory_space<hbm>>) dst(%arg11 : memref<128x128xf32, #tpu.memory_space<vmem>>)
      %run_scoped3A_146 = arith.constant 1 : i32
      "tpu.region"() ({
        %run_scoped3A_187 = tpu.sem_alloc : memref<!tpu.dma_semaphore, #tpu.memory_space<semaphore_mem>>
        %dma_start3A_188 = arith.constant 0 : i32
        %dma_start3A_189 = tpu.memref_slice %arg9[%run_scoped3A_146, %dma_start3A_188] : memref<2x128xi32, #tpu.memory_space<vmem>> -> memref<1x128xi32, #tpu.memory_space<vmem>>
        %dma_start3A_190 = tpu.memref_squeeze %dma_start3A_189 : memref<1x128xi32, #tpu.memory_space<vmem>> -> memref<128xi32, #tpu.memory_space<vmem>>
        %dma_start3A_191 = arith.constant 0 : i32
        %dma_start3A_192 = arith.constant 0 : i32
        %dma_start3A_193 = tpu.memref_slice %arg6[%dma_start3A_191, %dma_start3A_192] : memref<10112x128xf32, #tpu.memory_space<vmem_shared>> -> memref<10112x128xf32, #tpu.memory_space<vmem_shared>>
        tpu.enqueue_indirect_dma source(%arg11 : memref<128x128xf32, #tpu.memory_space<vmem>>) target(%dma_start3A_193 : memref<10112x128xf32, #tpu.memory_space<vmem_shared>>) offsets(%dma_start3A_190 : memref<128xi32, #tpu.memory_space<vmem>>) semaphore(%run_scoped3A_187 : memref<!tpu.dma_semaphore, #tpu.memory_space<semaphore_mem>>) {add = true}
        %dma_wait3A_194 = arith.constant 0 : i32
        %dma_wait3A_195 = tpu.memref_slice %arg9[%run_scoped3A_146, %dma_wait3A_194] : memref<2x128xi32, #tpu.memory_space<vmem>> -> memref<1x128xi32, #tpu.memory_space<vmem>>
        %dma_wait3A_196 = tpu.memref_squeeze %dma_wait3A_195 : memref<1x128xi32, #tpu.memory_space<vmem>> -> memref<128xi32, #tpu.memory_space<vmem>>
        %dma_wait3A_197 = arith.constant 0 : i32
        %dma_wait3A_198 = arith.constant 0 : i32
        %dma_wait3A_199 = tpu.memref_slice %arg6[%dma_wait3A_197, %dma_wait3A_198] : memref<10112x128xf32, #tpu.memory_space<vmem_shared>> -> memref<10112x128xf32, #tpu.memory_space<vmem_shared>>
        tpu.wait_indirect_dma semaphore(%run_scoped3A_187 : memref<!tpu.dma_semaphore, #tpu.memory_space<semaphore_mem>>) src(%arg11 : memref<128x128xf32, #tpu.memory_space<vmem>>) dst(%dma_wait3A_199 : memref<10112x128xf32, #tpu.memory_space<vmem_shared>>)
        tpu.yield
      }) : () -> ()
      %add3A_147 = arith.constant 4 : i32
      %add3A_148 = arith.addi %add3A_138, %add3A_147 : i32
      %lt3A_149 = arith.constant 80 : i32
      %lt3A_150 = arith.cmpi slt, %add3A_148, %lt3A_149 : i32
      %convert_element_type3A_151 = arith.extui %lt3A_150 : i1 to i32
      %cond3A_152 = arith.constant 0 : i32
      %cond3A_153 = arith.cmpi ne, %convert_element_type3A_151, %cond3A_152 : i32
      scf.if %cond3A_153 {
        %add3A_187 = arith.constant 4 : i32
        %add3A_188 = arith.addi %add3A_138, %add3A_187 : i32
        %dma_start3A_189 = arith.constant 0 : i32
        %dma_start3A_190 = arith.constant 0 : i32
        %dma_start3A_191 = tpu.memref_slice %arg3[%add3A, %add3A_188, %dma_start3A_189, %dma_start3A_190] : memref<32x80x2x128xi32, #tpu.memory_space<hbm>> -> memref<1x1x2x128xi32, #tpu.memory_space<hbm>>
        %dma_start3A_192 = tpu.memref_squeeze %dma_start3A_191 : memref<1x1x2x128xi32, #tpu.memory_space<hbm>> -> memref<2x128xi32, #tpu.memory_space<hbm>>
        %dma_start3A_193 = arith.constant 0 : i32
        %dma_start3A_194 = arith.constant 0 : i32
        %dma_start3A_195 = tpu.memref_slice %arg3[%add3A, %add3A_188, %dma_start3A_193, %dma_start3A_194] : memref<32x80x2x128xi32, #tpu.memory_space<hbm>> -> memref<1x1x2x128xi32, #tpu.memory_space<hbm>>
        %dma_start3A_196 = tpu.memref_squeeze %dma_start3A_195 : memref<1x1x2x128xi32, #tpu.memory_space<hbm>> -> memref<2x128xi32, #tpu.memory_space<hbm>>
        tpu.enqueue_dma source(%dma_start3A_196 : memref<2x128xi32, #tpu.memory_space<hbm>>) target(%arg9 : memref<2x128xi32, #tpu.memory_space<vmem>>) target_semaphore(%arg15 : memref<!tpu.dma_semaphore, #tpu.memory_space<semaphore_mem>>)
      } else {
      }
      %add3A_154 = arith.constant 2 : i32
      %add3A_155 = arith.addi %add3A_138, %add3A_154 : i32
      %lt3A_156 = arith.constant 80 : i32
      %lt3A_157 = arith.cmpi slt, %add3A_155, %lt3A_156 : i32
      %convert_element_type3A_158 = arith.extui %lt3A_157 : i1 to i32
      %cond3A_159 = arith.constant 0 : i32
      %cond3A_160 = arith.cmpi ne, %convert_element_type3A_158, %cond3A_159 : i32
      scf.if %cond3A_160 {
        %add3A_187 = arith.constant 2 : i32
        %add3A_188 = arith.addi %add3A_138, %add3A_187 : i32
        %dma_wait3A_189 = arith.constant 0 : i32
        %dma_wait3A_190 = arith.constant 0 : i32
        %dma_wait3A_191 = tpu.memref_slice %arg3[%add3A, %add3A_188, %dma_wait3A_189, %dma_wait3A_190] : memref<32x80x2x128xi32, #tpu.memory_space<hbm>> -> memref<1x1x2x128xi32, #tpu.memory_space<hbm>>
        %dma_wait3A_192 = tpu.memref_squeeze %dma_wait3A_191 : memref<1x1x2x128xi32, #tpu.memory_space<hbm>> -> memref<2x128xi32, #tpu.memory_space<hbm>>
        %dma_wait3A_193 = arith.constant 0 : i32
        %dma_wait3A_194 = arith.constant 0 : i32
        %dma_wait3A_195 = tpu.memref_slice %arg3[%add3A, %add3A_188, %dma_wait3A_193, %dma_wait3A_194] : memref<32x80x2x128xi32, #tpu.memory_space<hbm>> -> memref<1x1x2x128xi32, #tpu.memory_space<hbm>>
        %dma_wait3A_196 = tpu.memref_squeeze %dma_wait3A_195 : memref<1x1x2x128xi32, #tpu.memory_space<hbm>> -> memref<2x128xi32, #tpu.memory_space<hbm>>
        tpu.wait_dma2 semaphore(%arg13 : memref<!tpu.dma_semaphore, #tpu.memory_space<semaphore_mem>>) src(%dma_wait3A_196 : memref<2x128xi32, #tpu.memory_space<hbm>>) dst(%arg7 : memref<2x128xi32, #tpu.memory_space<vmem>>)
        %dma_start3A_197 = arith.constant 0 : i32
        %dma_start3A_198 = arith.constant 0 : i32
        %dma_start3A_199 = tpu.memref_slice %arg7[%dma_start3A_197, %dma_start3A_198] : memref<2x128xi32, #tpu.memory_space<vmem>> -> memref<1x128xi32, #tpu.memory_space<vmem>>
        %dma_start3A_200 = tpu.memref_squeeze %dma_start3A_199 : memref<1x128xi32, #tpu.memory_space<vmem>> -> memref<128xi32, #tpu.memory_space<vmem>>
        %dma_start3A_201 = arith.constant 0 : i32
        %dma_start3A_202 = arith.constant 0 : i32
        %dma_start3A_203 = tpu.memref_slice %arg2[%dma_start3A_201, %dma_start3A_202] : memref<10000x128xf32, #tpu.memory_space<hbm>> -> memref<10000x128xf32, #tpu.memory_space<hbm>>
        tpu.enqueue_indirect_dma source(%dma_start3A_203 : memref<10000x128xf32, #tpu.memory_space<hbm>>) target(%arg11 : memref<128x128xf32, #tpu.memory_space<vmem>>) offsets(%dma_start3A_200 : memref<128xi32, #tpu.memory_space<vmem>>) semaphore(%arg17 : memref<!tpu.dma_semaphore, #tpu.memory_space<semaphore_mem>>)
      } else {
      }
      %mul3A_161 = arith.constant 4 : i32
      %mul3A_162 = arith.muli %scan3A_84, %mul3A_161 : i32
      %add3A_163 = arith.constant 3 : i32
      %add3A_164 = arith.addi %mul3A_162, %add3A_163 : i32
      %dma_wait3A_165 = arith.constant 0 : i32
      %dma_wait3A_166 = arith.constant 0 : i32
      %dma_wait3A_167 = tpu.memref_slice %arg10[%dma_wait3A_165, %dma_wait3A_166] : memref<2x128xi32, #tpu.memory_space<vmem>> -> memref<1x128xi32, #tpu.memory_space<vmem>>
      %dma_wait3A_168 = tpu.memref_squeeze %dma_wait3A_167 : memref<1x128xi32, #tpu.memory_space<vmem>> -> memref<128xi32, #tpu.memory_space<vmem>>
      %dma_wait3A_169 = arith.constant 0 : i32
      %dma_wait3A_170 = arith.constant 0 : i32
      %dma_wait3A_171 = tpu.memref_slice %arg2[%dma_wait3A_169, %dma_wait3A_170] : memref<10000x128xf32, #tpu.memory_space<hbm>> -> memref<10000x128xf32, #tpu.memory_space<hbm>>
      tpu.wait_indirect_dma semaphore(%arg18 : memref<!tpu.dma_semaphore, #tpu.memory_space<semaphore_mem>>) src(%dma_wait3A_171 : memref<10000x128xf32, #tpu.memory_space<hbm>>) dst(%arg12 : memref<128x128xf32, #tpu.memory_space<vmem>>)
      %run_scoped3A_172 = arith.constant 1 : i32
      "tpu.region"() ({
        %run_scoped3A_187 = tpu.sem_alloc : memref<!tpu.dma_semaphore, #tpu.memory_space<semaphore_mem>>
        %dma_start3A_188 = arith.constant 0 : i32
        %dma_start3A_189 = tpu.memref_slice %arg10[%run_scoped3A_172, %dma_start3A_188] : memref<2x128xi32, #tpu.memory_space<vmem>> -> memref<1x128xi32, #tpu.memory_space<vmem>>
        %dma_start3A_190 = tpu.memref_squeeze %dma_start3A_189 : memref<1x128xi32, #tpu.memory_space<vmem>> -> memref<128xi32, #tpu.memory_space<vmem>>
        %dma_start3A_191 = arith.constant 0 : i32
        %dma_start3A_192 = arith.constant 0 : i32
        %dma_start3A_193 = tpu.memref_slice %arg6[%dma_start3A_191, %dma_start3A_192] : memref<10112x128xf32, #tpu.memory_space<vmem_shared>> -> memref<10112x128xf32, #tpu.memory_space<vmem_shared>>
        tpu.enqueue_indirect_dma source(%arg12 : memref<128x128xf32, #tpu.memory_space<vmem>>) target(%dma_start3A_193 : memref<10112x128xf32, #tpu.memory_space<vmem_shared>>) offsets(%dma_start3A_190 : memref<128xi32, #tpu.memory_space<vmem>>) semaphore(%run_scoped3A_187 : memref<!tpu.dma_semaphore, #tpu.memory_space<semaphore_mem>>) {add = true}
        %dma_wait3A_194 = arith.constant 0 : i32
        %dma_wait3A_195 = tpu.memref_slice %arg10[%run_scoped3A_172, %dma_wait3A_194] : memref<2x128xi32, #tpu.memory_space<vmem>> -> memref<1x128xi32, #tpu.memory_space<vmem>>
        %dma_wait3A_196 = tpu.memref_squeeze %dma_wait3A_195 : memref<1x128xi32, #tpu.memory_space<vmem>> -> memref<128xi32, #tpu.memory_space<vmem>>
        %dma_wait3A_197 = arith.constant 0 : i32
        %dma_wait3A_198 = arith.constant 0 : i32
        %dma_wait3A_199 = tpu.memref_slice %arg6[%dma_wait3A_197, %dma_wait3A_198] : memref<10112x128xf32, #tpu.memory_space<vmem_shared>> -> memref<10112x128xf32, #tpu.memory_space<vmem_shared>>
        tpu.wait_indirect_dma semaphore(%run_scoped3A_187 : memref<!tpu.dma_semaphore, #tpu.memory_space<semaphore_mem>>) src(%arg12 : memref<128x128xf32, #tpu.memory_space<vmem>>) dst(%dma_wait3A_199 : memref<10112x128xf32, #tpu.memory_space<vmem_shared>>)
        tpu.yield
      }) : () -> ()
      %add3A_173 = arith.constant 4 : i32
      %add3A_174 = arith.addi %add3A_164, %add3A_173 : i32
      %lt3A_175 = arith.constant 80 : i32
      %lt3A_176 = arith.cmpi slt, %add3A_174, %lt3A_175 : i32
      %convert_element_type3A_177 = arith.extui %lt3A_176 : i1 to i32
      %cond3A_178 = arith.constant 0 : i32
      %cond3A_179 = arith.cmpi ne, %convert_element_type3A_177, %cond3A_178 : i32
      scf.if %cond3A_179 {
        %add3A_187 = arith.constant 4 : i32
        %add3A_188 = arith.addi %add3A_164, %add3A_187 : i32
        %dma_start3A_189 = arith.constant 0 : i32
        %dma_start3A_190 = arith.constant 0 : i32
        %dma_start3A_191 = tpu.memref_slice %arg3[%add3A, %add3A_188, %dma_start3A_189, %dma_start3A_190] : memref<32x80x2x128xi32, #tpu.memory_space<hbm>> -> memref<1x1x2x128xi32, #tpu.memory_space<hbm>>
        %dma_start3A_192 = tpu.memref_squeeze %dma_start3A_191 : memref<1x1x2x128xi32, #tpu.memory_space<hbm>> -> memref<2x128xi32, #tpu.memory_space<hbm>>
        %dma_start3A_193 = arith.constant 0 : i32
        %dma_start3A_194 = arith.constant 0 : i32
        %dma_start3A_195 = tpu.memref_slice %arg3[%add3A, %add3A_188, %dma_start3A_193, %dma_start3A_194] : memref<32x80x2x128xi32, #tpu.memory_space<hbm>> -> memref<1x1x2x128xi32, #tpu.memory_space<hbm>>
        %dma_start3A_196 = tpu.memref_squeeze %dma_start3A_195 : memref<1x1x2x128xi32, #tpu.memory_space<hbm>> -> memref<2x128xi32, #tpu.memory_space<hbm>>
        tpu.enqueue_dma source(%dma_start3A_196 : memref<2x128xi32, #tpu.memory_space<hbm>>) target(%arg10 : memref<2x128xi32, #tpu.memory_space<vmem>>) target_semaphore(%arg16 : memref<!tpu.dma_semaphore, #tpu.memory_space<semaphore_mem>>)
      } else {
      }
      %add3A_180 = arith.constant 2 : i32
      %add3A_181 = arith.addi %add3A_164, %add3A_180 : i32
      %lt3A_182 = arith.constant 80 : i32
      %lt3A_183 = arith.cmpi slt, %add3A_181, %lt3A_182 : i32
      %convert_element_type3A_184 = arith.extui %lt3A_183 : i1 to i32
      %cond3A_185 = arith.constant 0 : i32
      %cond3A_186 = arith.cmpi ne, %convert_element_type3A_184, %cond3A_185 : i32
      scf.if %cond3A_186 {
        %add3A_187 = arith.constant 2 : i32
        %add3A_188 = arith.addi %add3A_164, %add3A_187 : i32
        %dma_wait3A_189 = arith.constant 0 : i32
        %dma_wait3A_190 = arith.constant 0 : i32
        %dma_wait3A_191 = tpu.memref_slice %arg3[%add3A, %add3A_188, %dma_wait3A_189, %dma_wait3A_190] : memref<32x80x2x128xi32, #tpu.memory_space<hbm>> -> memref<1x1x2x128xi32, #tpu.memory_space<hbm>>
        %dma_wait3A_192 = tpu.memref_squeeze %dma_wait3A_191 : memref<1x1x2x128xi32, #tpu.memory_space<hbm>> -> memref<2x128xi32, #tpu.memory_space<hbm>>
        %dma_wait3A_193 = arith.constant 0 : i32
        %dma_wait3A_194 = arith.constant 0 : i32
        %dma_wait3A_195 = tpu.memref_slice %arg3[%add3A, %add3A_188, %dma_wait3A_193, %dma_wait3A_194] : memref<32x80x2x128xi32, #tpu.memory_space<hbm>> -> memref<1x1x2x128xi32, #tpu.memory_space<hbm>>
        %dma_wait3A_196 = tpu.memref_squeeze %dma_wait3A_195 : memref<1x1x2x128xi32, #tpu.memory_space<hbm>> -> memref<2x128xi32, #tpu.memory_space<hbm>>
        tpu.wait_dma2 semaphore(%arg14 : memref<!tpu.dma_semaphore, #tpu.memory_space<semaphore_mem>>) src(%dma_wait3A_196 : memref<2x128xi32, #tpu.memory_space<hbm>>) dst(%arg8 : memref<2x128xi32, #tpu.memory_space<vmem>>)
        %dma_start3A_197 = arith.constant 0 : i32
        %dma_start3A_198 = arith.constant 0 : i32
        %dma_start3A_199 = tpu.memref_slice %arg8[%dma_start3A_197, %dma_start3A_198] : memref<2x128xi32, #tpu.memory_space<vmem>> -> memref<1x128xi32, #tpu.memory_space<vmem>>
        %dma_start3A_200 = tpu.memref_squeeze %dma_start3A_199 : memref<1x128xi32, #tpu.memory_space<vmem>> -> memref<128xi32, #tpu.memory_space<vmem>>
        %dma_start3A_201 = arith.constant 0 : i32
        %dma_start3A_202 = arith.constant 0 : i32
        %dma_start3A_203 = tpu.memref_slice %arg2[%dma_start3A_201, %dma_start3A_202] : memref<10000x128xf32, #tpu.memory_space<hbm>> -> memref<10000x128xf32, #tpu.memory_space<hbm>>
        tpu.enqueue_indirect_dma source(%dma_start3A_203 : memref<10000x128xf32, #tpu.memory_space<hbm>>) target(%arg12 : memref<128x128xf32, #tpu.memory_space<vmem>>) offsets(%dma_start3A_200 : memref<128xi32, #tpu.memory_space<vmem>>) semaphore(%arg18 : memref<!tpu.dma_semaphore, #tpu.memory_space<semaphore_mem>>)
      } else {
      }
    }
    %scan3A_77 = arith.constant 20 : i32
    %barrier3A_78 = arith.constant 0 : index
    tpu.barrier barrier_id(%barrier3A_78)
    %mul3A_79 = arith.constant 624 : i32
    %mul3A_80 = arith.muli %arg1, %mul3A_79 : i32
    %multiple_of3A_81 = tpu.assume_multiple %mul3A_80, 8 : i32
    "tpu.region"() ({
      %run_scoped3A = tpu.sem_alloc : memref<!tpu.dma_semaphore, #tpu.memory_space<semaphore_mem>>
      %dma_start3A_84 = arith.constant 0 : i32
      %dma_start3A_85 = tpu.memref_slice %arg5[%arg0, %multiple_of3A_81, %dma_start3A_84] : memref<2x10000x128xf32, #tpu.memory_space<hbm>> -> memref<1x624x128xf32, #tpu.memory_space<hbm>>
      %dma_start3A_86 = tpu.memref_squeeze %dma_start3A_85 : memref<1x624x128xf32, #tpu.memory_space<hbm>> -> memref<624x128xf32, #tpu.memory_space<hbm>>
      %dma_start3A_87 = arith.constant 0 : i32
      %dma_start3A_88 = tpu.memref_slice %arg6[%multiple_of3A_81, %dma_start3A_87] : memref<10112x128xf32, #tpu.memory_space<vmem_shared>> -> memref<624x128xf32, #tpu.memory_space<vmem_shared>>
      tpu.enqueue_dma source(%dma_start3A_88 : memref<624x128xf32, #tpu.memory_space<vmem_shared>>) target(%dma_start3A_86 : memref<624x128xf32, #tpu.memory_space<hbm>>) target_semaphore(%run_scoped3A : memref<!tpu.dma_semaphore, #tpu.memory_space<semaphore_mem>>)
      %dma_wait3A_89 = arith.constant 0 : i32
      %dma_wait3A_90 = tpu.memref_slice %arg5[%arg0, %multiple_of3A_81, %dma_wait3A_89] : memref<2x10000x128xf32, #tpu.memory_space<hbm>> -> memref<1x624x128xf32, #tpu.memory_space<hbm>>
      %dma_wait3A_91 = tpu.memref_squeeze %dma_wait3A_90 : memref<1x624x128xf32, #tpu.memory_space<hbm>> -> memref<624x128xf32, #tpu.memory_space<hbm>>
      %dma_wait3A_92 = arith.constant 0 : i32
      %dma_wait3A_93 = tpu.memref_slice %arg6[%multiple_of3A_81, %dma_wait3A_92] : memref<10112x128xf32, #tpu.memory_space<vmem_shared>> -> memref<624x128xf32, #tpu.memory_space<vmem_shared>>
      tpu.wait_dma2 semaphore(%run_scoped3A : memref<!tpu.dma_semaphore, #tpu.memory_space<semaphore_mem>>) src(%dma_wait3A_93 : memref<624x128xf32, #tpu.memory_space<vmem_shared>>) dst(%dma_wait3A_91 : memref<624x128xf32, #tpu.memory_space<hbm>>)
      tpu.yield
    }) : () -> ()
    %eq3A = arith.constant 0 : i32
    %eq3A_82 = arith.cmpi eq, %arg1, %eq3A : i32
    %convert_element_type3A = arith.extui %eq3A_82 : i1 to i32
    %cond3A = arith.constant 0 : i32
    %cond3A_83 = arith.cmpi ne, %convert_element_type3A, %cond3A : i32
    scf.if %cond3A_83 {
      "tpu.region"() ({
        %run_scoped3A = tpu.sem_alloc : memref<!tpu.dma_semaphore, #tpu.memory_space<semaphore_mem>>
        %dma_start3A_84 = arith.constant 9984 : i32
        %dma_start3A_85 = arith.constant 0 : i32
        %dma_start3A_86 = tpu.memref_slice %arg5[%arg0, %dma_start3A_84, %dma_start3A_85] : memref<2x10000x128xf32, #tpu.memory_space<hbm>> -> memref<1x16x128xf32, #tpu.memory_space<hbm>>
        %dma_start3A_87 = tpu.memref_squeeze %dma_start3A_86 : memref<1x16x128xf32, #tpu.memory_space<hbm>> -> memref<16x128xf32, #tpu.memory_space<hbm>>
        %dma_start3A_88 = arith.constant 9984 : i32
        %dma_start3A_89 = arith.constant 0 : i32
        %dma_start3A_90 = tpu.memref_slice %arg6[%dma_start3A_88, %dma_start3A_89] : memref<10112x128xf32, #tpu.memory_space<vmem_shared>> -> memref<16x128xf32, #tpu.memory_space<vmem_shared>>
        tpu.enqueue_dma source(%dma_start3A_90 : memref<16x128xf32, #tpu.memory_space<vmem_shared>>) target(%dma_start3A_87 : memref<16x128xf32, #tpu.memory_space<hbm>>) target_semaphore(%run_scoped3A : memref<!tpu.dma_semaphore, #tpu.memory_space<semaphore_mem>>)
        %dma_wait3A_91 = arith.constant 9984 : i32
        %dma_wait3A_92 = arith.constant 0 : i32
        %dma_wait3A_93 = tpu.memref_slice %arg5[%arg0, %dma_wait3A_91, %dma_wait3A_92] : memref<2x10000x128xf32, #tpu.memory_space<hbm>> -> memref<1x16x128xf32, #tpu.memory_space<hbm>>
        %dma_wait3A_94 = tpu.memref_squeeze %dma_wait3A_93 : memref<1x16x128xf32, #tpu.memory_space<hbm>> -> memref<16x128xf32, #tpu.memory_space<hbm>>
        %dma_wait3A_95 = arith.constant 9984 : i32
        %dma_wait3A_96 = arith.constant 0 : i32
        %dma_wait3A_97 = tpu.memref_slice %arg6[%dma_wait3A_95, %dma_wait3A_96] : memref<10112x128xf32, #tpu.memory_space<vmem_shared>> -> memref<16x128xf32, #tpu.memory_space<vmem_shared>>
        tpu.wait_dma2 semaphore(%run_scoped3A : memref<!tpu.dma_semaphore, #tpu.memory_space<semaphore_mem>>) src(%dma_wait3A_97 : memref<16x128xf32, #tpu.memory_space<vmem_shared>>) dst(%dma_wait3A_94 : memref<16x128xf32, #tpu.memory_space<hbm>>)
        tpu.yield
      }) : () -> ()
    } else {
    }
    return
  }
}

#map = affine_map<(d0, d1) -> (0, 0)>
#map1 = affine_map<(d0, d1) -> (0, 0, 0, 0)>
#map2 = affine_map<(d0, d1) -> (0, 0, 0)>
module attributes {stable_mosaic.version = 14 : i64} {
  func.func @_edge_scatter(%arg0: i32, %arg1: i32, %arg2: memref<12288x128xf32, #tpu.memory_space<hbm>>, %arg3: memref<32x80x2x128xi32, #tpu.memory_space<hbm>>, %arg4: memref<632x128xf32, #tpu.memory_space<hbm>>, %arg5: memref<2x10000x128xf32, #tpu.memory_space<hbm>>, %arg6: memref<10112x128xf32, #tpu.memory_space<vmem_shared>>, %arg7: memref<2x128xi32, #tpu.memory_space<vmem>>, %arg8: memref<2x128xi32, #tpu.memory_space<vmem>>, %arg9: memref<2x128xi32, #tpu.memory_space<vmem>>, %arg10: memref<2x128xi32, #tpu.memory_space<vmem>>, %arg11: memref<128x128xf32, #tpu.memory_space<vmem>>, %arg12: memref<128x128xf32, #tpu.memory_space<vmem>>, %arg13: memref<!tpu.dma_semaphore, #tpu.memory_space<semaphore_mem>>, %arg14: memref<!tpu.dma_semaphore, #tpu.memory_space<semaphore_mem>>, %arg15: memref<!tpu.dma_semaphore, #tpu.memory_space<semaphore_mem>>, %arg16: memref<!tpu.dma_semaphore, #tpu.memory_space<semaphore_mem>>, %arg17: memref<!tpu.dma_semaphore, #tpu.memory_space<semaphore_mem>>, %arg18: memref<!tpu.dma_semaphore, #tpu.memory_space<semaphore_mem>>, %arg19: memref<!tpu.dma_semaphore, #tpu.memory_space<semaphore_mem>>, %arg20: memref<!tpu.dma_semaphore, #tpu.memory_space<semaphore_mem>>) attributes {dimension_semantics = [#tpu.dimension_semantics<core_parallel>, #tpu.dimension_semantics<subcore_parallel>], iteration_bounds = array<i64: 2, 16>, scalar_prefetch = 0 : i64, scratch_operands = 15 : i64, tpu.core_type = #tpu.core_type<sc_vector_subcore>, window_params = [{transform_indices = #map}, {transform_indices = #map1}, {transform_indices = #map}, {transform_indices = #map2}]} {
    %mul3A = arith.constant 2 : i32
    %mul3A_0 = arith.muli %arg1, %mul3A : i32
    %add3A = arith.addi %mul3A_0, %arg0 : i32
    %mul3A_1 = arith.constant 632 : i32
    %mul3A_2 = arith.muli %arg1, %mul3A_1 : i32
    %multiple_of3A = tpu.assume_multiple %mul3A_2, 8 : i32
    %dma_start3A = arith.constant 0 : i32
    %dma_start3A_3 = tpu.memref_slice %arg6[%multiple_of3A, %dma_start3A] : memref<10112x128xf32, #tpu.memory_space<vmem_shared>> -> memref<632x128xf32, #tpu.memory_space<vmem_shared>>
    tpu.enqueue_dma source(%arg4 : memref<632x128xf32, #tpu.memory_space<hbm>>) target(%dma_start3A_3 : memref<632x128xf32, #tpu.memory_space<vmem_shared>>) target_semaphore(%arg20 : memref<!tpu.dma_semaphore, #tpu.memory_space<semaphore_mem>>)
    %dma_start3A_4 = arith.constant 0 : i32
    %dma_start3A_5 = arith.constant 0 : i32
    %dma_start3A_6 = arith.constant 0 : i32
    %dma_start3A_7 = tpu.memref_slice %arg3[%add3A, %dma_start3A_4, %dma_start3A_5, %dma_start3A_6] : memref<32x80x2x128xi32, #tpu.memory_space<hbm>> -> memref<1x1x2x128xi32, #tpu.memory_space<hbm>>
    %dma_start3A_8 = tpu.memref_squeeze %dma_start3A_7 : memref<1x1x2x128xi32, #tpu.memory_space<hbm>> -> memref<2x128xi32, #tpu.memory_space<hbm>>
    %dma_start3A_9 = arith.constant 0 : i32
    %dma_start3A_10 = arith.constant 0 : i32
    %dma_start3A_11 = tpu.memref_slice %arg3[%add3A, %dma_start3A_4, %dma_start3A_9, %dma_start3A_10] : memref<32x80x2x128xi32, #tpu.memory_space<hbm>> -> memref<1x1x2x128xi32, #tpu.memory_space<hbm>>
    %dma_start3A_12 = tpu.memref_squeeze %dma_start3A_11 : memref<1x1x2x128xi32, #tpu.memory_space<hbm>> -> memref<2x128xi32, #tpu.memory_space<hbm>>
    tpu.enqueue_dma source(%dma_start3A_12 : memref<2x128xi32, #tpu.memory_space<hbm>>) target(%arg7 : memref<2x128xi32, #tpu.memory_space<vmem>>) target_semaphore(%arg13 : memref<!tpu.dma_semaphore, #tpu.memory_space<semaphore_mem>>)
    %dma_start3A_13 = arith.constant 1 : i32
    %dma_start3A_14 = arith.constant 0 : i32
    %dma_start3A_15 = arith.constant 0 : i32
    %dma_start3A_16 = tpu.memref_slice %arg3[%add3A, %dma_start3A_13, %dma_start3A_14, %dma_start3A_15] : memref<32x80x2x128xi32, #tpu.memory_space<hbm>> -> memref<1x1x2x128xi32, #tpu.memory_space<hbm>>
    %dma_start3A_17 = tpu.memref_squeeze %dma_start3A_16 : memref<1x1x2x128xi32, #tpu.memory_space<hbm>> -> memref<2x128xi32, #tpu.memory_space<hbm>>
    %dma_start3A_18 = arith.constant 0 : i32
    %dma_start3A_19 = arith.constant 0 : i32
    %dma_start3A_20 = tpu.memref_slice %arg3[%add3A, %dma_start3A_13, %dma_start3A_18, %dma_start3A_19] : memref<32x80x2x128xi32, #tpu.memory_space<hbm>> -> memref<1x1x2x128xi32, #tpu.memory_space<hbm>>
    %dma_start3A_21 = tpu.memref_squeeze %dma_start3A_20 : memref<1x1x2x128xi32, #tpu.memory_space<hbm>> -> memref<2x128xi32, #tpu.memory_space<hbm>>
    tpu.enqueue_dma source(%dma_start3A_21 : memref<2x128xi32, #tpu.memory_space<hbm>>) target(%arg8 : memref<2x128xi32, #tpu.memory_space<vmem>>) target_semaphore(%arg14 : memref<!tpu.dma_semaphore, #tpu.memory_space<semaphore_mem>>)
    %dma_start3A_22 = arith.constant 2 : i32
    %dma_start3A_23 = arith.constant 0 : i32
    %dma_start3A_24 = arith.constant 0 : i32
    %dma_start3A_25 = tpu.memref_slice %arg3[%add3A, %dma_start3A_22, %dma_start3A_23, %dma_start3A_24] : memref<32x80x2x128xi32, #tpu.memory_space<hbm>> -> memref<1x1x2x128xi32, #tpu.memory_space<hbm>>
    %dma_start3A_26 = tpu.memref_squeeze %dma_start3A_25 : memref<1x1x2x128xi32, #tpu.memory_space<hbm>> -> memref<2x128xi32, #tpu.memory_space<hbm>>
    %dma_start3A_27 = arith.constant 0 : i32
    %dma_start3A_28 = arith.constant 0 : i32
    %dma_start3A_29 = tpu.memref_slice %arg3[%add3A, %dma_start3A_22, %dma_start3A_27, %dma_start3A_28] : memref<32x80x2x128xi32, #tpu.memory_space<hbm>> -> memref<1x1x2x128xi32, #tpu.memory_space<hbm>>
    %dma_start3A_30 = tpu.memref_squeeze %dma_start3A_29 : memref<1x1x2x128xi32, #tpu.memory_space<hbm>> -> memref<2x128xi32, #tpu.memory_space<hbm>>
    tpu.enqueue_dma source(%dma_start3A_30 : memref<2x128xi32, #tpu.memory_space<hbm>>) target(%arg9 : memref<2x128xi32, #tpu.memory_space<vmem>>) target_semaphore(%arg15 : memref<!tpu.dma_semaphore, #tpu.memory_space<semaphore_mem>>)
    %dma_start3A_31 = arith.constant 3 : i32
    %dma_start3A_32 = arith.constant 0 : i32
    %dma_start3A_33 = arith.constant 0 : i32
    %dma_start3A_34 = tpu.memref_slice %arg3[%add3A, %dma_start3A_31, %dma_start3A_32, %dma_start3A_33] : memref<32x80x2x128xi32, #tpu.memory_space<hbm>> -> memref<1x1x2x128xi32, #tpu.memory_space<hbm>>
    %dma_start3A_35 = tpu.memref_squeeze %dma_start3A_34 : memref<1x1x2x128xi32, #tpu.memory_space<hbm>> -> memref<2x128xi32, #tpu.memory_space<hbm>>
    %dma_start3A_36 = arith.constant 0 : i32
    %dma_start3A_37 = arith.constant 0 : i32
    %dma_start3A_38 = tpu.memref_slice %arg3[%add3A, %dma_start3A_31, %dma_start3A_36, %dma_start3A_37] : memref<32x80x2x128xi32, #tpu.memory_space<hbm>> -> memref<1x1x2x128xi32, #tpu.memory_space<hbm>>
    %dma_start3A_39 = tpu.memref_squeeze %dma_start3A_38 : memref<1x1x2x128xi32, #tpu.memory_space<hbm>> -> memref<2x128xi32, #tpu.memory_space<hbm>>
    tpu.enqueue_dma source(%dma_start3A_39 : memref<2x128xi32, #tpu.memory_space<hbm>>) target(%arg10 : memref<2x128xi32, #tpu.memory_space<vmem>>) target_semaphore(%arg16 : memref<!tpu.dma_semaphore, #tpu.memory_space<semaphore_mem>>)
    %dma_wait3A = arith.constant 0 : i32
    %dma_wait3A_40 = arith.constant 0 : i32
    %dma_wait3A_41 = arith.constant 0 : i32
    %dma_wait3A_42 = tpu.memref_slice %arg3[%add3A, %dma_wait3A, %dma_wait3A_40, %dma_wait3A_41] : memref<32x80x2x128xi32, #tpu.memory_space<hbm>> -> memref<1x1x2x128xi32, #tpu.memory_space<hbm>>
    %dma_wait3A_43 = tpu.memref_squeeze %dma_wait3A_42 : memref<1x1x2x128xi32, #tpu.memory_space<hbm>> -> memref<2x128xi32, #tpu.memory_space<hbm>>
    %dma_wait3A_44 = arith.constant 0 : i32
    %dma_wait3A_45 = arith.constant 0 : i32
    %dma_wait3A_46 = tpu.memref_slice %arg3[%add3A, %dma_wait3A, %dma_wait3A_44, %dma_wait3A_45] : memref<32x80x2x128xi32, #tpu.memory_space<hbm>> -> memref<1x1x2x128xi32, #tpu.memory_space<hbm>>
    %dma_wait3A_47 = tpu.memref_squeeze %dma_wait3A_46 : memref<1x1x2x128xi32, #tpu.memory_space<hbm>> -> memref<2x128xi32, #tpu.memory_space<hbm>>
    tpu.wait_dma2 semaphore(%arg13 : memref<!tpu.dma_semaphore, #tpu.memory_space<semaphore_mem>>) src(%dma_wait3A_47 : memref<2x128xi32, #tpu.memory_space<hbm>>) dst(%arg7 : memref<2x128xi32, #tpu.memory_space<vmem>>)
    %dma_start3A_48 = arith.constant 0 : i32
    %dma_start3A_49 = arith.constant 0 : i32
    %dma_start3A_50 = tpu.memref_slice %arg7[%dma_start3A_48, %dma_start3A_49] : memref<2x128xi32, #tpu.memory_space<vmem>> -> memref<1x128xi32, #tpu.memory_space<vmem>>
    %dma_start3A_51 = tpu.memref_squeeze %dma_start3A_50 : memref<1x128xi32, #tpu.memory_space<vmem>> -> memref<128xi32, #tpu.memory_space<vmem>>
    %dma_start3A_52 = arith.constant 0 : i32
    %dma_start3A_53 = arith.constant 0 : i32
    %dma_start3A_54 = tpu.memref_slice %arg2[%dma_start3A_52, %dma_start3A_53] : memref<12288x128xf32, #tpu.memory_space<hbm>> -> memref<12288x128xf32, #tpu.memory_space<hbm>>
    tpu.enqueue_indirect_dma source(%dma_start3A_54 : memref<12288x128xf32, #tpu.memory_space<hbm>>) target(%arg11 : memref<128x128xf32, #tpu.memory_space<vmem>>) offsets(%dma_start3A_51 : memref<128xi32, #tpu.memory_space<vmem>>) semaphore(%arg17 : memref<!tpu.dma_semaphore, #tpu.memory_space<semaphore_mem>>)
    %dma_wait3A_55 = arith.constant 1 : i32
    %dma_wait3A_56 = arith.constant 0 : i32
    %dma_wait3A_57 = arith.constant 0 : i32
    %dma_wait3A_58 = tpu.memref_slice %arg3[%add3A, %dma_wait3A_55, %dma_wait3A_56, %dma_wait3A_57] : memref<32x80x2x128xi32, #tpu.memory_space<hbm>> -> memref<1x1x2x128xi32, #tpu.memory_space<hbm>>
    %dma_wait3A_59 = tpu.memref_squeeze %dma_wait3A_58 : memref<1x1x2x128xi32, #tpu.memory_space<hbm>> -> memref<2x128xi32, #tpu.memory_space<hbm>>
    %dma_wait3A_60 = arith.constant 0 : i32
    %dma_wait3A_61 = arith.constant 0 : i32
    %dma_wait3A_62 = tpu.memref_slice %arg3[%add3A, %dma_wait3A_55, %dma_wait3A_60, %dma_wait3A_61] : memref<32x80x2x128xi32, #tpu.memory_space<hbm>> -> memref<1x1x2x128xi32, #tpu.memory_space<hbm>>
    %dma_wait3A_63 = tpu.memref_squeeze %dma_wait3A_62 : memref<1x1x2x128xi32, #tpu.memory_space<hbm>> -> memref<2x128xi32, #tpu.memory_space<hbm>>
    tpu.wait_dma2 semaphore(%arg14 : memref<!tpu.dma_semaphore, #tpu.memory_space<semaphore_mem>>) src(%dma_wait3A_63 : memref<2x128xi32, #tpu.memory_space<hbm>>) dst(%arg8 : memref<2x128xi32, #tpu.memory_space<vmem>>)
    %dma_start3A_64 = arith.constant 0 : i32
    %dma_start3A_65 = arith.constant 0 : i32
    %dma_start3A_66 = tpu.memref_slice %arg8[%dma_start3A_64, %dma_start3A_65] : memref<2x128xi32, #tpu.memory_space<vmem>> -> memref<1x128xi32, #tpu.memory_space<vmem>>
    %dma_start3A_67 = tpu.memref_squeeze %dma_start3A_66 : memref<1x128xi32, #tpu.memory_space<vmem>> -> memref<128xi32, #tpu.memory_space<vmem>>
    %dma_start3A_68 = arith.constant 0 : i32
    %dma_start3A_69 = arith.constant 0 : i32
    %dma_start3A_70 = tpu.memref_slice %arg2[%dma_start3A_68, %dma_start3A_69] : memref<12288x128xf32, #tpu.memory_space<hbm>> -> memref<12288x128xf32, #tpu.memory_space<hbm>>
    tpu.enqueue_indirect_dma source(%dma_start3A_70 : memref<12288x128xf32, #tpu.memory_space<hbm>>) target(%arg12 : memref<128x128xf32, #tpu.memory_space<vmem>>) offsets(%dma_start3A_67 : memref<128xi32, #tpu.memory_space<vmem>>) semaphore(%arg18 : memref<!tpu.dma_semaphore, #tpu.memory_space<semaphore_mem>>)
    %dma_wait3A_71 = arith.constant 0 : i32
    %dma_wait3A_72 = tpu.memref_slice %arg6[%multiple_of3A, %dma_wait3A_71] : memref<10112x128xf32, #tpu.memory_space<vmem_shared>> -> memref<632x128xf32, #tpu.memory_space<vmem_shared>>
    tpu.wait_dma2 semaphore(%arg20 : memref<!tpu.dma_semaphore, #tpu.memory_space<semaphore_mem>>) src(%arg4 : memref<632x128xf32, #tpu.memory_space<hbm>>) dst(%dma_wait3A_72 : memref<632x128xf32, #tpu.memory_space<vmem_shared>>)
    %barrier3A = arith.constant 0 : index
    tpu.barrier barrier_id(%barrier3A)
    %scan3A = arith.constant 0 : i32
    %scan3A_73 = arith.constant 0 : i32
    %scan3A_74 = arith.constant 20 : i32
    %scan3A_75 = arith.addi %scan3A_73, %scan3A_74 : i32
    %scan3A_76 = arith.constant 1 : i32
    scf.for %scan3A_84 = %scan3A_73 to %scan3A_75 step %scan3A_76  : i32 {
      %mul3A_85 = arith.constant 4 : i32
      %mul3A_86 = arith.muli %scan3A_84, %mul3A_85 : i32
      %add3A_87 = arith.constant 0 : i32
      %add3A_88 = arith.addi %mul3A_86, %add3A_87 : i32
      %dma_wait3A_89 = arith.constant 0 : i32
      %dma_wait3A_90 = arith.constant 0 : i32
      %dma_wait3A_91 = tpu.memref_slice %arg7[%dma_wait3A_89, %dma_wait3A_90] : memref<2x128xi32, #tpu.memory_space<vmem>> -> memref<1x128xi32, #tpu.memory_space<vmem>>
      %dma_wait3A_92 = tpu.memref_squeeze %dma_wait3A_91 : memref<1x128xi32, #tpu.memory_space<vmem>> -> memref<128xi32, #tpu.memory_space<vmem>>
      %dma_wait3A_93 = arith.constant 0 : i32
      %dma_wait3A_94 = arith.constant 0 : i32
      %dma_wait3A_95 = tpu.memref_slice %arg2[%dma_wait3A_93, %dma_wait3A_94] : memref<12288x128xf32, #tpu.memory_space<hbm>> -> memref<12288x128xf32, #tpu.memory_space<hbm>>
      tpu.wait_indirect_dma semaphore(%arg17 : memref<!tpu.dma_semaphore, #tpu.memory_space<semaphore_mem>>) src(%dma_wait3A_95 : memref<12288x128xf32, #tpu.memory_space<hbm>>) dst(%arg11 : memref<128x128xf32, #tpu.memory_space<vmem>>)
      %run_scoped3A = arith.constant 1 : i32
      "tpu.region"() ({
        %run_scoped3A_187 = tpu.sem_alloc : memref<!tpu.dma_semaphore, #tpu.memory_space<semaphore_mem>>
        %dma_start3A_188 = arith.constant 0 : i32
        %dma_start3A_189 = tpu.memref_slice %arg7[%run_scoped3A, %dma_start3A_188] : memref<2x128xi32, #tpu.memory_space<vmem>> -> memref<1x128xi32, #tpu.memory_space<vmem>>
        %dma_start3A_190 = tpu.memref_squeeze %dma_start3A_189 : memref<1x128xi32, #tpu.memory_space<vmem>> -> memref<128xi32, #tpu.memory_space<vmem>>
        %dma_start3A_191 = arith.constant 0 : i32
        %dma_start3A_192 = arith.constant 0 : i32
        %dma_start3A_193 = tpu.memref_slice %arg6[%dma_start3A_191, %dma_start3A_192] : memref<10112x128xf32, #tpu.memory_space<vmem_shared>> -> memref<10112x128xf32, #tpu.memory_space<vmem_shared>>
        tpu.enqueue_indirect_dma source(%arg11 : memref<128x128xf32, #tpu.memory_space<vmem>>) target(%dma_start3A_193 : memref<10112x128xf32, #tpu.memory_space<vmem_shared>>) offsets(%dma_start3A_190 : memref<128xi32, #tpu.memory_space<vmem>>) semaphore(%run_scoped3A_187 : memref<!tpu.dma_semaphore, #tpu.memory_space<semaphore_mem>>) {add = true}
        %dma_wait3A_194 = arith.constant 0 : i32
        %dma_wait3A_195 = tpu.memref_slice %arg7[%run_scoped3A, %dma_wait3A_194] : memref<2x128xi32, #tpu.memory_space<vmem>> -> memref<1x128xi32, #tpu.memory_space<vmem>>
        %dma_wait3A_196 = tpu.memref_squeeze %dma_wait3A_195 : memref<1x128xi32, #tpu.memory_space<vmem>> -> memref<128xi32, #tpu.memory_space<vmem>>
        %dma_wait3A_197 = arith.constant 0 : i32
        %dma_wait3A_198 = arith.constant 0 : i32
        %dma_wait3A_199 = tpu.memref_slice %arg6[%dma_wait3A_197, %dma_wait3A_198] : memref<10112x128xf32, #tpu.memory_space<vmem_shared>> -> memref<10112x128xf32, #tpu.memory_space<vmem_shared>>
        tpu.wait_indirect_dma semaphore(%run_scoped3A_187 : memref<!tpu.dma_semaphore, #tpu.memory_space<semaphore_mem>>) src(%arg11 : memref<128x128xf32, #tpu.memory_space<vmem>>) dst(%dma_wait3A_199 : memref<10112x128xf32, #tpu.memory_space<vmem_shared>>)
        tpu.yield
      }) : () -> ()
      %add3A_96 = arith.constant 4 : i32
      %add3A_97 = arith.addi %add3A_88, %add3A_96 : i32
      %lt3A = arith.constant 80 : i32
      %lt3A_98 = arith.cmpi slt, %add3A_97, %lt3A : i32
      %convert_element_type3A_99 = arith.extui %lt3A_98 : i1 to i32
      %cond3A_100 = arith.constant 0 : i32
      %cond3A_101 = arith.cmpi ne, %convert_element_type3A_99, %cond3A_100 : i32
      scf.if %cond3A_101 {
        %add3A_187 = arith.constant 4 : i32
        %add3A_188 = arith.addi %add3A_88, %add3A_187 : i32
        %dma_start3A_189 = arith.constant 0 : i32
        %dma_start3A_190 = arith.constant 0 : i32
        %dma_start3A_191 = tpu.memref_slice %arg3[%add3A, %add3A_188, %dma_start3A_189, %dma_start3A_190] : memref<32x80x2x128xi32, #tpu.memory_space<hbm>> -> memref<1x1x2x128xi32, #tpu.memory_space<hbm>>
        %dma_start3A_192 = tpu.memref_squeeze %dma_start3A_191 : memref<1x1x2x128xi32, #tpu.memory_space<hbm>> -> memref<2x128xi32, #tpu.memory_space<hbm>>
        %dma_start3A_193 = arith.constant 0 : i32
        %dma_start3A_194 = arith.constant 0 : i32
        %dma_start3A_195 = tpu.memref_slice %arg3[%add3A, %add3A_188, %dma_start3A_193, %dma_start3A_194] : memref<32x80x2x128xi32, #tpu.memory_space<hbm>> -> memref<1x1x2x128xi32, #tpu.memory_space<hbm>>
        %dma_start3A_196 = tpu.memref_squeeze %dma_start3A_195 : memref<1x1x2x128xi32, #tpu.memory_space<hbm>> -> memref<2x128xi32, #tpu.memory_space<hbm>>
        tpu.enqueue_dma source(%dma_start3A_196 : memref<2x128xi32, #tpu.memory_space<hbm>>) target(%arg7 : memref<2x128xi32, #tpu.memory_space<vmem>>) target_semaphore(%arg13 : memref<!tpu.dma_semaphore, #tpu.memory_space<semaphore_mem>>)
      } else {
      }
      %add3A_102 = arith.constant 2 : i32
      %add3A_103 = arith.addi %add3A_88, %add3A_102 : i32
      %lt3A_104 = arith.constant 80 : i32
      %lt3A_105 = arith.cmpi slt, %add3A_103, %lt3A_104 : i32
      %convert_element_type3A_106 = arith.extui %lt3A_105 : i1 to i32
      %cond3A_107 = arith.constant 0 : i32
      %cond3A_108 = arith.cmpi ne, %convert_element_type3A_106, %cond3A_107 : i32
      scf.if %cond3A_108 {
        %add3A_187 = arith.constant 2 : i32
        %add3A_188 = arith.addi %add3A_88, %add3A_187 : i32
        %dma_wait3A_189 = arith.constant 0 : i32
        %dma_wait3A_190 = arith.constant 0 : i32
        %dma_wait3A_191 = tpu.memref_slice %arg3[%add3A, %add3A_188, %dma_wait3A_189, %dma_wait3A_190] : memref<32x80x2x128xi32, #tpu.memory_space<hbm>> -> memref<1x1x2x128xi32, #tpu.memory_space<hbm>>
        %dma_wait3A_192 = tpu.memref_squeeze %dma_wait3A_191 : memref<1x1x2x128xi32, #tpu.memory_space<hbm>> -> memref<2x128xi32, #tpu.memory_space<hbm>>
        %dma_wait3A_193 = arith.constant 0 : i32
        %dma_wait3A_194 = arith.constant 0 : i32
        %dma_wait3A_195 = tpu.memref_slice %arg3[%add3A, %add3A_188, %dma_wait3A_193, %dma_wait3A_194] : memref<32x80x2x128xi32, #tpu.memory_space<hbm>> -> memref<1x1x2x128xi32, #tpu.memory_space<hbm>>
        %dma_wait3A_196 = tpu.memref_squeeze %dma_wait3A_195 : memref<1x1x2x128xi32, #tpu.memory_space<hbm>> -> memref<2x128xi32, #tpu.memory_space<hbm>>
        tpu.wait_dma2 semaphore(%arg15 : memref<!tpu.dma_semaphore, #tpu.memory_space<semaphore_mem>>) src(%dma_wait3A_196 : memref<2x128xi32, #tpu.memory_space<hbm>>) dst(%arg9 : memref<2x128xi32, #tpu.memory_space<vmem>>)
        %dma_start3A_197 = arith.constant 0 : i32
        %dma_start3A_198 = arith.constant 0 : i32
        %dma_start3A_199 = tpu.memref_slice %arg9[%dma_start3A_197, %dma_start3A_198] : memref<2x128xi32, #tpu.memory_space<vmem>> -> memref<1x128xi32, #tpu.memory_space<vmem>>
        %dma_start3A_200 = tpu.memref_squeeze %dma_start3A_199 : memref<1x128xi32, #tpu.memory_space<vmem>> -> memref<128xi32, #tpu.memory_space<vmem>>
        %dma_start3A_201 = arith.constant 0 : i32
        %dma_start3A_202 = arith.constant 0 : i32
        %dma_start3A_203 = tpu.memref_slice %arg2[%dma_start3A_201, %dma_start3A_202] : memref<12288x128xf32, #tpu.memory_space<hbm>> -> memref<12288x128xf32, #tpu.memory_space<hbm>>
        tpu.enqueue_indirect_dma source(%dma_start3A_203 : memref<12288x128xf32, #tpu.memory_space<hbm>>) target(%arg11 : memref<128x128xf32, #tpu.memory_space<vmem>>) offsets(%dma_start3A_200 : memref<128xi32, #tpu.memory_space<vmem>>) semaphore(%arg17 : memref<!tpu.dma_semaphore, #tpu.memory_space<semaphore_mem>>)
      } else {
      }
      %mul3A_109 = arith.constant 4 : i32
      %mul3A_110 = arith.muli %scan3A_84, %mul3A_109 : i32
      %add3A_111 = arith.constant 1 : i32
      %add3A_112 = arith.addi %mul3A_110, %add3A_111 : i32
      %dma_wait3A_113 = arith.constant 0 : i32
      %dma_wait3A_114 = arith.constant 0 : i32
      %dma_wait3A_115 = tpu.memref_slice %arg8[%dma_wait3A_113, %dma_wait3A_114] : memref<2x128xi32, #tpu.memory_space<vmem>> -> memref<1x128xi32, #tpu.memory_space<vmem>>
      %dma_wait3A_116 = tpu.memref_squeeze %dma_wait3A_115 : memref<1x128xi32, #tpu.memory_space<vmem>> -> memref<128xi32, #tpu.memory_space<vmem>>
      %dma_wait3A_117 = arith.constant 0 : i32
      %dma_wait3A_118 = arith.constant 0 : i32
      %dma_wait3A_119 = tpu.memref_slice %arg2[%dma_wait3A_117, %dma_wait3A_118] : memref<12288x128xf32, #tpu.memory_space<hbm>> -> memref<12288x128xf32, #tpu.memory_space<hbm>>
      tpu.wait_indirect_dma semaphore(%arg18 : memref<!tpu.dma_semaphore, #tpu.memory_space<semaphore_mem>>) src(%dma_wait3A_119 : memref<12288x128xf32, #tpu.memory_space<hbm>>) dst(%arg12 : memref<128x128xf32, #tpu.memory_space<vmem>>)
      %run_scoped3A_120 = arith.constant 1 : i32
      "tpu.region"() ({
        %run_scoped3A_187 = tpu.sem_alloc : memref<!tpu.dma_semaphore, #tpu.memory_space<semaphore_mem>>
        %dma_start3A_188 = arith.constant 0 : i32
        %dma_start3A_189 = tpu.memref_slice %arg8[%run_scoped3A_120, %dma_start3A_188] : memref<2x128xi32, #tpu.memory_space<vmem>> -> memref<1x128xi32, #tpu.memory_space<vmem>>
        %dma_start3A_190 = tpu.memref_squeeze %dma_start3A_189 : memref<1x128xi32, #tpu.memory_space<vmem>> -> memref<128xi32, #tpu.memory_space<vmem>>
        %dma_start3A_191 = arith.constant 0 : i32
        %dma_start3A_192 = arith.constant 0 : i32
        %dma_start3A_193 = tpu.memref_slice %arg6[%dma_start3A_191, %dma_start3A_192] : memref<10112x128xf32, #tpu.memory_space<vmem_shared>> -> memref<10112x128xf32, #tpu.memory_space<vmem_shared>>
        tpu.enqueue_indirect_dma source(%arg12 : memref<128x128xf32, #tpu.memory_space<vmem>>) target(%dma_start3A_193 : memref<10112x128xf32, #tpu.memory_space<vmem_shared>>) offsets(%dma_start3A_190 : memref<128xi32, #tpu.memory_space<vmem>>) semaphore(%run_scoped3A_187 : memref<!tpu.dma_semaphore, #tpu.memory_space<semaphore_mem>>) {add = true}
        %dma_wait3A_194 = arith.constant 0 : i32
        %dma_wait3A_195 = tpu.memref_slice %arg8[%run_scoped3A_120, %dma_wait3A_194] : memref<2x128xi32, #tpu.memory_space<vmem>> -> memref<1x128xi32, #tpu.memory_space<vmem>>
        %dma_wait3A_196 = tpu.memref_squeeze %dma_wait3A_195 : memref<1x128xi32, #tpu.memory_space<vmem>> -> memref<128xi32, #tpu.memory_space<vmem>>
        %dma_wait3A_197 = arith.constant 0 : i32
        %dma_wait3A_198 = arith.constant 0 : i32
        %dma_wait3A_199 = tpu.memref_slice %arg6[%dma_wait3A_197, %dma_wait3A_198] : memref<10112x128xf32, #tpu.memory_space<vmem_shared>> -> memref<10112x128xf32, #tpu.memory_space<vmem_shared>>
        tpu.wait_indirect_dma semaphore(%run_scoped3A_187 : memref<!tpu.dma_semaphore, #tpu.memory_space<semaphore_mem>>) src(%arg12 : memref<128x128xf32, #tpu.memory_space<vmem>>) dst(%dma_wait3A_199 : memref<10112x128xf32, #tpu.memory_space<vmem_shared>>)
        tpu.yield
      }) : () -> ()
      %add3A_121 = arith.constant 4 : i32
      %add3A_122 = arith.addi %add3A_112, %add3A_121 : i32
      %lt3A_123 = arith.constant 80 : i32
      %lt3A_124 = arith.cmpi slt, %add3A_122, %lt3A_123 : i32
      %convert_element_type3A_125 = arith.extui %lt3A_124 : i1 to i32
      %cond3A_126 = arith.constant 0 : i32
      %cond3A_127 = arith.cmpi ne, %convert_element_type3A_125, %cond3A_126 : i32
      scf.if %cond3A_127 {
        %add3A_187 = arith.constant 4 : i32
        %add3A_188 = arith.addi %add3A_112, %add3A_187 : i32
        %dma_start3A_189 = arith.constant 0 : i32
        %dma_start3A_190 = arith.constant 0 : i32
        %dma_start3A_191 = tpu.memref_slice %arg3[%add3A, %add3A_188, %dma_start3A_189, %dma_start3A_190] : memref<32x80x2x128xi32, #tpu.memory_space<hbm>> -> memref<1x1x2x128xi32, #tpu.memory_space<hbm>>
        %dma_start3A_192 = tpu.memref_squeeze %dma_start3A_191 : memref<1x1x2x128xi32, #tpu.memory_space<hbm>> -> memref<2x128xi32, #tpu.memory_space<hbm>>
        %dma_start3A_193 = arith.constant 0 : i32
        %dma_start3A_194 = arith.constant 0 : i32
        %dma_start3A_195 = tpu.memref_slice %arg3[%add3A, %add3A_188, %dma_start3A_193, %dma_start3A_194] : memref<32x80x2x128xi32, #tpu.memory_space<hbm>> -> memref<1x1x2x128xi32, #tpu.memory_space<hbm>>
        %dma_start3A_196 = tpu.memref_squeeze %dma_start3A_195 : memref<1x1x2x128xi32, #tpu.memory_space<hbm>> -> memref<2x128xi32, #tpu.memory_space<hbm>>
        tpu.enqueue_dma source(%dma_start3A_196 : memref<2x128xi32, #tpu.memory_space<hbm>>) target(%arg8 : memref<2x128xi32, #tpu.memory_space<vmem>>) target_semaphore(%arg14 : memref<!tpu.dma_semaphore, #tpu.memory_space<semaphore_mem>>)
      } else {
      }
      %add3A_128 = arith.constant 2 : i32
      %add3A_129 = arith.addi %add3A_112, %add3A_128 : i32
      %lt3A_130 = arith.constant 80 : i32
      %lt3A_131 = arith.cmpi slt, %add3A_129, %lt3A_130 : i32
      %convert_element_type3A_132 = arith.extui %lt3A_131 : i1 to i32
      %cond3A_133 = arith.constant 0 : i32
      %cond3A_134 = arith.cmpi ne, %convert_element_type3A_132, %cond3A_133 : i32
      scf.if %cond3A_134 {
        %add3A_187 = arith.constant 2 : i32
        %add3A_188 = arith.addi %add3A_112, %add3A_187 : i32
        %dma_wait3A_189 = arith.constant 0 : i32
        %dma_wait3A_190 = arith.constant 0 : i32
        %dma_wait3A_191 = tpu.memref_slice %arg3[%add3A, %add3A_188, %dma_wait3A_189, %dma_wait3A_190] : memref<32x80x2x128xi32, #tpu.memory_space<hbm>> -> memref<1x1x2x128xi32, #tpu.memory_space<hbm>>
        %dma_wait3A_192 = tpu.memref_squeeze %dma_wait3A_191 : memref<1x1x2x128xi32, #tpu.memory_space<hbm>> -> memref<2x128xi32, #tpu.memory_space<hbm>>
        %dma_wait3A_193 = arith.constant 0 : i32
        %dma_wait3A_194 = arith.constant 0 : i32
        %dma_wait3A_195 = tpu.memref_slice %arg3[%add3A, %add3A_188, %dma_wait3A_193, %dma_wait3A_194] : memref<32x80x2x128xi32, #tpu.memory_space<hbm>> -> memref<1x1x2x128xi32, #tpu.memory_space<hbm>>
        %dma_wait3A_196 = tpu.memref_squeeze %dma_wait3A_195 : memref<1x1x2x128xi32, #tpu.memory_space<hbm>> -> memref<2x128xi32, #tpu.memory_space<hbm>>
        tpu.wait_dma2 semaphore(%arg16 : memref<!tpu.dma_semaphore, #tpu.memory_space<semaphore_mem>>) src(%dma_wait3A_196 : memref<2x128xi32, #tpu.memory_space<hbm>>) dst(%arg10 : memref<2x128xi32, #tpu.memory_space<vmem>>)
        %dma_start3A_197 = arith.constant 0 : i32
        %dma_start3A_198 = arith.constant 0 : i32
        %dma_start3A_199 = tpu.memref_slice %arg10[%dma_start3A_197, %dma_start3A_198] : memref<2x128xi32, #tpu.memory_space<vmem>> -> memref<1x128xi32, #tpu.memory_space<vmem>>
        %dma_start3A_200 = tpu.memref_squeeze %dma_start3A_199 : memref<1x128xi32, #tpu.memory_space<vmem>> -> memref<128xi32, #tpu.memory_space<vmem>>
        %dma_start3A_201 = arith.constant 0 : i32
        %dma_start3A_202 = arith.constant 0 : i32
        %dma_start3A_203 = tpu.memref_slice %arg2[%dma_start3A_201, %dma_start3A_202] : memref<12288x128xf32, #tpu.memory_space<hbm>> -> memref<12288x128xf32, #tpu.memory_space<hbm>>
        tpu.enqueue_indirect_dma source(%dma_start3A_203 : memref<12288x128xf32, #tpu.memory_space<hbm>>) target(%arg12 : memref<128x128xf32, #tpu.memory_space<vmem>>) offsets(%dma_start3A_200 : memref<128xi32, #tpu.memory_space<vmem>>) semaphore(%arg18 : memref<!tpu.dma_semaphore, #tpu.memory_space<semaphore_mem>>)
      } else {
      }
      %mul3A_135 = arith.constant 4 : i32
      %mul3A_136 = arith.muli %scan3A_84, %mul3A_135 : i32
      %add3A_137 = arith.constant 2 : i32
      %add3A_138 = arith.addi %mul3A_136, %add3A_137 : i32
      %dma_wait3A_139 = arith.constant 0 : i32
      %dma_wait3A_140 = arith.constant 0 : i32
      %dma_wait3A_141 = tpu.memref_slice %arg9[%dma_wait3A_139, %dma_wait3A_140] : memref<2x128xi32, #tpu.memory_space<vmem>> -> memref<1x128xi32, #tpu.memory_space<vmem>>
      %dma_wait3A_142 = tpu.memref_squeeze %dma_wait3A_141 : memref<1x128xi32, #tpu.memory_space<vmem>> -> memref<128xi32, #tpu.memory_space<vmem>>
      %dma_wait3A_143 = arith.constant 0 : i32
      %dma_wait3A_144 = arith.constant 0 : i32
      %dma_wait3A_145 = tpu.memref_slice %arg2[%dma_wait3A_143, %dma_wait3A_144] : memref<12288x128xf32, #tpu.memory_space<hbm>> -> memref<12288x128xf32, #tpu.memory_space<hbm>>
      tpu.wait_indirect_dma semaphore(%arg17 : memref<!tpu.dma_semaphore, #tpu.memory_space<semaphore_mem>>) src(%dma_wait3A_145 : memref<12288x128xf32, #tpu.memory_space<hbm>>) dst(%arg11 : memref<128x128xf32, #tpu.memory_space<vmem>>)
      %run_scoped3A_146 = arith.constant 1 : i32
      "tpu.region"() ({
        %run_scoped3A_187 = tpu.sem_alloc : memref<!tpu.dma_semaphore, #tpu.memory_space<semaphore_mem>>
        %dma_start3A_188 = arith.constant 0 : i32
        %dma_start3A_189 = tpu.memref_slice %arg9[%run_scoped3A_146, %dma_start3A_188] : memref<2x128xi32, #tpu.memory_space<vmem>> -> memref<1x128xi32, #tpu.memory_space<vmem>>
        %dma_start3A_190 = tpu.memref_squeeze %dma_start3A_189 : memref<1x128xi32, #tpu.memory_space<vmem>> -> memref<128xi32, #tpu.memory_space<vmem>>
        %dma_start3A_191 = arith.constant 0 : i32
        %dma_start3A_192 = arith.constant 0 : i32
        %dma_start3A_193 = tpu.memref_slice %arg6[%dma_start3A_191, %dma_start3A_192] : memref<10112x128xf32, #tpu.memory_space<vmem_shared>> -> memref<10112x128xf32, #tpu.memory_space<vmem_shared>>
        tpu.enqueue_indirect_dma source(%arg11 : memref<128x128xf32, #tpu.memory_space<vmem>>) target(%dma_start3A_193 : memref<10112x128xf32, #tpu.memory_space<vmem_shared>>) offsets(%dma_start3A_190 : memref<128xi32, #tpu.memory_space<vmem>>) semaphore(%run_scoped3A_187 : memref<!tpu.dma_semaphore, #tpu.memory_space<semaphore_mem>>) {add = true}
        %dma_wait3A_194 = arith.constant 0 : i32
        %dma_wait3A_195 = tpu.memref_slice %arg9[%run_scoped3A_146, %dma_wait3A_194] : memref<2x128xi32, #tpu.memory_space<vmem>> -> memref<1x128xi32, #tpu.memory_space<vmem>>
        %dma_wait3A_196 = tpu.memref_squeeze %dma_wait3A_195 : memref<1x128xi32, #tpu.memory_space<vmem>> -> memref<128xi32, #tpu.memory_space<vmem>>
        %dma_wait3A_197 = arith.constant 0 : i32
        %dma_wait3A_198 = arith.constant 0 : i32
        %dma_wait3A_199 = tpu.memref_slice %arg6[%dma_wait3A_197, %dma_wait3A_198] : memref<10112x128xf32, #tpu.memory_space<vmem_shared>> -> memref<10112x128xf32, #tpu.memory_space<vmem_shared>>
        tpu.wait_indirect_dma semaphore(%run_scoped3A_187 : memref<!tpu.dma_semaphore, #tpu.memory_space<semaphore_mem>>) src(%arg11 : memref<128x128xf32, #tpu.memory_space<vmem>>) dst(%dma_wait3A_199 : memref<10112x128xf32, #tpu.memory_space<vmem_shared>>)
        tpu.yield
      }) : () -> ()
      %add3A_147 = arith.constant 4 : i32
      %add3A_148 = arith.addi %add3A_138, %add3A_147 : i32
      %lt3A_149 = arith.constant 80 : i32
      %lt3A_150 = arith.cmpi slt, %add3A_148, %lt3A_149 : i32
      %convert_element_type3A_151 = arith.extui %lt3A_150 : i1 to i32
      %cond3A_152 = arith.constant 0 : i32
      %cond3A_153 = arith.cmpi ne, %convert_element_type3A_151, %cond3A_152 : i32
      scf.if %cond3A_153 {
        %add3A_187 = arith.constant 4 : i32
        %add3A_188 = arith.addi %add3A_138, %add3A_187 : i32
        %dma_start3A_189 = arith.constant 0 : i32
        %dma_start3A_190 = arith.constant 0 : i32
        %dma_start3A_191 = tpu.memref_slice %arg3[%add3A, %add3A_188, %dma_start3A_189, %dma_start3A_190] : memref<32x80x2x128xi32, #tpu.memory_space<hbm>> -> memref<1x1x2x128xi32, #tpu.memory_space<hbm>>
        %dma_start3A_192 = tpu.memref_squeeze %dma_start3A_191 : memref<1x1x2x128xi32, #tpu.memory_space<hbm>> -> memref<2x128xi32, #tpu.memory_space<hbm>>
        %dma_start3A_193 = arith.constant 0 : i32
        %dma_start3A_194 = arith.constant 0 : i32
        %dma_start3A_195 = tpu.memref_slice %arg3[%add3A, %add3A_188, %dma_start3A_193, %dma_start3A_194] : memref<32x80x2x128xi32, #tpu.memory_space<hbm>> -> memref<1x1x2x128xi32, #tpu.memory_space<hbm>>
        %dma_start3A_196 = tpu.memref_squeeze %dma_start3A_195 : memref<1x1x2x128xi32, #tpu.memory_space<hbm>> -> memref<2x128xi32, #tpu.memory_space<hbm>>
        tpu.enqueue_dma source(%dma_start3A_196 : memref<2x128xi32, #tpu.memory_space<hbm>>) target(%arg9 : memref<2x128xi32, #tpu.memory_space<vmem>>) target_semaphore(%arg15 : memref<!tpu.dma_semaphore, #tpu.memory_space<semaphore_mem>>)
      } else {
      }
      %add3A_154 = arith.constant 2 : i32
      %add3A_155 = arith.addi %add3A_138, %add3A_154 : i32
      %lt3A_156 = arith.constant 80 : i32
      %lt3A_157 = arith.cmpi slt, %add3A_155, %lt3A_156 : i32
      %convert_element_type3A_158 = arith.extui %lt3A_157 : i1 to i32
      %cond3A_159 = arith.constant 0 : i32
      %cond3A_160 = arith.cmpi ne, %convert_element_type3A_158, %cond3A_159 : i32
      scf.if %cond3A_160 {
        %add3A_187 = arith.constant 2 : i32
        %add3A_188 = arith.addi %add3A_138, %add3A_187 : i32
        %dma_wait3A_189 = arith.constant 0 : i32
        %dma_wait3A_190 = arith.constant 0 : i32
        %dma_wait3A_191 = tpu.memref_slice %arg3[%add3A, %add3A_188, %dma_wait3A_189, %dma_wait3A_190] : memref<32x80x2x128xi32, #tpu.memory_space<hbm>> -> memref<1x1x2x128xi32, #tpu.memory_space<hbm>>
        %dma_wait3A_192 = tpu.memref_squeeze %dma_wait3A_191 : memref<1x1x2x128xi32, #tpu.memory_space<hbm>> -> memref<2x128xi32, #tpu.memory_space<hbm>>
        %dma_wait3A_193 = arith.constant 0 : i32
        %dma_wait3A_194 = arith.constant 0 : i32
        %dma_wait3A_195 = tpu.memref_slice %arg3[%add3A, %add3A_188, %dma_wait3A_193, %dma_wait3A_194] : memref<32x80x2x128xi32, #tpu.memory_space<hbm>> -> memref<1x1x2x128xi32, #tpu.memory_space<hbm>>
        %dma_wait3A_196 = tpu.memref_squeeze %dma_wait3A_195 : memref<1x1x2x128xi32, #tpu.memory_space<hbm>> -> memref<2x128xi32, #tpu.memory_space<hbm>>
        tpu.wait_dma2 semaphore(%arg13 : memref<!tpu.dma_semaphore, #tpu.memory_space<semaphore_mem>>) src(%dma_wait3A_196 : memref<2x128xi32, #tpu.memory_space<hbm>>) dst(%arg7 : memref<2x128xi32, #tpu.memory_space<vmem>>)
        %dma_start3A_197 = arith.constant 0 : i32
        %dma_start3A_198 = arith.constant 0 : i32
        %dma_start3A_199 = tpu.memref_slice %arg7[%dma_start3A_197, %dma_start3A_198] : memref<2x128xi32, #tpu.memory_space<vmem>> -> memref<1x128xi32, #tpu.memory_space<vmem>>
        %dma_start3A_200 = tpu.memref_squeeze %dma_start3A_199 : memref<1x128xi32, #tpu.memory_space<vmem>> -> memref<128xi32, #tpu.memory_space<vmem>>
        %dma_start3A_201 = arith.constant 0 : i32
        %dma_start3A_202 = arith.constant 0 : i32
        %dma_start3A_203 = tpu.memref_slice %arg2[%dma_start3A_201, %dma_start3A_202] : memref<12288x128xf32, #tpu.memory_space<hbm>> -> memref<12288x128xf32, #tpu.memory_space<hbm>>
        tpu.enqueue_indirect_dma source(%dma_start3A_203 : memref<12288x128xf32, #tpu.memory_space<hbm>>) target(%arg11 : memref<128x128xf32, #tpu.memory_space<vmem>>) offsets(%dma_start3A_200 : memref<128xi32, #tpu.memory_space<vmem>>) semaphore(%arg17 : memref<!tpu.dma_semaphore, #tpu.memory_space<semaphore_mem>>)
      } else {
      }
      %mul3A_161 = arith.constant 4 : i32
      %mul3A_162 = arith.muli %scan3A_84, %mul3A_161 : i32
      %add3A_163 = arith.constant 3 : i32
      %add3A_164 = arith.addi %mul3A_162, %add3A_163 : i32
      %dma_wait3A_165 = arith.constant 0 : i32
      %dma_wait3A_166 = arith.constant 0 : i32
      %dma_wait3A_167 = tpu.memref_slice %arg10[%dma_wait3A_165, %dma_wait3A_166] : memref<2x128xi32, #tpu.memory_space<vmem>> -> memref<1x128xi32, #tpu.memory_space<vmem>>
      %dma_wait3A_168 = tpu.memref_squeeze %dma_wait3A_167 : memref<1x128xi32, #tpu.memory_space<vmem>> -> memref<128xi32, #tpu.memory_space<vmem>>
      %dma_wait3A_169 = arith.constant 0 : i32
      %dma_wait3A_170 = arith.constant 0 : i32
      %dma_wait3A_171 = tpu.memref_slice %arg2[%dma_wait3A_169, %dma_wait3A_170] : memref<12288x128xf32, #tpu.memory_space<hbm>> -> memref<12288x128xf32, #tpu.memory_space<hbm>>
      tpu.wait_indirect_dma semaphore(%arg18 : memref<!tpu.dma_semaphore, #tpu.memory_space<semaphore_mem>>) src(%dma_wait3A_171 : memref<12288x128xf32, #tpu.memory_space<hbm>>) dst(%arg12 : memref<128x128xf32, #tpu.memory_space<vmem>>)
      %run_scoped3A_172 = arith.constant 1 : i32
      "tpu.region"() ({
        %run_scoped3A_187 = tpu.sem_alloc : memref<!tpu.dma_semaphore, #tpu.memory_space<semaphore_mem>>
        %dma_start3A_188 = arith.constant 0 : i32
        %dma_start3A_189 = tpu.memref_slice %arg10[%run_scoped3A_172, %dma_start3A_188] : memref<2x128xi32, #tpu.memory_space<vmem>> -> memref<1x128xi32, #tpu.memory_space<vmem>>
        %dma_start3A_190 = tpu.memref_squeeze %dma_start3A_189 : memref<1x128xi32, #tpu.memory_space<vmem>> -> memref<128xi32, #tpu.memory_space<vmem>>
        %dma_start3A_191 = arith.constant 0 : i32
        %dma_start3A_192 = arith.constant 0 : i32
        %dma_start3A_193 = tpu.memref_slice %arg6[%dma_start3A_191, %dma_start3A_192] : memref<10112x128xf32, #tpu.memory_space<vmem_shared>> -> memref<10112x128xf32, #tpu.memory_space<vmem_shared>>
        tpu.enqueue_indirect_dma source(%arg12 : memref<128x128xf32, #tpu.memory_space<vmem>>) target(%dma_start3A_193 : memref<10112x128xf32, #tpu.memory_space<vmem_shared>>) offsets(%dma_start3A_190 : memref<128xi32, #tpu.memory_space<vmem>>) semaphore(%run_scoped3A_187 : memref<!tpu.dma_semaphore, #tpu.memory_space<semaphore_mem>>) {add = true}
        %dma_wait3A_194 = arith.constant 0 : i32
        %dma_wait3A_195 = tpu.memref_slice %arg10[%run_scoped3A_172, %dma_wait3A_194] : memref<2x128xi32, #tpu.memory_space<vmem>> -> memref<1x128xi32, #tpu.memory_space<vmem>>
        %dma_wait3A_196 = tpu.memref_squeeze %dma_wait3A_195 : memref<1x128xi32, #tpu.memory_space<vmem>> -> memref<128xi32, #tpu.memory_space<vmem>>
        %dma_wait3A_197 = arith.constant 0 : i32
        %dma_wait3A_198 = arith.constant 0 : i32
        %dma_wait3A_199 = tpu.memref_slice %arg6[%dma_wait3A_197, %dma_wait3A_198] : memref<10112x128xf32, #tpu.memory_space<vmem_shared>> -> memref<10112x128xf32, #tpu.memory_space<vmem_shared>>
        tpu.wait_indirect_dma semaphore(%run_scoped3A_187 : memref<!tpu.dma_semaphore, #tpu.memory_space<semaphore_mem>>) src(%arg12 : memref<128x128xf32, #tpu.memory_space<vmem>>) dst(%dma_wait3A_199 : memref<10112x128xf32, #tpu.memory_space<vmem_shared>>)
        tpu.yield
      }) : () -> ()
      %add3A_173 = arith.constant 4 : i32
      %add3A_174 = arith.addi %add3A_164, %add3A_173 : i32
      %lt3A_175 = arith.constant 80 : i32
      %lt3A_176 = arith.cmpi slt, %add3A_174, %lt3A_175 : i32
      %convert_element_type3A_177 = arith.extui %lt3A_176 : i1 to i32
      %cond3A_178 = arith.constant 0 : i32
      %cond3A_179 = arith.cmpi ne, %convert_element_type3A_177, %cond3A_178 : i32
      scf.if %cond3A_179 {
        %add3A_187 = arith.constant 4 : i32
        %add3A_188 = arith.addi %add3A_164, %add3A_187 : i32
        %dma_start3A_189 = arith.constant 0 : i32
        %dma_start3A_190 = arith.constant 0 : i32
        %dma_start3A_191 = tpu.memref_slice %arg3[%add3A, %add3A_188, %dma_start3A_189, %dma_start3A_190] : memref<32x80x2x128xi32, #tpu.memory_space<hbm>> -> memref<1x1x2x128xi32, #tpu.memory_space<hbm>>
        %dma_start3A_192 = tpu.memref_squeeze %dma_start3A_191 : memref<1x1x2x128xi32, #tpu.memory_space<hbm>> -> memref<2x128xi32, #tpu.memory_space<hbm>>
        %dma_start3A_193 = arith.constant 0 : i32
        %dma_start3A_194 = arith.constant 0 : i32
        %dma_start3A_195 = tpu.memref_slice %arg3[%add3A, %add3A_188, %dma_start3A_193, %dma_start3A_194] : memref<32x80x2x128xi32, #tpu.memory_space<hbm>> -> memref<1x1x2x128xi32, #tpu.memory_space<hbm>>
        %dma_start3A_196 = tpu.memref_squeeze %dma_start3A_195 : memref<1x1x2x128xi32, #tpu.memory_space<hbm>> -> memref<2x128xi32, #tpu.memory_space<hbm>>
        tpu.enqueue_dma source(%dma_start3A_196 : memref<2x128xi32, #tpu.memory_space<hbm>>) target(%arg10 : memref<2x128xi32, #tpu.memory_space<vmem>>) target_semaphore(%arg16 : memref<!tpu.dma_semaphore, #tpu.memory_space<semaphore_mem>>)
      } else {
      }
      %add3A_180 = arith.constant 2 : i32
      %add3A_181 = arith.addi %add3A_164, %add3A_180 : i32
      %lt3A_182 = arith.constant 80 : i32
      %lt3A_183 = arith.cmpi slt, %add3A_181, %lt3A_182 : i32
      %convert_element_type3A_184 = arith.extui %lt3A_183 : i1 to i32
      %cond3A_185 = arith.constant 0 : i32
      %cond3A_186 = arith.cmpi ne, %convert_element_type3A_184, %cond3A_185 : i32
      scf.if %cond3A_186 {
        %add3A_187 = arith.constant 2 : i32
        %add3A_188 = arith.addi %add3A_164, %add3A_187 : i32
        %dma_wait3A_189 = arith.constant 0 : i32
        %dma_wait3A_190 = arith.constant 0 : i32
        %dma_wait3A_191 = tpu.memref_slice %arg3[%add3A, %add3A_188, %dma_wait3A_189, %dma_wait3A_190] : memref<32x80x2x128xi32, #tpu.memory_space<hbm>> -> memref<1x1x2x128xi32, #tpu.memory_space<hbm>>
        %dma_wait3A_192 = tpu.memref_squeeze %dma_wait3A_191 : memref<1x1x2x128xi32, #tpu.memory_space<hbm>> -> memref<2x128xi32, #tpu.memory_space<hbm>>
        %dma_wait3A_193 = arith.constant 0 : i32
        %dma_wait3A_194 = arith.constant 0 : i32
        %dma_wait3A_195 = tpu.memref_slice %arg3[%add3A, %add3A_188, %dma_wait3A_193, %dma_wait3A_194] : memref<32x80x2x128xi32, #tpu.memory_space<hbm>> -> memref<1x1x2x128xi32, #tpu.memory_space<hbm>>
        %dma_wait3A_196 = tpu.memref_squeeze %dma_wait3A_195 : memref<1x1x2x128xi32, #tpu.memory_space<hbm>> -> memref<2x128xi32, #tpu.memory_space<hbm>>
        tpu.wait_dma2 semaphore(%arg14 : memref<!tpu.dma_semaphore, #tpu.memory_space<semaphore_mem>>) src(%dma_wait3A_196 : memref<2x128xi32, #tpu.memory_space<hbm>>) dst(%arg8 : memref<2x128xi32, #tpu.memory_space<vmem>>)
        %dma_start3A_197 = arith.constant 0 : i32
        %dma_start3A_198 = arith.constant 0 : i32
        %dma_start3A_199 = tpu.memref_slice %arg8[%dma_start3A_197, %dma_start3A_198] : memref<2x128xi32, #tpu.memory_space<vmem>> -> memref<1x128xi32, #tpu.memory_space<vmem>>
        %dma_start3A_200 = tpu.memref_squeeze %dma_start3A_199 : memref<1x128xi32, #tpu.memory_space<vmem>> -> memref<128xi32, #tpu.memory_space<vmem>>
        %dma_start3A_201 = arith.constant 0 : i32
        %dma_start3A_202 = arith.constant 0 : i32
        %dma_start3A_203 = tpu.memref_slice %arg2[%dma_start3A_201, %dma_start3A_202] : memref<12288x128xf32, #tpu.memory_space<hbm>> -> memref<12288x128xf32, #tpu.memory_space<hbm>>
        tpu.enqueue_indirect_dma source(%dma_start3A_203 : memref<12288x128xf32, #tpu.memory_space<hbm>>) target(%arg12 : memref<128x128xf32, #tpu.memory_space<vmem>>) offsets(%dma_start3A_200 : memref<128xi32, #tpu.memory_space<vmem>>) semaphore(%arg18 : memref<!tpu.dma_semaphore, #tpu.memory_space<semaphore_mem>>)
      } else {
      }
    }
    %scan3A_77 = arith.constant 20 : i32
    %barrier3A_78 = arith.constant 0 : index
    tpu.barrier barrier_id(%barrier3A_78)
    %mul3A_79 = arith.constant 624 : i32
    %mul3A_80 = arith.muli %arg1, %mul3A_79 : i32
    %multiple_of3A_81 = tpu.assume_multiple %mul3A_80, 8 : i32
    "tpu.region"() ({
      %run_scoped3A = tpu.sem_alloc : memref<!tpu.dma_semaphore, #tpu.memory_space<semaphore_mem>>
      %dma_start3A_84 = arith.constant 0 : i32
      %dma_start3A_85 = tpu.memref_slice %arg5[%arg0, %multiple_of3A_81, %dma_start3A_84] : memref<2x10000x128xf32, #tpu.memory_space<hbm>> -> memref<1x624x128xf32, #tpu.memory_space<hbm>>
      %dma_start3A_86 = tpu.memref_squeeze %dma_start3A_85 : memref<1x624x128xf32, #tpu.memory_space<hbm>> -> memref<624x128xf32, #tpu.memory_space<hbm>>
      %dma_start3A_87 = arith.constant 0 : i32
      %dma_start3A_88 = tpu.memref_slice %arg6[%multiple_of3A_81, %dma_start3A_87] : memref<10112x128xf32, #tpu.memory_space<vmem_shared>> -> memref<624x128xf32, #tpu.memory_space<vmem_shared>>
      tpu.enqueue_dma source(%dma_start3A_88 : memref<624x128xf32, #tpu.memory_space<vmem_shared>>) target(%dma_start3A_86 : memref<624x128xf32, #tpu.memory_space<hbm>>) target_semaphore(%run_scoped3A : memref<!tpu.dma_semaphore, #tpu.memory_space<semaphore_mem>>)
      %dma_wait3A_89 = arith.constant 0 : i32
      %dma_wait3A_90 = tpu.memref_slice %arg5[%arg0, %multiple_of3A_81, %dma_wait3A_89] : memref<2x10000x128xf32, #tpu.memory_space<hbm>> -> memref<1x624x128xf32, #tpu.memory_space<hbm>>
      %dma_wait3A_91 = tpu.memref_squeeze %dma_wait3A_90 : memref<1x624x128xf32, #tpu.memory_space<hbm>> -> memref<624x128xf32, #tpu.memory_space<hbm>>
      %dma_wait3A_92 = arith.constant 0 : i32
      %dma_wait3A_93 = tpu.memref_slice %arg6[%multiple_of3A_81, %dma_wait3A_92] : memref<10112x128xf32, #tpu.memory_space<vmem_shared>> -> memref<624x128xf32, #tpu.memory_space<vmem_shared>>
      tpu.wait_dma2 semaphore(%run_scoped3A : memref<!tpu.dma_semaphore, #tpu.memory_space<semaphore_mem>>) src(%dma_wait3A_93 : memref<624x128xf32, #tpu.memory_space<vmem_shared>>) dst(%dma_wait3A_91 : memref<624x128xf32, #tpu.memory_space<hbm>>)
      tpu.yield
    }) : () -> ()
    %eq3A = arith.constant 0 : i32
    %eq3A_82 = arith.cmpi eq, %arg1, %eq3A : i32
    %convert_element_type3A = arith.extui %eq3A_82 : i1 to i32
    %cond3A = arith.constant 0 : i32
    %cond3A_83 = arith.cmpi ne, %convert_element_type3A, %cond3A : i32
    scf.if %cond3A_83 {
      "tpu.region"() ({
        %run_scoped3A = tpu.sem_alloc : memref<!tpu.dma_semaphore, #tpu.memory_space<semaphore_mem>>
        %dma_start3A_84 = arith.constant 9984 : i32
        %dma_start3A_85 = arith.constant 0 : i32
        %dma_start3A_86 = tpu.memref_slice %arg5[%arg0, %dma_start3A_84, %dma_start3A_85] : memref<2x10000x128xf32, #tpu.memory_space<hbm>> -> memref<1x16x128xf32, #tpu.memory_space<hbm>>
        %dma_start3A_87 = tpu.memref_squeeze %dma_start3A_86 : memref<1x16x128xf32, #tpu.memory_space<hbm>> -> memref<16x128xf32, #tpu.memory_space<hbm>>
        %dma_start3A_88 = arith.constant 9984 : i32
        %dma_start3A_89 = arith.constant 0 : i32
        %dma_start3A_90 = tpu.memref_slice %arg6[%dma_start3A_88, %dma_start3A_89] : memref<10112x128xf32, #tpu.memory_space<vmem_shared>> -> memref<16x128xf32, #tpu.memory_space<vmem_shared>>
        tpu.enqueue_dma source(%dma_start3A_90 : memref<16x128xf32, #tpu.memory_space<vmem_shared>>) target(%dma_start3A_87 : memref<16x128xf32, #tpu.memory_space<hbm>>) target_semaphore(%run_scoped3A : memref<!tpu.dma_semaphore, #tpu.memory_space<semaphore_mem>>)
        %dma_wait3A_91 = arith.constant 9984 : i32
        %dma_wait3A_92 = arith.constant 0 : i32
        %dma_wait3A_93 = tpu.memref_slice %arg5[%arg0, %dma_wait3A_91, %dma_wait3A_92] : memref<2x10000x128xf32, #tpu.memory_space<hbm>> -> memref<1x16x128xf32, #tpu.memory_space<hbm>>
        %dma_wait3A_94 = tpu.memref_squeeze %dma_wait3A_93 : memref<1x16x128xf32, #tpu.memory_space<hbm>> -> memref<16x128xf32, #tpu.memory_space<hbm>>
        %dma_wait3A_95 = arith.constant 9984 : i32
        %dma_wait3A_96 = arith.constant 0 : i32
        %dma_wait3A_97 = tpu.memref_slice %arg6[%dma_wait3A_95, %dma_wait3A_96] : memref<10112x128xf32, #tpu.memory_space<vmem_shared>> -> memref<16x128xf32, #tpu.memory_space<vmem_shared>>
        tpu.wait_dma2 semaphore(%run_scoped3A : memref<!tpu.dma_semaphore, #tpu.memory_space<semaphore_mem>>) src(%dma_wait3A_97 : memref<16x128xf32, #tpu.memory_space<vmem_shared>>) dst(%dma_wait3A_94 : memref<16x128xf32, #tpu.memory_space<hbm>>)
        tpu.yield
      }) : () -> ()
    } else {
    }
    return
  }
}

#map = affine_map<(d0, d1) -> (0, 0)>
#map1 = affine_map<(d0, d1) -> (0, 0, 0)>
module attributes {stable_mosaic.version = 14 : i64} {
  func.func @_emb_gather(%arg0: i32, %arg1: i32, %arg2: memref<50000x128xf32, #tpu.memory_space<hbm>>, %arg3: memref<32x3x128xi32, #tpu.memory_space<hbm>>, %arg4: memref<12288x128xf32, #tpu.memory_space<hbm>>, %arg5: memref<3x128xi32, #tpu.memory_space<vmem>>, %arg6: memref<128x128xf32, #tpu.memory_space<vmem>>, %arg7: memref<128x128xf32, #tpu.memory_space<vmem>>, %arg8: memref<128x128xf32, #tpu.memory_space<vmem>>, %arg9: memref<!tpu.dma_semaphore, #tpu.memory_space<semaphore_mem>>, %arg10: memref<!tpu.dma_semaphore, #tpu.memory_space<semaphore_mem>>, %arg11: memref<!tpu.dma_semaphore, #tpu.memory_space<semaphore_mem>>, %arg12: memref<!tpu.dma_semaphore, #tpu.memory_space<semaphore_mem>>) attributes {dimension_semantics = [#tpu.dimension_semantics<core_parallel>, #tpu.dimension_semantics<subcore_parallel>], iteration_bounds = array<i64: 2, 16>, scalar_prefetch = 0 : i64, scratch_operands = 8 : i64, tpu.core_type = #tpu.core_type<sc_vector_subcore>, window_params = [{transform_indices = #map}, {transform_indices = #map1}, {transform_indices = #map}]} {
    %mul3A = arith.constant 2 : i32
    %mul3A_0 = arith.muli %arg1, %mul3A : i32
    %add3A = arith.addi %mul3A_0, %arg0 : i32
    %mul3A_1 = arith.constant 384 : i32
    %mul3A_2 = arith.muli %add3A, %mul3A_1 : i32
    "tpu.region"() ({
      %run_scoped3A = tpu.sem_alloc : memref<!tpu.dma_semaphore, #tpu.memory_space<semaphore_mem>>
      %dma_start3A_84 = arith.constant 0 : i32
      %dma_start3A_85 = arith.constant 0 : i32
      %dma_start3A_86 = tpu.memref_slice %arg3[%add3A, %dma_start3A_84, %dma_start3A_85] : memref<32x3x128xi32, #tpu.memory_space<hbm>> -> memref<1x3x128xi32, #tpu.memory_space<hbm>>
      %dma_start3A_87 = tpu.memref_squeeze %dma_start3A_86 : memref<1x3x128xi32, #tpu.memory_space<hbm>> -> memref<3x128xi32, #tpu.memory_space<hbm>>
      %dma_start3A_88 = arith.constant 0 : i32
      %dma_start3A_89 = arith.constant 0 : i32
      %dma_start3A_90 = tpu.memref_slice %arg3[%add3A, %dma_start3A_88, %dma_start3A_89] : memref<32x3x128xi32, #tpu.memory_space<hbm>> -> memref<1x3x128xi32, #tpu.memory_space<hbm>>
      %dma_start3A_91 = tpu.memref_squeeze %dma_start3A_90 : memref<1x3x128xi32, #tpu.memory_space<hbm>> -> memref<3x128xi32, #tpu.memory_space<hbm>>
      tpu.enqueue_dma source(%dma_start3A_91 : memref<3x128xi32, #tpu.memory_space<hbm>>) target(%arg5 : memref<3x128xi32, #tpu.memory_space<vmem>>) target_semaphore(%run_scoped3A : memref<!tpu.dma_semaphore, #tpu.memory_space<semaphore_mem>>)
      %dma_wait3A_92 = arith.constant 0 : i32
      %dma_wait3A_93 = arith.constant 0 : i32
      %dma_wait3A_94 = tpu.memref_slice %arg3[%add3A, %dma_wait3A_92, %dma_wait3A_93] : memref<32x3x128xi32, #tpu.memory_space<hbm>> -> memref<1x3x128xi32, #tpu.memory_space<hbm>>
      %dma_wait3A_95 = tpu.memref_squeeze %dma_wait3A_94 : memref<1x3x128xi32, #tpu.memory_space<hbm>> -> memref<3x128xi32, #tpu.memory_space<hbm>>
      %dma_wait3A_96 = arith.constant 0 : i32
      %dma_wait3A_97 = arith.constant 0 : i32
      %dma_wait3A_98 = tpu.memref_slice %arg3[%add3A, %dma_wait3A_96, %dma_wait3A_97] : memref<32x3x128xi32, #tpu.memory_space<hbm>> -> memref<1x3x128xi32, #tpu.memory_space<hbm>>
      %dma_wait3A_99 = tpu.memref_squeeze %dma_wait3A_98 : memref<1x3x128xi32, #tpu.memory_space<hbm>> -> memref<3x128xi32, #tpu.memory_space<hbm>>
      tpu.wait_dma2 semaphore(%run_scoped3A : memref<!tpu.dma_semaphore, #tpu.memory_space<semaphore_mem>>) src(%dma_wait3A_99 : memref<3x128xi32, #tpu.memory_space<hbm>>) dst(%arg5 : memref<3x128xi32, #tpu.memory_space<vmem>>)
      tpu.yield
    }) : () -> ()
    %dma_start3A = arith.constant 0 : i32
    %dma_start3A_3 = arith.constant 0 : i32
    %dma_start3A_4 = tpu.memref_slice %arg5[%dma_start3A, %dma_start3A_3] : memref<3x128xi32, #tpu.memory_space<vmem>> -> memref<1x128xi32, #tpu.memory_space<vmem>>
    %dma_start3A_5 = tpu.memref_squeeze %dma_start3A_4 : memref<1x128xi32, #tpu.memory_space<vmem>> -> memref<128xi32, #tpu.memory_space<vmem>>
    %dma_start3A_6 = arith.constant 0 : i32
    %dma_start3A_7 = arith.constant 0 : i32
    %dma_start3A_8 = tpu.memref_slice %arg2[%dma_start3A_6, %dma_start3A_7] : memref<50000x128xf32, #tpu.memory_space<hbm>> -> memref<50000x128xf32, #tpu.memory_space<hbm>>
    tpu.enqueue_indirect_dma source(%dma_start3A_8 : memref<50000x128xf32, #tpu.memory_space<hbm>>) target(%arg6 : memref<128x128xf32, #tpu.memory_space<vmem>>) offsets(%dma_start3A_5 : memref<128xi32, #tpu.memory_space<vmem>>) semaphore(%arg9 : memref<!tpu.dma_semaphore, #tpu.memory_space<semaphore_mem>>)
    %dma_start3A_9 = arith.constant 1 : i32
    %dma_start3A_10 = arith.constant 0 : i32
    %dma_start3A_11 = tpu.memref_slice %arg5[%dma_start3A_9, %dma_start3A_10] : memref<3x128xi32, #tpu.memory_space<vmem>> -> memref<1x128xi32, #tpu.memory_space<vmem>>
    %dma_start3A_12 = tpu.memref_squeeze %dma_start3A_11 : memref<1x128xi32, #tpu.memory_space<vmem>> -> memref<128xi32, #tpu.memory_space<vmem>>
    %dma_start3A_13 = arith.constant 0 : i32
    %dma_start3A_14 = arith.constant 0 : i32
    %dma_start3A_15 = tpu.memref_slice %arg2[%dma_start3A_13, %dma_start3A_14] : memref<50000x128xf32, #tpu.memory_space<hbm>> -> memref<50000x128xf32, #tpu.memory_space<hbm>>
    tpu.enqueue_indirect_dma source(%dma_start3A_15 : memref<50000x128xf32, #tpu.memory_space<hbm>>) target(%arg7 : memref<128x128xf32, #tpu.memory_space<vmem>>) offsets(%dma_start3A_12 : memref<128xi32, #tpu.memory_space<vmem>>) semaphore(%arg10 : memref<!tpu.dma_semaphore, #tpu.memory_space<semaphore_mem>>)
    %dma_start3A_16 = arith.constant 2 : i32
    %dma_start3A_17 = arith.constant 0 : i32
    %dma_start3A_18 = tpu.memref_slice %arg5[%dma_start3A_16, %dma_start3A_17] : memref<3x128xi32, #tpu.memory_space<vmem>> -> memref<1x128xi32, #tpu.memory_space<vmem>>
    %dma_start3A_19 = tpu.memref_squeeze %dma_start3A_18 : memref<1x128xi32, #tpu.memory_space<vmem>> -> memref<128xi32, #tpu.memory_space<vmem>>
    %dma_start3A_20 = arith.constant 0 : i32
    %dma_start3A_21 = arith.constant 0 : i32
    %dma_start3A_22 = tpu.memref_slice %arg2[%dma_start3A_20, %dma_start3A_21] : memref<50000x128xf32, #tpu.memory_space<hbm>> -> memref<50000x128xf32, #tpu.memory_space<hbm>>
    tpu.enqueue_indirect_dma source(%dma_start3A_22 : memref<50000x128xf32, #tpu.memory_space<hbm>>) target(%arg8 : memref<128x128xf32, #tpu.memory_space<vmem>>) offsets(%dma_start3A_19 : memref<128xi32, #tpu.memory_space<vmem>>) semaphore(%arg11 : memref<!tpu.dma_semaphore, #tpu.memory_space<semaphore_mem>>)
    %add3A_23 = arith.constant 0 : i32
    %add3A_24 = arith.addi %mul3A_2, %add3A_23 : i32
    %multiple_of3A = tpu.assume_multiple %add3A_24, 128 : i32
    %dma_wait3A = arith.constant 0 : i32
    %dma_wait3A_25 = arith.constant 0 : i32
    %dma_wait3A_26 = tpu.memref_slice %arg5[%dma_wait3A, %dma_wait3A_25] : memref<3x128xi32, #tpu.memory_space<vmem>> -> memref<1x128xi32, #tpu.memory_space<vmem>>
    %dma_wait3A_27 = tpu.memref_squeeze %dma_wait3A_26 : memref<1x128xi32, #tpu.memory_space<vmem>> -> memref<128xi32, #tpu.memory_space<vmem>>
    %dma_wait3A_28 = arith.constant 0 : i32
    %dma_wait3A_29 = arith.constant 0 : i32
    %dma_wait3A_30 = tpu.memref_slice %arg2[%dma_wait3A_28, %dma_wait3A_29] : memref<50000x128xf32, #tpu.memory_space<hbm>> -> memref<50000x128xf32, #tpu.memory_space<hbm>>
    tpu.wait_indirect_dma semaphore(%arg9 : memref<!tpu.dma_semaphore, #tpu.memory_space<semaphore_mem>>) src(%dma_wait3A_30 : memref<50000x128xf32, #tpu.memory_space<hbm>>) dst(%arg6 : memref<128x128xf32, #tpu.memory_space<vmem>>)
    %dma_start3A_31 = arith.constant 0 : i32
    %dma_start3A_32 = tpu.memref_slice %arg4[%multiple_of3A, %dma_start3A_31] : memref<12288x128xf32, #tpu.memory_space<hbm>> -> memref<128x128xf32, #tpu.memory_space<hbm>>
    %dma_start3A_33 = arith.constant 0 : i32
    %dma_start3A_34 = tpu.memref_slice %arg4[%multiple_of3A, %dma_start3A_33] : memref<12288x128xf32, #tpu.memory_space<hbm>> -> memref<128x128xf32, #tpu.memory_space<hbm>>
    tpu.enqueue_dma source(%arg6 : memref<128x128xf32, #tpu.memory_space<vmem>>) target(%dma_start3A_34 : memref<128x128xf32, #tpu.memory_space<hbm>>) target_semaphore(%arg12 : memref<!tpu.dma_semaphore, #tpu.memory_space<semaphore_mem>>)
    %add3A_35 = arith.constant 128 : i32
    %add3A_36 = arith.addi %mul3A_2, %add3A_35 : i32
    %multiple_of3A_37 = tpu.assume_multiple %add3A_36, 128 : i32
    %dma_wait3A_38 = arith.constant 1 : i32
    %dma_wait3A_39 = arith.constant 0 : i32
    %dma_wait3A_40 = tpu.memref_slice %arg5[%dma_wait3A_38, %dma_wait3A_39] : memref<3x128xi32, #tpu.memory_space<vmem>> -> memref<1x128xi32, #tpu.memory_space<vmem>>
    %dma_wait3A_41 = tpu.memref_squeeze %dma_wait3A_40 : memref<1x128xi32, #tpu.memory_space<vmem>> -> memref<128xi32, #tpu.memory_space<vmem>>
    %dma_wait3A_42 = arith.constant 0 : i32
    %dma_wait3A_43 = arith.constant 0 : i32
    %dma_wait3A_44 = tpu.memref_slice %arg2[%dma_wait3A_42, %dma_wait3A_43] : memref<50000x128xf32, #tpu.memory_space<hbm>> -> memref<50000x128xf32, #tpu.memory_space<hbm>>
    tpu.wait_indirect_dma semaphore(%arg10 : memref<!tpu.dma_semaphore, #tpu.memory_space<semaphore_mem>>) src(%dma_wait3A_44 : memref<50000x128xf32, #tpu.memory_space<hbm>>) dst(%arg7 : memref<128x128xf32, #tpu.memory_space<vmem>>)
    %dma_start3A_45 = arith.constant 0 : i32
    %dma_start3A_46 = tpu.memref_slice %arg4[%multiple_of3A_37, %dma_start3A_45] : memref<12288x128xf32, #tpu.memory_space<hbm>> -> memref<128x128xf32, #tpu.memory_space<hbm>>
    %dma_start3A_47 = arith.constant 0 : i32
    %dma_start3A_48 = tpu.memref_slice %arg4[%multiple_of3A_37, %dma_start3A_47] : memref<12288x128xf32, #tpu.memory_space<hbm>> -> memref<128x128xf32, #tpu.memory_space<hbm>>
    tpu.enqueue_dma source(%arg7 : memref<128x128xf32, #tpu.memory_space<vmem>>) target(%dma_start3A_48 : memref<128x128xf32, #tpu.memory_space<hbm>>) target_semaphore(%arg12 : memref<!tpu.dma_semaphore, #tpu.memory_space<semaphore_mem>>)
    %add3A_49 = arith.constant 256 : i32
    %add3A_50 = arith.addi %mul3A_2, %add3A_49 : i32
    %multiple_of3A_51 = tpu.assume_multiple %add3A_50, 128 : i32
    %dma_wait3A_52 = arith.constant 2 : i32
    %dma_wait3A_53 = arith.constant 0 : i32
    %dma_wait3A_54 = tpu.memref_slice %arg5[%dma_wait3A_52, %dma_wait3A_53] : memref<3x128xi32, #tpu.memory_space<vmem>> -> memref<1x128xi32, #tpu.memory_space<vmem>>
    %dma_wait3A_55 = tpu.memref_squeeze %dma_wait3A_54 : memref<1x128xi32, #tpu.memory_space<vmem>> -> memref<128xi32, #tpu.memory_space<vmem>>
    %dma_wait3A_56 = arith.constant 0 : i32
    %dma_wait3A_57 = arith.constant 0 : i32
    %dma_wait3A_58 = tpu.memref_slice %arg2[%dma_wait3A_56, %dma_wait3A_57] : memref<50000x128xf32, #tpu.memory_space<hbm>> -> memref<50000x128xf32, #tpu.memory_space<hbm>>
    tpu.wait_indirect_dma semaphore(%arg11 : memref<!tpu.dma_semaphore, #tpu.memory_space<semaphore_mem>>) src(%dma_wait3A_58 : memref<50000x128xf32, #tpu.memory_space<hbm>>) dst(%arg8 : memref<128x128xf32, #tpu.memory_space<vmem>>)
    %dma_start3A_59 = arith.constant 0 : i32
    %dma_start3A_60 = tpu.memref_slice %arg4[%multiple_of3A_51, %dma_start3A_59] : memref<12288x128xf32, #tpu.memory_space<hbm>> -> memref<128x128xf32, #tpu.memory_space<hbm>>
    %dma_start3A_61 = arith.constant 0 : i32
    %dma_start3A_62 = tpu.memref_slice %arg4[%multiple_of3A_51, %dma_start3A_61] : memref<12288x128xf32, #tpu.memory_space<hbm>> -> memref<128x128xf32, #tpu.memory_space<hbm>>
    tpu.enqueue_dma source(%arg8 : memref<128x128xf32, #tpu.memory_space<vmem>>) target(%dma_start3A_62 : memref<128x128xf32, #tpu.memory_space<hbm>>) target_semaphore(%arg12 : memref<!tpu.dma_semaphore, #tpu.memory_space<semaphore_mem>>)
    %add3A_63 = arith.constant 0 : i32
    %add3A_64 = arith.addi %mul3A_2, %add3A_63 : i32
    %multiple_of3A_65 = tpu.assume_multiple %add3A_64, 128 : i32
    %dma_wait3A_66 = arith.constant 0 : i32
    %dma_wait3A_67 = tpu.memref_slice %arg4[%multiple_of3A_65, %dma_wait3A_66] : memref<12288x128xf32, #tpu.memory_space<hbm>> -> memref<128x128xf32, #tpu.memory_space<hbm>>
    %dma_wait3A_68 = arith.constant 0 : i32
    %dma_wait3A_69 = tpu.memref_slice %arg4[%multiple_of3A_65, %dma_wait3A_68] : memref<12288x128xf32, #tpu.memory_space<hbm>> -> memref<128x128xf32, #tpu.memory_space<hbm>>
    tpu.wait_dma2 semaphore(%arg12 : memref<!tpu.dma_semaphore, #tpu.memory_space<semaphore_mem>>) src(%arg6 : memref<128x128xf32, #tpu.memory_space<vmem>>) dst(%dma_wait3A_69 : memref<128x128xf32, #tpu.memory_space<hbm>>)
    %add3A_70 = arith.constant 128 : i32
    %add3A_71 = arith.addi %mul3A_2, %add3A_70 : i32
    %multiple_of3A_72 = tpu.assume_multiple %add3A_71, 128 : i32
    %dma_wait3A_73 = arith.constant 0 : i32
    %dma_wait3A_74 = tpu.memref_slice %arg4[%multiple_of3A_72, %dma_wait3A_73] : memref<12288x128xf32, #tpu.memory_space<hbm>> -> memref<128x128xf32, #tpu.memory_space<hbm>>
    %dma_wait3A_75 = arith.constant 0 : i32
    %dma_wait3A_76 = tpu.memref_slice %arg4[%multiple_of3A_72, %dma_wait3A_75] : memref<12288x128xf32, #tpu.memory_space<hbm>> -> memref<128x128xf32, #tpu.memory_space<hbm>>
    tpu.wait_dma2 semaphore(%arg12 : memref<!tpu.dma_semaphore, #tpu.memory_space<semaphore_mem>>) src(%arg7 : memref<128x128xf32, #tpu.memory_space<vmem>>) dst(%dma_wait3A_76 : memref<128x128xf32, #tpu.memory_space<hbm>>)
    %add3A_77 = arith.constant 256 : i32
    %add3A_78 = arith.addi %mul3A_2, %add3A_77 : i32
    %multiple_of3A_79 = tpu.assume_multiple %add3A_78, 128 : i32
    %dma_wait3A_80 = arith.constant 0 : i32
    %dma_wait3A_81 = tpu.memref_slice %arg4[%multiple_of3A_79, %dma_wait3A_80] : memref<12288x128xf32, #tpu.memory_space<hbm>> -> memref<128x128xf32, #tpu.memory_space<hbm>>
    %dma_wait3A_82 = arith.constant 0 : i32
    %dma_wait3A_83 = tpu.memref_slice %arg4[%multiple_of3A_79, %dma_wait3A_82] : memref<12288x128xf32, #tpu.memory_space<hbm>> -> memref<128x128xf32, #tpu.memory_space<hbm>>
    tpu.wait_dma2 semaphore(%arg12 : memref<!tpu.dma_semaphore, #tpu.memory_space<semaphore_mem>>) src(%arg8 : memref<128x128xf32, #tpu.memory_space<vmem>>) dst(%dma_wait3A_83 : memref<128x128xf32, #tpu.memory_space<hbm>>)
    return
  }
}

module attributes {stable_mosaic.version = 14 : i64} {
  func.func @_gru_body(%arg0: i32, %arg1: memref<1x1000x128xf32, #tpu.memory_space<vmem>>, %arg2: memref<1x1000x128xf32, #tpu.memory_space<vmem>>, %arg3: memref<1000x128xf32, #tpu.memory_space<vmem>>, %arg4: memref<128x384xf32, #tpu.memory_space<vmem>>, %arg5: memref<128x384xf32, #tpu.memory_space<vmem>>, %arg6: memref<1x384xf32, #tpu.memory_space<vmem>>, %arg7: memref<1x384xf32, #tpu.memory_space<vmem>>, %arg8: memref<1000x128xf32, #tpu.memory_space<vmem>>) attributes {dimension_semantics = [#tpu.dimension_semantics<arbitrary>], iteration_bounds = array<i64: 10>, scalar_prefetch = 0 : i64, scratch_operands = 0 : i64, tpu.core_type = #tpu.core_type<tc>, window_params = [{transform_indices = @transform_0, window_bounds = array<i64: 1, 1000, 128>}, {transform_indices = @transform_1, window_bounds = array<i64: 1, 1000, 128>}, {transform_indices = @transform_2, window_bounds = array<i64: 1000, 128>}, {pipeline_mode = #tpu.pipeline_mode<synchronous>, transform_indices = @transform_3, window_bounds = array<i64: 128, 384>}, {pipeline_mode = #tpu.pipeline_mode<synchronous>, transform_indices = @transform_4, window_bounds = array<i64: 128, 384>}, {pipeline_mode = #tpu.pipeline_mode<synchronous>, transform_indices = @transform_5, window_bounds = array<i64: 1, 384>}, {pipeline_mode = #tpu.pipeline_mode<synchronous>, transform_indices = @transform_6, window_bounds = array<i64: 1, 384>}, {transform_indices = @transform_7, window_bounds = array<i64: 1000, 128>}]} {
    %get3A = arith.constant 0 : index
    %get3A_0 = arith.constant 0 : index
    %get3A_1 = arith.constant 0 : index
    %get3A_2 = vector.load %arg1[%get3A, %get3A_0, %get3A_1] : memref<1x1000x128xf32, #tpu.memory_space<vmem>>, vector<1x1000x128xf32>
    %get3A_3 = vector.shape_cast %get3A_2 : vector<1x1000x128xf32> to vector<1000x128xf32>
    %get3A_4 = arith.constant 0 : index
    %get3A_5 = arith.constant 0 : index
    %get3A_6 = arith.constant 0 : index
    %get3A_7 = vector.load %arg2[%get3A_4, %get3A_5, %get3A_6] : memref<1x1000x128xf32, #tpu.memory_space<vmem>>, vector<1x1000x128xf32>
    %get3A_8 = vector.shape_cast %get3A_7 : vector<1x1000x128xf32> to vector<1000x128xf32>
    %get3A_9 = arith.constant 0 : index
    %get3A_10 = arith.constant 0 : index
    %get3A_11 = vector.load %arg3[%get3A_9, %get3A_10] : memref<1000x128xf32, #tpu.memory_space<vmem>>, vector<1000x128xf32>
    %get3A_12 = arith.constant 0 : index
    %get3A_13 = arith.constant 0 : index
    %get3A_14 = vector.load %arg4[%get3A_12, %get3A_13] : memref<128x384xf32, #tpu.memory_space<vmem>>, vector<128x384xf32>
    %get3A_15 = arith.constant 0 : index
    %get3A_16 = arith.constant 0 : index
    %get3A_17 = vector.load %arg5[%get3A_15, %get3A_16] : memref<128x384xf32, #tpu.memory_space<vmem>>, vector<128x384xf32>
    %get3A_18 = arith.constant 0 : index
    %get3A_19 = arith.constant 0 : index
    %get3A_20 = vector.load %arg6[%get3A_18, %get3A_19] : memref<1x384xf32, #tpu.memory_space<vmem>>, vector<1x384xf32>
    %get3A_21 = arith.constant 0 : index
    %get3A_22 = arith.constant 0 : index
    %get3A_23 = vector.load %arg7[%get3A_21, %get3A_22] : memref<1x384xf32, #tpu.memory_space<vmem>>, vector<1x384xf32>
    %add3A = arith.addf %get3A_3, %get3A_8 : vector<1000x128xf32>
    %dot_general3A = arith.constant dense<0.000000e+00> : vector<1000x384xf32>
    %dot_general3A_24 = tpu.matmul %add3A, %get3A_14, %dot_general3A {dimension_numbers = #tpu.dot_dimension_numbers<[1], [0], [0], [1], [0, 0, 1, 1], [], []>, transpose_lhs_hint = false} : vector<1000x128xf32>, vector<128x384xf32>, vector<1000x384xf32> -> vector<1000x384xf32>
    %add3A_25 = vector.broadcast %get3A_20 : vector<1x384xf32> to vector<1000x384xf32>
    %add3A_26 = arith.addf %dot_general3A_24, %add3A_25 : vector<1000x384xf32>
    %dot_general3A_27 = arith.constant dense<0.000000e+00> : vector<1000x384xf32>
    %dot_general3A_28 = tpu.matmul %get3A_11, %get3A_17, %dot_general3A_27 {dimension_numbers = #tpu.dot_dimension_numbers<[1], [0], [0], [1], [0, 0, 1, 1], [], []>, transpose_lhs_hint = false} : vector<1000x128xf32>, vector<128x384xf32>, vector<1000x384xf32> -> vector<1000x384xf32>
    %add3A_29 = vector.broadcast %get3A_23 : vector<1x384xf32> to vector<1000x384xf32>
    %add3A_30 = arith.addf %dot_general3A_28, %add3A_29 : vector<1000x384xf32>
    %slice3A = vector.extract_strided_slice %add3A_26 {offsets = [0, 0], sizes = [1000, 128], strides = [1, 1]} : vector<1000x384xf32> to vector<1000x128xf32>
    %slice3A_31 = vector.extract_strided_slice %add3A_30 {offsets = [0, 0], sizes = [1000, 128], strides = [1, 1]} : vector<1000x384xf32> to vector<1000x128xf32>
    %add3A_32 = arith.addf %slice3A, %slice3A_31 : vector<1000x128xf32>
    %logistic3A = arith.negf %add3A_32 : vector<1000x128xf32>
    %logistic3A_33 = math.exp %logistic3A : vector<1000x128xf32>
    %logistic3A_34 = arith.constant 1.000000e+00 : f32
    %logistic3A_35 = vector.broadcast %logistic3A_34 : f32 to vector<1000x128xf32>
    %logistic3A_36 = arith.addf %logistic3A_35, %logistic3A_33 : vector<1000x128xf32>
    %logistic3A_37 = arith.divf %logistic3A_35, %logistic3A_36 : vector<1000x128xf32>
    %slice3A_38 = vector.extract_strided_slice %add3A_26 {offsets = [0, 128], sizes = [1000, 128], strides = [1, 1]} : vector<1000x384xf32> to vector<1000x128xf32>
    %slice3A_39 = vector.extract_strided_slice %add3A_30 {offsets = [0, 128], sizes = [1000, 128], strides = [1, 1]} : vector<1000x384xf32> to vector<1000x128xf32>
    %add3A_40 = arith.addf %slice3A_38, %slice3A_39 : vector<1000x128xf32>
    %logistic3A_41 = arith.negf %add3A_40 : vector<1000x128xf32>
    %logistic3A_42 = math.exp %logistic3A_41 : vector<1000x128xf32>
    %logistic3A_43 = arith.constant 1.000000e+00 : f32
    %logistic3A_44 = vector.broadcast %logistic3A_43 : f32 to vector<1000x128xf32>
    %logistic3A_45 = arith.addf %logistic3A_44, %logistic3A_42 : vector<1000x128xf32>
    %logistic3A_46 = arith.divf %logistic3A_44, %logistic3A_45 : vector<1000x128xf32>
    %slice3A_47 = vector.extract_strided_slice %add3A_26 {offsets = [0, 256], sizes = [1000, 128], strides = [1, 1]} : vector<1000x384xf32> to vector<1000x128xf32>
    %slice3A_48 = vector.extract_strided_slice %add3A_30 {offsets = [0, 256], sizes = [1000, 128], strides = [1, 1]} : vector<1000x384xf32> to vector<1000x128xf32>
    %mul3A = arith.mulf %logistic3A_37, %slice3A_48 : vector<1000x128xf32>
    %add3A_49 = arith.addf %slice3A_47, %mul3A : vector<1000x128xf32>
    %tanh3A = math.tanh %add3A_49 : vector<1000x128xf32>
    %sub3A = arith.constant 1.000000e+00 : f32
    %sub3A_50 = vector.broadcast %sub3A : f32 to vector<1000x128xf32>
    %sub3A_51 = arith.subf %sub3A_50, %logistic3A_46 : vector<1000x128xf32>
    %mul3A_52 = arith.mulf %sub3A_51, %tanh3A : vector<1000x128xf32>
    %mul3A_53 = arith.mulf %logistic3A_46, %get3A_11 : vector<1000x128xf32>
    %add3A_54 = arith.addf %mul3A_52, %mul3A_53 : vector<1000x128xf32>
    %swap3A = arith.constant 0 : index
    %swap3A_55 = arith.constant 0 : index
    %swap3A_56 = vector.load %arg8[%swap3A, %swap3A_55] : memref<1000x128xf32, #tpu.memory_space<vmem>>, vector<1000x128xf32>
    tpu.vector_store %arg8[%swap3A, %swap3A_55], %add3A_54 {strides = array<i32>} : memref<1000x128xf32, #tpu.memory_space<vmem>>, vector<1000x128xf32>,
    return
  }
  func.func @transform_0(%arg0: i32) -> (i32, i32, i32) {
    %c0_i32 = arith.constant 0 : i32
    %c0_i32_0 = arith.constant 0 : i32
    %c0_i32_1 = arith.constant 0 : i32
    return %c0_i32, %arg0, %c0_i32_0 : i32, i32, i32
  }
  func.func @transform_1(%arg0: i32) -> (i32, i32, i32) {
    %c1_i32 = arith.constant 1 : i32
    %c0_i32 = arith.constant 0 : i32
    %c0_i32_0 = arith.constant 0 : i32
    return %c1_i32, %arg0, %c0_i32 : i32, i32, i32
  }
  func.func @transform_2(%arg0: i32) -> (i32, i32) {
    %c0_i32 = arith.constant 0 : i32
    %c0_i32_0 = arith.constant 0 : i32
    return %arg0, %c0_i32 : i32, i32
  }
  func.func @transform_3(%arg0: i32) -> (i32, i32) {
    %c0_i32 = arith.constant 0 : i32
    %c0_i32_0 = arith.constant 0 : i32
    %c0_i32_1 = arith.constant 0 : i32
    return %c0_i32, %c0_i32_0 : i32, i32
  }
  func.func @transform_4(%arg0: i32) -> (i32, i32) {
    %c0_i32 = arith.constant 0 : i32
    %c0_i32_0 = arith.constant 0 : i32
    %c0_i32_1 = arith.constant 0 : i32
    return %c0_i32, %c0_i32_0 : i32, i32
  }
  func.func @transform_5(%arg0: i32) -> (i32, i32) {
    %c0_i32 = arith.constant 0 : i32
    %c0_i32_0 = arith.constant 0 : i32
    %c0_i32_1 = arith.constant 0 : i32
    return %c0_i32, %c0_i32_0 : i32, i32
  }
  func.func @transform_6(%arg0: i32) -> (i32, i32) {
    %c0_i32 = arith.constant 0 : i32
    %c0_i32_0 = arith.constant 0 : i32
    %c0_i32_1 = arith.constant 0 : i32
    return %c0_i32, %c0_i32_0 : i32, i32
  }
  func.func @transform_7(%arg0: i32) -> (i32, i32) {
    %c0_i32 = arith.constant 0 : i32
    %c0_i32_0 = arith.constant 0 : i32
    return %arg0, %c0_i32 : i32, i32
  }
}

module attributes {stable_mosaic.version = 14 : i64} {
  func.func @_gru_tail_body(%arg0: i32, %arg1: memref<1x1000x128xf32, #tpu.memory_space<vmem>>, %arg2: memref<1x1000x128xf32, #tpu.memory_space<vmem>>, %arg3: memref<1000x128xf32, #tpu.memory_space<vmem>>, %arg4: memref<128x384xf32, #tpu.memory_space<vmem>>, %arg5: memref<128x384xf32, #tpu.memory_space<vmem>>, %arg6: memref<1x384xf32, #tpu.memory_space<vmem>>, %arg7: memref<1x384xf32, #tpu.memory_space<vmem>>, %arg8: memref<1000x1xi32, #tpu.memory_space<vmem>>, %arg9: memref<128x128xf32, #tpu.memory_space<vmem>>, %arg10: memref<1x128xf32, #tpu.memory_space<vmem>>, %arg11: memref<128x1xf32, #tpu.memory_space<vmem>>, %arg12: memref<1x1xf32, #tpu.memory_space<vmem>>, %arg13: memref<32x1xf32, #tpu.memory_space<vmem>>, %arg14: memref<32x128xf32, #tpu.memory_space<vmem>>) attributes {dimension_semantics = [#tpu.dimension_semantics<arbitrary>], iteration_bounds = array<i64: 10>, scalar_prefetch = 0 : i64, scratch_operands = 1 : i64, tpu.core_type = #tpu.core_type<tc>, window_params = [{transform_indices = @transform_0, window_bounds = array<i64: 1, 1000, 128>}, {transform_indices = @transform_1, window_bounds = array<i64: 1, 1000, 128>}, {transform_indices = @transform_2, window_bounds = array<i64: 1000, 128>}, {pipeline_mode = #tpu.pipeline_mode<synchronous>, transform_indices = @transform_3, window_bounds = array<i64: 128, 384>}, {pipeline_mode = #tpu.pipeline_mode<synchronous>, transform_indices = @transform_4, window_bounds = array<i64: 128, 384>}, {pipeline_mode = #tpu.pipeline_mode<synchronous>, transform_indices = @transform_5, window_bounds = array<i64: 1, 384>}, {pipeline_mode = #tpu.pipeline_mode<synchronous>, transform_indices = @transform_6, window_bounds = array<i64: 1, 384>}, {transform_indices = @transform_7, window_bounds = array<i64: 1000, 1>}, {pipeline_mode = #tpu.pipeline_mode<synchronous>, transform_indices = @transform_8, window_bounds = array<i64: 128, 128>}, {pipeline_mode = #tpu.pipeline_mode<synchronous>, transform_indices = @transform_9, window_bounds = array<i64: 1, 128>}, {pipeline_mode = #tpu.pipeline_mode<synchronous>, transform_indices = @transform_10, window_bounds = array<i64: 128, 1>}, {pipeline_mode = #tpu.pipeline_mode<synchronous>, transform_indices = @transform_11, window_bounds = array<i64: 1, 1>}, {pipeline_mode = #tpu.pipeline_mode<synchronous>, transform_indices = @transform_12, window_bounds = array<i64: 32, 1>}]} {
    %eq3A = arith.constant 0 : i32
    %eq3A_0 = arith.cmpi eq, %arg0, %eq3A : i32
    %convert_element_type3A = arith.extui %eq3A_0 : i1 to i32
    %cond3A = arith.constant 0 : i32
    %cond3A_1 = arith.cmpi ne, %convert_element_type3A, %cond3A : i32
    scf.if %cond3A_1 {
      %broadcast_in_dim3A_709 = arith.constant 0xFF800000 : f32
      %broadcast_in_dim3A_710 = vector.broadcast %broadcast_in_dim3A_709 : f32 to vector<32x128xf32>
      %swap3A_711 = arith.constant 0 : index
      %swap3A_712 = arith.constant 0 : index
      %swap3A_713 = vector.load %arg14[%swap3A_711, %swap3A_712] : memref<32x128xf32, #tpu.memory_space<vmem>>, vector<32x128xf32>
      tpu.vector_store %arg14[%swap3A_711, %swap3A_712], %broadcast_in_dim3A_710 {strides = array<i32>} : memref<32x128xf32, #tpu.memory_space<vmem>>, vector<32x128xf32>,
    } else {
    }
    %get3A = arith.constant 0 : index
    %get3A_2 = arith.constant 0 : index
    %get3A_3 = arith.constant 0 : index
    %get3A_4 = vector.load %arg1[%get3A, %get3A_2, %get3A_3] : memref<1x1000x128xf32, #tpu.memory_space<vmem>>, vector<1x1000x128xf32>
    %get3A_5 = vector.shape_cast %get3A_4 : vector<1x1000x128xf32> to vector<1000x128xf32>
    %get3A_6 = arith.constant 0 : index
    %get3A_7 = arith.constant 0 : index
    %get3A_8 = arith.constant 0 : index
    %get3A_9 = vector.load %arg2[%get3A_6, %get3A_7, %get3A_8] : memref<1x1000x128xf32, #tpu.memory_space<vmem>>, vector<1x1000x128xf32>
    %get3A_10 = vector.shape_cast %get3A_9 : vector<1x1000x128xf32> to vector<1000x128xf32>
    %get3A_11 = arith.constant 0 : index
    %get3A_12 = arith.constant 0 : index
    %get3A_13 = vector.load %arg3[%get3A_11, %get3A_12] : memref<1000x128xf32, #tpu.memory_space<vmem>>, vector<1000x128xf32>
    %get3A_14 = arith.constant 0 : index
    %get3A_15 = arith.constant 0 : index
    %get3A_16 = vector.load %arg4[%get3A_14, %get3A_15] : memref<128x384xf32, #tpu.memory_space<vmem>>, vector<128x384xf32>
    %get3A_17 = arith.constant 0 : index
    %get3A_18 = arith.constant 0 : index
    %get3A_19 = vector.load %arg5[%get3A_17, %get3A_18] : memref<128x384xf32, #tpu.memory_space<vmem>>, vector<128x384xf32>
    %get3A_20 = arith.constant 0 : index
    %get3A_21 = arith.constant 0 : index
    %get3A_22 = vector.load %arg6[%get3A_20, %get3A_21] : memref<1x384xf32, #tpu.memory_space<vmem>>, vector<1x384xf32>
    %get3A_23 = arith.constant 0 : index
    %get3A_24 = arith.constant 0 : index
    %get3A_25 = vector.load %arg7[%get3A_23, %get3A_24] : memref<1x384xf32, #tpu.memory_space<vmem>>, vector<1x384xf32>
    %add3A = arith.addf %get3A_5, %get3A_10 : vector<1000x128xf32>
    %dot_general3A = arith.constant dense<0.000000e+00> : vector<1000x384xf32>
    %dot_general3A_26 = tpu.matmul %add3A, %get3A_16, %dot_general3A {dimension_numbers = #tpu.dot_dimension_numbers<[1], [0], [0], [1], [0, 0, 1, 1], [], []>, transpose_lhs_hint = false} : vector<1000x128xf32>, vector<128x384xf32>, vector<1000x384xf32> -> vector<1000x384xf32>
    %add3A_27 = vector.broadcast %get3A_22 : vector<1x384xf32> to vector<1000x384xf32>
    %add3A_28 = arith.addf %dot_general3A_26, %add3A_27 : vector<1000x384xf32>
    %dot_general3A_29 = arith.constant dense<0.000000e+00> : vector<1000x384xf32>
    %dot_general3A_30 = tpu.matmul %get3A_13, %get3A_19, %dot_general3A_29 {dimension_numbers = #tpu.dot_dimension_numbers<[1], [0], [0], [1], [0, 0, 1, 1], [], []>, transpose_lhs_hint = false} : vector<1000x128xf32>, vector<128x384xf32>, vector<1000x384xf32> -> vector<1000x384xf32>
    %add3A_31 = vector.broadcast %get3A_25 : vector<1x384xf32> to vector<1000x384xf32>
    %add3A_32 = arith.addf %dot_general3A_30, %add3A_31 : vector<1000x384xf32>
    %slice3A = vector.extract_strided_slice %add3A_28 {offsets = [0, 0], sizes = [1000, 128], strides = [1, 1]} : vector<1000x384xf32> to vector<1000x128xf32>
    %slice3A_33 = vector.extract_strided_slice %add3A_32 {offsets = [0, 0], sizes = [1000, 128], strides = [1, 1]} : vector<1000x384xf32> to vector<1000x128xf32>
    %add3A_34 = arith.addf %slice3A, %slice3A_33 : vector<1000x128xf32>
    %logistic3A = arith.negf %add3A_34 : vector<1000x128xf32>
    %logistic3A_35 = math.exp %logistic3A : vector<1000x128xf32>
    %logistic3A_36 = arith.constant 1.000000e+00 : f32
    %logistic3A_37 = vector.broadcast %logistic3A_36 : f32 to vector<1000x128xf32>
    %logistic3A_38 = arith.addf %logistic3A_37, %logistic3A_35 : vector<1000x128xf32>
    %logistic3A_39 = arith.divf %logistic3A_37, %logistic3A_38 : vector<1000x128xf32>
    %slice3A_40 = vector.extract_strided_slice %add3A_28 {offsets = [0, 128], sizes = [1000, 128], strides = [1, 1]} : vector<1000x384xf32> to vector<1000x128xf32>
    %slice3A_41 = vector.extract_strided_slice %add3A_32 {offsets = [0, 128], sizes = [1000, 128], strides = [1, 1]} : vector<1000x384xf32> to vector<1000x128xf32>
    %add3A_42 = arith.addf %slice3A_40, %slice3A_41 : vector<1000x128xf32>
    %logistic3A_43 = arith.negf %add3A_42 : vector<1000x128xf32>
    %logistic3A_44 = math.exp %logistic3A_43 : vector<1000x128xf32>
    %logistic3A_45 = arith.constant 1.000000e+00 : f32
    %logistic3A_46 = vector.broadcast %logistic3A_45 : f32 to vector<1000x128xf32>
    %logistic3A_47 = arith.addf %logistic3A_46, %logistic3A_44 : vector<1000x128xf32>
    %logistic3A_48 = arith.divf %logistic3A_46, %logistic3A_47 : vector<1000x128xf32>
    %slice3A_49 = vector.extract_strided_slice %add3A_28 {offsets = [0, 256], sizes = [1000, 128], strides = [1, 1]} : vector<1000x384xf32> to vector<1000x128xf32>
    %slice3A_50 = vector.extract_strided_slice %add3A_32 {offsets = [0, 256], sizes = [1000, 128], strides = [1, 1]} : vector<1000x384xf32> to vector<1000x128xf32>
    %mul3A = arith.mulf %logistic3A_39, %slice3A_50 : vector<1000x128xf32>
    %add3A_51 = arith.addf %slice3A_49, %mul3A : vector<1000x128xf32>
    %tanh3A = math.tanh %add3A_51 : vector<1000x128xf32>
    %sub3A = arith.constant 1.000000e+00 : f32
    %sub3A_52 = vector.broadcast %sub3A : f32 to vector<1000x128xf32>
    %sub3A_53 = arith.subf %sub3A_52, %logistic3A_48 : vector<1000x128xf32>
    %mul3A_54 = arith.mulf %sub3A_53, %tanh3A : vector<1000x128xf32>
    %mul3A_55 = arith.mulf %logistic3A_48, %get3A_13 : vector<1000x128xf32>
    %add3A_56 = arith.addf %mul3A_54, %mul3A_55 : vector<1000x128xf32>
    %get3A_57 = arith.constant 0 : index
    %get3A_58 = arith.constant 0 : index
    %get3A_59 = vector.load %arg9[%get3A_57, %get3A_58] : memref<128x128xf32, #tpu.memory_space<vmem>>, vector<128x128xf32>
    %dot_general3A_60 = arith.constant dense<0.000000e+00> : vector<1000x128xf32>
    %dot_general3A_61 = tpu.matmul %add3A_56, %get3A_59, %dot_general3A_60 {dimension_numbers = #tpu.dot_dimension_numbers<[1], [0], [0], [1], [0, 0, 1, 1], [], []>, transpose_lhs_hint = false} : vector<1000x128xf32>, vector<128x128xf32>, vector<1000x128xf32> -> vector<1000x128xf32>
    %get3A_62 = arith.constant 0 : index
    %get3A_63 = arith.constant 0 : index
    %get3A_64 = vector.load %arg10[%get3A_62, %get3A_63] : memref<1x128xf32, #tpu.memory_space<vmem>>, vector<1x128xf32>
    %add3A_65 = vector.broadcast %get3A_64 : vector<1x128xf32> to vector<1000x128xf32>
    %add3A_66 = arith.addf %dot_general3A_61, %add3A_65 : vector<1000x128xf32>
    %get3A_67 = arith.constant 0 : index
    %get3A_68 = arith.constant 0 : index
    %get3A_69 = vector.load %arg8[%get3A_67, %get3A_68] : memref<1000x1xi32, #tpu.memory_space<vmem>>, vector<1000x1xi32>
    %eq3A_70 = arith.constant 0 : i32
    %eq3A_71 = vector.broadcast %eq3A_70 : i32 to vector<1000x1xi32>
    %eq3A_72 = arith.cmpi eq, %get3A_69, %eq3A_71 : vector<1000x1xi32>
    %jit3A = arith.constant 0.000000e+00 : f32
    %jit3A_73 = arith.constant 0xFF800000 : f32
    %broadcast_in_dim3A = vector.broadcast %jit3A : f32 to vector<1000x1xf32>
    %broadcast_in_dim3A_74 = vector.broadcast %jit3A_73 : f32 to vector<1000x1xf32>
    %select_n3A = arith.select %eq3A_72, %broadcast_in_dim3A, %broadcast_in_dim3A_74 : vector<1000x1xi1>, vector<1000x1xf32>
    %add3A_75 = vector.broadcast %select_n3A : vector<1000x1xf32> to vector<1000x128xf32>
    %add3A_76 = arith.addf %add3A_66, %add3A_75 : vector<1000x128xf32>
    %reduce_max3A = arith.constant dense<0xFF800000> : vector<128xf32>
    %reduce_max3A_77 = vector.multi_reduction <maximumf>, %add3A_76, %reduce_max3A [0] : vector<1000x128xf32> to vector<128xf32>
    %broadcast_in_dim3A_78 = vector.shape_cast %reduce_max3A_77 : vector<128xf32> to vector<1x128xf32>
    %get3A_79 = arith.constant 0 : index
    %get3A_80 = arith.constant 0 : index
    %get3A_81 = vector.load %arg14[%get3A_79, %get3A_80] : memref<32x128xf32, #tpu.memory_space<vmem>>, vector<1x128xf32>
    %max3A = arith.maximumf %get3A_81, %broadcast_in_dim3A_78 : vector<1x128xf32>
    %swap3A = arith.constant 0 : index
    %swap3A_82 = arith.constant 0 : index
    %swap3A_83 = vector.load %arg14[%swap3A, %swap3A_82] : memref<32x128xf32, #tpu.memory_space<vmem>>, vector<1x128xf32>
    tpu.vector_store %arg14[%swap3A, %swap3A_82], %max3A {strides = array<i32>} : memref<32x128xf32, #tpu.memory_space<vmem>>, vector<1x128xf32>,
    %eq3A_84 = arith.constant 1 : i32
    %eq3A_85 = vector.broadcast %eq3A_84 : i32 to vector<1000x1xi32>
    %eq3A_86 = arith.cmpi eq, %get3A_69, %eq3A_85 : vector<1000x1xi32>
    %jit3A_87 = arith.constant 0.000000e+00 : f32
    %jit3A_88 = arith.constant 0xFF800000 : f32
    %broadcast_in_dim3A_89 = vector.broadcast %jit3A_87 : f32 to vector<1000x1xf32>
    %broadcast_in_dim3A_90 = vector.broadcast %jit3A_88 : f32 to vector<1000x1xf32>
    %select_n3A_91 = arith.select %eq3A_86, %broadcast_in_dim3A_89, %broadcast_in_dim3A_90 : vector<1000x1xi1>, vector<1000x1xf32>
    %add3A_92 = vector.broadcast %select_n3A_91 : vector<1000x1xf32> to vector<1000x128xf32>
    %add3A_93 = arith.addf %add3A_66, %add3A_92 : vector<1000x128xf32>
    %reduce_max3A_94 = arith.constant dense<0xFF800000> : vector<128xf32>
    %reduce_max3A_95 = vector.multi_reduction <maximumf>, %add3A_93, %reduce_max3A_94 [0] : vector<1000x128xf32> to vector<128xf32>
    %broadcast_in_dim3A_96 = vector.shape_cast %reduce_max3A_95 : vector<128xf32> to vector<1x128xf32>
    %get3A_97 = arith.constant 1 : index
    %get3A_98 = arith.constant 0 : index
    %get3A_99 = vector.load %arg14[%get3A_97, %get3A_98] : memref<32x128xf32, #tpu.memory_space<vmem>>, vector<1x128xf32>
    %max3A_100 = arith.maximumf %get3A_99, %broadcast_in_dim3A_96 : vector<1x128xf32>
    %swap3A_101 = arith.constant 1 : index
    %swap3A_102 = arith.constant 0 : index
    %swap3A_103 = vector.load %arg14[%swap3A_101, %swap3A_102] : memref<32x128xf32, #tpu.memory_space<vmem>>, vector<1x128xf32>
    tpu.vector_store %arg14[%swap3A_101, %swap3A_102], %max3A_100 {strides = array<i32>} : memref<32x128xf32, #tpu.memory_space<vmem>>, vector<1x128xf32>,
    %eq3A_104 = arith.constant 2 : i32
    %eq3A_105 = vector.broadcast %eq3A_104 : i32 to vector<1000x1xi32>
    %eq3A_106 = arith.cmpi eq, %get3A_69, %eq3A_105 : vector<1000x1xi32>
    %jit3A_107 = arith.constant 0.000000e+00 : f32
    %jit3A_108 = arith.constant 0xFF800000 : f32
    %broadcast_in_dim3A_109 = vector.broadcast %jit3A_107 : f32 to vector<1000x1xf32>
    %broadcast_in_dim3A_110 = vector.broadcast %jit3A_108 : f32 to vector<1000x1xf32>
    %select_n3A_111 = arith.select %eq3A_106, %broadcast_in_dim3A_109, %broadcast_in_dim3A_110 : vector<1000x1xi1>, vector<1000x1xf32>
    %add3A_112 = vector.broadcast %select_n3A_111 : vector<1000x1xf32> to vector<1000x128xf32>
    %add3A_113 = arith.addf %add3A_66, %add3A_112 : vector<1000x128xf32>
    %reduce_max3A_114 = arith.constant dense<0xFF800000> : vector<128xf32>
    %reduce_max3A_115 = vector.multi_reduction <maximumf>, %add3A_113, %reduce_max3A_114 [0] : vector<1000x128xf32> to vector<128xf32>
    %broadcast_in_dim3A_116 = vector.shape_cast %reduce_max3A_115 : vector<128xf32> to vector<1x128xf32>
    %get3A_117 = arith.constant 2 : index
    %get3A_118 = arith.constant 0 : index
    %get3A_119 = vector.load %arg14[%get3A_117, %get3A_118] : memref<32x128xf32, #tpu.memory_space<vmem>>, vector<1x128xf32>
    %max3A_120 = arith.maximumf %get3A_119, %broadcast_in_dim3A_116 : vector<1x128xf32>
    %swap3A_121 = arith.constant 2 : index
    %swap3A_122 = arith.constant 0 : index
    %swap3A_123 = vector.load %arg14[%swap3A_121, %swap3A_122] : memref<32x128xf32, #tpu.memory_space<vmem>>, vector<1x128xf32>
    tpu.vector_store %arg14[%swap3A_121, %swap3A_122], %max3A_120 {strides = array<i32>} : memref<32x128xf32, #tpu.memory_space<vmem>>, vector<1x128xf32>,
    %eq3A_124 = arith.constant 3 : i32
    %eq3A_125 = vector.broadcast %eq3A_124 : i32 to vector<1000x1xi32>
    %eq3A_126 = arith.cmpi eq, %get3A_69, %eq3A_125 : vector<1000x1xi32>
    %jit3A_127 = arith.constant 0.000000e+00 : f32
    %jit3A_128 = arith.constant 0xFF800000 : f32
    %broadcast_in_dim3A_129 = vector.broadcast %jit3A_127 : f32 to vector<1000x1xf32>
    %broadcast_in_dim3A_130 = vector.broadcast %jit3A_128 : f32 to vector<1000x1xf32>
    %select_n3A_131 = arith.select %eq3A_126, %broadcast_in_dim3A_129, %broadcast_in_dim3A_130 : vector<1000x1xi1>, vector<1000x1xf32>
    %add3A_132 = vector.broadcast %select_n3A_131 : vector<1000x1xf32> to vector<1000x128xf32>
    %add3A_133 = arith.addf %add3A_66, %add3A_132 : vector<1000x128xf32>
    %reduce_max3A_134 = arith.constant dense<0xFF800000> : vector<128xf32>
    %reduce_max3A_135 = vector.multi_reduction <maximumf>, %add3A_133, %reduce_max3A_134 [0] : vector<1000x128xf32> to vector<128xf32>
    %broadcast_in_dim3A_136 = vector.shape_cast %reduce_max3A_135 : vector<128xf32> to vector<1x128xf32>
    %get3A_137 = arith.constant 3 : index
    %get3A_138 = arith.constant 0 : index
    %get3A_139 = vector.load %arg14[%get3A_137, %get3A_138] : memref<32x128xf32, #tpu.memory_space<vmem>>, vector<1x128xf32>
    %max3A_140 = arith.maximumf %get3A_139, %broadcast_in_dim3A_136 : vector<1x128xf32>
    %swap3A_141 = arith.constant 3 : index
    %swap3A_142 = arith.constant 0 : index
    %swap3A_143 = vector.load %arg14[%swap3A_141, %swap3A_142] : memref<32x128xf32, #tpu.memory_space<vmem>>, vector<1x128xf32>
    tpu.vector_store %arg14[%swap3A_141, %swap3A_142], %max3A_140 {strides = array<i32>} : memref<32x128xf32, #tpu.memory_space<vmem>>, vector<1x128xf32>,
    %eq3A_144 = arith.constant 4 : i32
    %eq3A_145 = vector.broadcast %eq3A_144 : i32 to vector<1000x1xi32>
    %eq3A_146 = arith.cmpi eq, %get3A_69, %eq3A_145 : vector<1000x1xi32>
    %jit3A_147 = arith.constant 0.000000e+00 : f32
    %jit3A_148 = arith.constant 0xFF800000 : f32
    %broadcast_in_dim3A_149 = vector.broadcast %jit3A_147 : f32 to vector<1000x1xf32>
    %broadcast_in_dim3A_150 = vector.broadcast %jit3A_148 : f32 to vector<1000x1xf32>
    %select_n3A_151 = arith.select %eq3A_146, %broadcast_in_dim3A_149, %broadcast_in_dim3A_150 : vector<1000x1xi1>, vector<1000x1xf32>
    %add3A_152 = vector.broadcast %select_n3A_151 : vector<1000x1xf32> to vector<1000x128xf32>
    %add3A_153 = arith.addf %add3A_66, %add3A_152 : vector<1000x128xf32>
    %reduce_max3A_154 = arith.constant dense<0xFF800000> : vector<128xf32>
    %reduce_max3A_155 = vector.multi_reduction <maximumf>, %add3A_153, %reduce_max3A_154 [0] : vector<1000x128xf32> to vector<128xf32>
    %broadcast_in_dim3A_156 = vector.shape_cast %reduce_max3A_155 : vector<128xf32> to vector<1x128xf32>
    %get3A_157 = arith.constant 4 : index
    %get3A_158 = arith.constant 0 : index
    %get3A_159 = vector.load %arg14[%get3A_157, %get3A_158] : memref<32x128xf32, #tpu.memory_space<vmem>>, vector<1x128xf32>
    %max3A_160 = arith.maximumf %get3A_159, %broadcast_in_dim3A_156 : vector<1x128xf32>
    %swap3A_161 = arith.constant 4 : index
    %swap3A_162 = arith.constant 0 : index
    %swap3A_163 = vector.load %arg14[%swap3A_161, %swap3A_162] : memref<32x128xf32, #tpu.memory_space<vmem>>, vector<1x128xf32>
    tpu.vector_store %arg14[%swap3A_161, %swap3A_162], %max3A_160 {strides = array<i32>} : memref<32x128xf32, #tpu.memory_space<vmem>>, vector<1x128xf32>,
    %eq3A_164 = arith.constant 5 : i32
    %eq3A_165 = vector.broadcast %eq3A_164 : i32 to vector<1000x1xi32>
    %eq3A_166 = arith.cmpi eq, %get3A_69, %eq3A_165 : vector<1000x1xi32>
    %jit3A_167 = arith.constant 0.000000e+00 : f32
    %jit3A_168 = arith.constant 0xFF800000 : f32
    %broadcast_in_dim3A_169 = vector.broadcast %jit3A_167 : f32 to vector<1000x1xf32>
    %broadcast_in_dim3A_170 = vector.broadcast %jit3A_168 : f32 to vector<1000x1xf32>
    %select_n3A_171 = arith.select %eq3A_166, %broadcast_in_dim3A_169, %broadcast_in_dim3A_170 : vector<1000x1xi1>, vector<1000x1xf32>
    %add3A_172 = vector.broadcast %select_n3A_171 : vector<1000x1xf32> to vector<1000x128xf32>
    %add3A_173 = arith.addf %add3A_66, %add3A_172 : vector<1000x128xf32>
    %reduce_max3A_174 = arith.constant dense<0xFF800000> : vector<128xf32>
    %reduce_max3A_175 = vector.multi_reduction <maximumf>, %add3A_173, %reduce_max3A_174 [0] : vector<1000x128xf32> to vector<128xf32>
    %broadcast_in_dim3A_176 = vector.shape_cast %reduce_max3A_175 : vector<128xf32> to vector<1x128xf32>
    %get3A_177 = arith.constant 5 : index
    %get3A_178 = arith.constant 0 : index
    %get3A_179 = vector.load %arg14[%get3A_177, %get3A_178] : memref<32x128xf32, #tpu.memory_space<vmem>>, vector<1x128xf32>
    %max3A_180 = arith.maximumf %get3A_179, %broadcast_in_dim3A_176 : vector<1x128xf32>
    %swap3A_181 = arith.constant 5 : index
    %swap3A_182 = arith.constant 0 : index
    %swap3A_183 = vector.load %arg14[%swap3A_181, %swap3A_182] : memref<32x128xf32, #tpu.memory_space<vmem>>, vector<1x128xf32>
    tpu.vector_store %arg14[%swap3A_181, %swap3A_182], %max3A_180 {strides = array<i32>} : memref<32x128xf32, #tpu.memory_space<vmem>>, vector<1x128xf32>,
    %eq3A_184 = arith.constant 6 : i32
    %eq3A_185 = vector.broadcast %eq3A_184 : i32 to vector<1000x1xi32>
    %eq3A_186 = arith.cmpi eq, %get3A_69, %eq3A_185 : vector<1000x1xi32>
    %jit3A_187 = arith.constant 0.000000e+00 : f32
    %jit3A_188 = arith.constant 0xFF800000 : f32
    %broadcast_in_dim3A_189 = vector.broadcast %jit3A_187 : f32 to vector<1000x1xf32>
    %broadcast_in_dim3A_190 = vector.broadcast %jit3A_188 : f32 to vector<1000x1xf32>
    %select_n3A_191 = arith.select %eq3A_186, %broadcast_in_dim3A_189, %broadcast_in_dim3A_190 : vector<1000x1xi1>, vector<1000x1xf32>
    %add3A_192 = vector.broadcast %select_n3A_191 : vector<1000x1xf32> to vector<1000x128xf32>
    %add3A_193 = arith.addf %add3A_66, %add3A_192 : vector<1000x128xf32>
    %reduce_max3A_194 = arith.constant dense<0xFF800000> : vector<128xf32>
    %reduce_max3A_195 = vector.multi_reduction <maximumf>, %add3A_193, %reduce_max3A_194 [0] : vector<1000x128xf32> to vector<128xf32>
    %broadcast_in_dim3A_196 = vector.shape_cast %reduce_max3A_195 : vector<128xf32> to vector<1x128xf32>
    %get3A_197 = arith.constant 6 : index
    %get3A_198 = arith.constant 0 : index
    %get3A_199 = vector.load %arg14[%get3A_197, %get3A_198] : memref<32x128xf32, #tpu.memory_space<vmem>>, vector<1x128xf32>
    %max3A_200 = arith.maximumf %get3A_199, %broadcast_in_dim3A_196 : vector<1x128xf32>
    %swap3A_201 = arith.constant 6 : index
    %swap3A_202 = arith.constant 0 : index
    %swap3A_203 = vector.load %arg14[%swap3A_201, %swap3A_202] : memref<32x128xf32, #tpu.memory_space<vmem>>, vector<1x128xf32>
    tpu.vector_store %arg14[%swap3A_201, %swap3A_202], %max3A_200 {strides = array<i32>} : memref<32x128xf32, #tpu.memory_space<vmem>>, vector<1x128xf32>,
    %eq3A_204 = arith.constant 7 : i32
    %eq3A_205 = vector.broadcast %eq3A_204 : i32 to vector<1000x1xi32>
    %eq3A_206 = arith.cmpi eq, %get3A_69, %eq3A_205 : vector<1000x1xi32>
    %jit3A_207 = arith.constant 0.000000e+00 : f32
    %jit3A_208 = arith.constant 0xFF800000 : f32
    %broadcast_in_dim3A_209 = vector.broadcast %jit3A_207 : f32 to vector<1000x1xf32>
    %broadcast_in_dim3A_210 = vector.broadcast %jit3A_208 : f32 to vector<1000x1xf32>
    %select_n3A_211 = arith.select %eq3A_206, %broadcast_in_dim3A_209, %broadcast_in_dim3A_210 : vector<1000x1xi1>, vector<1000x1xf32>
    %add3A_212 = vector.broadcast %select_n3A_211 : vector<1000x1xf32> to vector<1000x128xf32>
    %add3A_213 = arith.addf %add3A_66, %add3A_212 : vector<1000x128xf32>
    %reduce_max3A_214 = arith.constant dense<0xFF800000> : vector<128xf32>
    %reduce_max3A_215 = vector.multi_reduction <maximumf>, %add3A_213, %reduce_max3A_214 [0] : vector<1000x128xf32> to vector<128xf32>
    %broadcast_in_dim3A_216 = vector.shape_cast %reduce_max3A_215 : vector<128xf32> to vector<1x128xf32>
    %get3A_217 = arith.constant 7 : index
    %get3A_218 = arith.constant 0 : index
    %get3A_219 = vector.load %arg14[%get3A_217, %get3A_218] : memref<32x128xf32, #tpu.memory_space<vmem>>, vector<1x128xf32>
    %max3A_220 = arith.maximumf %get3A_219, %broadcast_in_dim3A_216 : vector<1x128xf32>
    %swap3A_221 = arith.constant 7 : index
    %swap3A_222 = arith.constant 0 : index
    %swap3A_223 = vector.load %arg14[%swap3A_221, %swap3A_222] : memref<32x128xf32, #tpu.memory_space<vmem>>, vector<1x128xf32>
    tpu.vector_store %arg14[%swap3A_221, %swap3A_222], %max3A_220 {strides = array<i32>} : memref<32x128xf32, #tpu.memory_space<vmem>>, vector<1x128xf32>,
    %eq3A_224 = arith.constant 8 : i32
    %eq3A_225 = vector.broadcast %eq3A_224 : i32 to vector<1000x1xi32>
    %eq3A_226 = arith.cmpi eq, %get3A_69, %eq3A_225 : vector<1000x1xi32>
    %jit3A_227 = arith.constant 0.000000e+00 : f32
    %jit3A_228 = arith.constant 0xFF800000 : f32
    %broadcast_in_dim3A_229 = vector.broadcast %jit3A_227 : f32 to vector<1000x1xf32>
    %broadcast_in_dim3A_230 = vector.broadcast %jit3A_228 : f32 to vector<1000x1xf32>
    %select_n3A_231 = arith.select %eq3A_226, %broadcast_in_dim3A_229, %broadcast_in_dim3A_230 : vector<1000x1xi1>, vector<1000x1xf32>
    %add3A_232 = vector.broadcast %select_n3A_231 : vector<1000x1xf32> to vector<1000x128xf32>
    %add3A_233 = arith.addf %add3A_66, %add3A_232 : vector<1000x128xf32>
    %reduce_max3A_234 = arith.constant dense<0xFF800000> : vector<128xf32>
    %reduce_max3A_235 = vector.multi_reduction <maximumf>, %add3A_233, %reduce_max3A_234 [0] : vector<1000x128xf32> to vector<128xf32>
    %broadcast_in_dim3A_236 = vector.shape_cast %reduce_max3A_235 : vector<128xf32> to vector<1x128xf32>
    %get3A_237 = arith.constant 8 : index
    %get3A_238 = arith.constant 0 : index
    %get3A_239 = vector.load %arg14[%get3A_237, %get3A_238] : memref<32x128xf32, #tpu.memory_space<vmem>>, vector<1x128xf32>
    %max3A_240 = arith.maximumf %get3A_239, %broadcast_in_dim3A_236 : vector<1x128xf32>
    %swap3A_241 = arith.constant 8 : index
    %swap3A_242 = arith.constant 0 : index
    %swap3A_243 = vector.load %arg14[%swap3A_241, %swap3A_242] : memref<32x128xf32, #tpu.memory_space<vmem>>, vector<1x128xf32>
    tpu.vector_store %arg14[%swap3A_241, %swap3A_242], %max3A_240 {strides = array<i32>} : memref<32x128xf32, #tpu.memory_space<vmem>>, vector<1x128xf32>,
    %eq3A_244 = arith.constant 9 : i32
    %eq3A_245 = vector.broadcast %eq3A_244 : i32 to vector<1000x1xi32>
    %eq3A_246 = arith.cmpi eq, %get3A_69, %eq3A_245 : vector<1000x1xi32>
    %jit3A_247 = arith.constant 0.000000e+00 : f32
    %jit3A_248 = arith.constant 0xFF800000 : f32
    %broadcast_in_dim3A_249 = vector.broadcast %jit3A_247 : f32 to vector<1000x1xf32>
    %broadcast_in_dim3A_250 = vector.broadcast %jit3A_248 : f32 to vector<1000x1xf32>
    %select_n3A_251 = arith.select %eq3A_246, %broadcast_in_dim3A_249, %broadcast_in_dim3A_250 : vector<1000x1xi1>, vector<1000x1xf32>
    %add3A_252 = vector.broadcast %select_n3A_251 : vector<1000x1xf32> to vector<1000x128xf32>
    %add3A_253 = arith.addf %add3A_66, %add3A_252 : vector<1000x128xf32>
    %reduce_max3A_254 = arith.constant dense<0xFF800000> : vector<128xf32>
    %reduce_max3A_255 = vector.multi_reduction <maximumf>, %add3A_253, %reduce_max3A_254 [0] : vector<1000x128xf32> to vector<128xf32>
    %broadcast_in_dim3A_256 = vector.shape_cast %reduce_max3A_255 : vector<128xf32> to vector<1x128xf32>
    %get3A_257 = arith.constant 9 : index
    %get3A_258 = arith.constant 0 : index
    %get3A_259 = vector.load %arg14[%get3A_257, %get3A_258] : memref<32x128xf32, #tpu.memory_space<vmem>>, vector<1x128xf32>
    %max3A_260 = arith.maximumf %get3A_259, %broadcast_in_dim3A_256 : vector<1x128xf32>
    %swap3A_261 = arith.constant 9 : index
    %swap3A_262 = arith.constant 0 : index
    %swap3A_263 = vector.load %arg14[%swap3A_261, %swap3A_262] : memref<32x128xf32, #tpu.memory_space<vmem>>, vector<1x128xf32>
    tpu.vector_store %arg14[%swap3A_261, %swap3A_262], %max3A_260 {strides = array<i32>} : memref<32x128xf32, #tpu.memory_space<vmem>>, vector<1x128xf32>,
    %eq3A_264 = arith.constant 10 : i32
    %eq3A_265 = vector.broadcast %eq3A_264 : i32 to vector<1000x1xi32>
    %eq3A_266 = arith.cmpi eq, %get3A_69, %eq3A_265 : vector<1000x1xi32>
    %jit3A_267 = arith.constant 0.000000e+00 : f32
    %jit3A_268 = arith.constant 0xFF800000 : f32
    %broadcast_in_dim3A_269 = vector.broadcast %jit3A_267 : f32 to vector<1000x1xf32>
    %broadcast_in_dim3A_270 = vector.broadcast %jit3A_268 : f32 to vector<1000x1xf32>
    %select_n3A_271 = arith.select %eq3A_266, %broadcast_in_dim3A_269, %broadcast_in_dim3A_270 : vector<1000x1xi1>, vector<1000x1xf32>
    %add3A_272 = vector.broadcast %select_n3A_271 : vector<1000x1xf32> to vector<1000x128xf32>
    %add3A_273 = arith.addf %add3A_66, %add3A_272 : vector<1000x128xf32>
    %reduce_max3A_274 = arith.constant dense<0xFF800000> : vector<128xf32>
    %reduce_max3A_275 = vector.multi_reduction <maximumf>, %add3A_273, %reduce_max3A_274 [0] : vector<1000x128xf32> to vector<128xf32>
    %broadcast_in_dim3A_276 = vector.shape_cast %reduce_max3A_275 : vector<128xf32> to vector<1x128xf32>
    %get3A_277 = arith.constant 10 : index
    %get3A_278 = arith.constant 0 : index
    %get3A_279 = vector.load %arg14[%get3A_277, %get3A_278] : memref<32x128xf32, #tpu.memory_space<vmem>>, vector<1x128xf32>
    %max3A_280 = arith.maximumf %get3A_279, %broadcast_in_dim3A_276 : vector<1x128xf32>
    %swap3A_281 = arith.constant 10 : index
    %swap3A_282 = arith.constant 0 : index
    %swap3A_283 = vector.load %arg14[%swap3A_281, %swap3A_282] : memref<32x128xf32, #tpu.memory_space<vmem>>, vector<1x128xf32>
    tpu.vector_store %arg14[%swap3A_281, %swap3A_282], %max3A_280 {strides = array<i32>} : memref<32x128xf32, #tpu.memory_space<vmem>>, vector<1x128xf32>,
    %eq3A_284 = arith.constant 11 : i32
    %eq3A_285 = vector.broadcast %eq3A_284 : i32 to vector<1000x1xi32>
    %eq3A_286 = arith.cmpi eq, %get3A_69, %eq3A_285 : vector<1000x1xi32>
    %jit3A_287 = arith.constant 0.000000e+00 : f32
    %jit3A_288 = arith.constant 0xFF800000 : f32
    %broadcast_in_dim3A_289 = vector.broadcast %jit3A_287 : f32 to vector<1000x1xf32>
    %broadcast_in_dim3A_290 = vector.broadcast %jit3A_288 : f32 to vector<1000x1xf32>
    %select_n3A_291 = arith.select %eq3A_286, %broadcast_in_dim3A_289, %broadcast_in_dim3A_290 : vector<1000x1xi1>, vector<1000x1xf32>
    %add3A_292 = vector.broadcast %select_n3A_291 : vector<1000x1xf32> to vector<1000x128xf32>
    %add3A_293 = arith.addf %add3A_66, %add3A_292 : vector<1000x128xf32>
    %reduce_max3A_294 = arith.constant dense<0xFF800000> : vector<128xf32>
    %reduce_max3A_295 = vector.multi_reduction <maximumf>, %add3A_293, %reduce_max3A_294 [0] : vector<1000x128xf32> to vector<128xf32>
    %broadcast_in_dim3A_296 = vector.shape_cast %reduce_max3A_295 : vector<128xf32> to vector<1x128xf32>
    %get3A_297 = arith.constant 11 : index
    %get3A_298 = arith.constant 0 : index
    %get3A_299 = vector.load %arg14[%get3A_297, %get3A_298] : memref<32x128xf32, #tpu.memory_space<vmem>>, vector<1x128xf32>
    %max3A_300 = arith.maximumf %get3A_299, %broadcast_in_dim3A_296 : vector<1x128xf32>
    %swap3A_301 = arith.constant 11 : index
    %swap3A_302 = arith.constant 0 : index
    %swap3A_303 = vector.load %arg14[%swap3A_301, %swap3A_302] : memref<32x128xf32, #tpu.memory_space<vmem>>, vector<1x128xf32>
    tpu.vector_store %arg14[%swap3A_301, %swap3A_302], %max3A_300 {strides = array<i32>} : memref<32x128xf32, #tpu.memory_space<vmem>>, vector<1x128xf32>,
    %eq3A_304 = arith.constant 12 : i32
    %eq3A_305 = vector.broadcast %eq3A_304 : i32 to vector<1000x1xi32>
    %eq3A_306 = arith.cmpi eq, %get3A_69, %eq3A_305 : vector<1000x1xi32>
    %jit3A_307 = arith.constant 0.000000e+00 : f32
    %jit3A_308 = arith.constant 0xFF800000 : f32
    %broadcast_in_dim3A_309 = vector.broadcast %jit3A_307 : f32 to vector<1000x1xf32>
    %broadcast_in_dim3A_310 = vector.broadcast %jit3A_308 : f32 to vector<1000x1xf32>
    %select_n3A_311 = arith.select %eq3A_306, %broadcast_in_dim3A_309, %broadcast_in_dim3A_310 : vector<1000x1xi1>, vector<1000x1xf32>
    %add3A_312 = vector.broadcast %select_n3A_311 : vector<1000x1xf32> to vector<1000x128xf32>
    %add3A_313 = arith.addf %add3A_66, %add3A_312 : vector<1000x128xf32>
    %reduce_max3A_314 = arith.constant dense<0xFF800000> : vector<128xf32>
    %reduce_max3A_315 = vector.multi_reduction <maximumf>, %add3A_313, %reduce_max3A_314 [0] : vector<1000x128xf32> to vector<128xf32>
    %broadcast_in_dim3A_316 = vector.shape_cast %reduce_max3A_315 : vector<128xf32> to vector<1x128xf32>
    %get3A_317 = arith.constant 12 : index
    %get3A_318 = arith.constant 0 : index
    %get3A_319 = vector.load %arg14[%get3A_317, %get3A_318] : memref<32x128xf32, #tpu.memory_space<vmem>>, vector<1x128xf32>
    %max3A_320 = arith.maximumf %get3A_319, %broadcast_in_dim3A_316 : vector<1x128xf32>
    %swap3A_321 = arith.constant 12 : index
    %swap3A_322 = arith.constant 0 : index
    %swap3A_323 = vector.load %arg14[%swap3A_321, %swap3A_322] : memref<32x128xf32, #tpu.memory_space<vmem>>, vector<1x128xf32>
    tpu.vector_store %arg14[%swap3A_321, %swap3A_322], %max3A_320 {strides = array<i32>} : memref<32x128xf32, #tpu.memory_space<vmem>>, vector<1x128xf32>,
    %eq3A_324 = arith.constant 13 : i32
    %eq3A_325 = vector.broadcast %eq3A_324 : i32 to vector<1000x1xi32>
    %eq3A_326 = arith.cmpi eq, %get3A_69, %eq3A_325 : vector<1000x1xi32>
    %jit3A_327 = arith.constant 0.000000e+00 : f32
    %jit3A_328 = arith.constant 0xFF800000 : f32
    %broadcast_in_dim3A_329 = vector.broadcast %jit3A_327 : f32 to vector<1000x1xf32>
    %broadcast_in_dim3A_330 = vector.broadcast %jit3A_328 : f32 to vector<1000x1xf32>
    %select_n3A_331 = arith.select %eq3A_326, %broadcast_in_dim3A_329, %broadcast_in_dim3A_330 : vector<1000x1xi1>, vector<1000x1xf32>
    %add3A_332 = vector.broadcast %select_n3A_331 : vector<1000x1xf32> to vector<1000x128xf32>
    %add3A_333 = arith.addf %add3A_66, %add3A_332 : vector<1000x128xf32>
    %reduce_max3A_334 = arith.constant dense<0xFF800000> : vector<128xf32>
    %reduce_max3A_335 = vector.multi_reduction <maximumf>, %add3A_333, %reduce_max3A_334 [0] : vector<1000x128xf32> to vector<128xf32>
    %broadcast_in_dim3A_336 = vector.shape_cast %reduce_max3A_335 : vector<128xf32> to vector<1x128xf32>
    %get3A_337 = arith.constant 13 : index
    %get3A_338 = arith.constant 0 : index
    %get3A_339 = vector.load %arg14[%get3A_337, %get3A_338] : memref<32x128xf32, #tpu.memory_space<vmem>>, vector<1x128xf32>
    %max3A_340 = arith.maximumf %get3A_339, %broadcast_in_dim3A_336 : vector<1x128xf32>
    %swap3A_341 = arith.constant 13 : index
    %swap3A_342 = arith.constant 0 : index
    %swap3A_343 = vector.load %arg14[%swap3A_341, %swap3A_342] : memref<32x128xf32, #tpu.memory_space<vmem>>, vector<1x128xf32>
    tpu.vector_store %arg14[%swap3A_341, %swap3A_342], %max3A_340 {strides = array<i32>} : memref<32x128xf32, #tpu.memory_space<vmem>>, vector<1x128xf32>,
    %eq3A_344 = arith.constant 14 : i32
    %eq3A_345 = vector.broadcast %eq3A_344 : i32 to vector<1000x1xi32>
    %eq3A_346 = arith.cmpi eq, %get3A_69, %eq3A_345 : vector<1000x1xi32>
    %jit3A_347 = arith.constant 0.000000e+00 : f32
    %jit3A_348 = arith.constant 0xFF800000 : f32
    %broadcast_in_dim3A_349 = vector.broadcast %jit3A_347 : f32 to vector<1000x1xf32>
    %broadcast_in_dim3A_350 = vector.broadcast %jit3A_348 : f32 to vector<1000x1xf32>
    %select_n3A_351 = arith.select %eq3A_346, %broadcast_in_dim3A_349, %broadcast_in_dim3A_350 : vector<1000x1xi1>, vector<1000x1xf32>
    %add3A_352 = vector.broadcast %select_n3A_351 : vector<1000x1xf32> to vector<1000x128xf32>
    %add3A_353 = arith.addf %add3A_66, %add3A_352 : vector<1000x128xf32>
    %reduce_max3A_354 = arith.constant dense<0xFF800000> : vector<128xf32>
    %reduce_max3A_355 = vector.multi_reduction <maximumf>, %add3A_353, %reduce_max3A_354 [0] : vector<1000x128xf32> to vector<128xf32>
    %broadcast_in_dim3A_356 = vector.shape_cast %reduce_max3A_355 : vector<128xf32> to vector<1x128xf32>
    %get3A_357 = arith.constant 14 : index
    %get3A_358 = arith.constant 0 : index
    %get3A_359 = vector.load %arg14[%get3A_357, %get3A_358] : memref<32x128xf32, #tpu.memory_space<vmem>>, vector<1x128xf32>
    %max3A_360 = arith.maximumf %get3A_359, %broadcast_in_dim3A_356 : vector<1x128xf32>
    %swap3A_361 = arith.constant 14 : index
    %swap3A_362 = arith.constant 0 : index
    %swap3A_363 = vector.load %arg14[%swap3A_361, %swap3A_362] : memref<32x128xf32, #tpu.memory_space<vmem>>, vector<1x128xf32>
    tpu.vector_store %arg14[%swap3A_361, %swap3A_362], %max3A_360 {strides = array<i32>} : memref<32x128xf32, #tpu.memory_space<vmem>>, vector<1x128xf32>,
    %eq3A_364 = arith.constant 15 : i32
    %eq3A_365 = vector.broadcast %eq3A_364 : i32 to vector<1000x1xi32>
    %eq3A_366 = arith.cmpi eq, %get3A_69, %eq3A_365 : vector<1000x1xi32>
    %jit3A_367 = arith.constant 0.000000e+00 : f32
    %jit3A_368 = arith.constant 0xFF800000 : f32
    %broadcast_in_dim3A_369 = vector.broadcast %jit3A_367 : f32 to vector<1000x1xf32>
    %broadcast_in_dim3A_370 = vector.broadcast %jit3A_368 : f32 to vector<1000x1xf32>
    %select_n3A_371 = arith.select %eq3A_366, %broadcast_in_dim3A_369, %broadcast_in_dim3A_370 : vector<1000x1xi1>, vector<1000x1xf32>
    %add3A_372 = vector.broadcast %select_n3A_371 : vector<1000x1xf32> to vector<1000x128xf32>
    %add3A_373 = arith.addf %add3A_66, %add3A_372 : vector<1000x128xf32>
    %reduce_max3A_374 = arith.constant dense<0xFF800000> : vector<128xf32>
    %reduce_max3A_375 = vector.multi_reduction <maximumf>, %add3A_373, %reduce_max3A_374 [0] : vector<1000x128xf32> to vector<128xf32>
    %broadcast_in_dim3A_376 = vector.shape_cast %reduce_max3A_375 : vector<128xf32> to vector<1x128xf32>
    %get3A_377 = arith.constant 15 : index
    %get3A_378 = arith.constant 0 : index
    %get3A_379 = vector.load %arg14[%get3A_377, %get3A_378] : memref<32x128xf32, #tpu.memory_space<vmem>>, vector<1x128xf32>
    %max3A_380 = arith.maximumf %get3A_379, %broadcast_in_dim3A_376 : vector<1x128xf32>
    %swap3A_381 = arith.constant 15 : index
    %swap3A_382 = arith.constant 0 : index
    %swap3A_383 = vector.load %arg14[%swap3A_381, %swap3A_382] : memref<32x128xf32, #tpu.memory_space<vmem>>, vector<1x128xf32>
    tpu.vector_store %arg14[%swap3A_381, %swap3A_382], %max3A_380 {strides = array<i32>} : memref<32x128xf32, #tpu.memory_space<vmem>>, vector<1x128xf32>,
    %eq3A_384 = arith.constant 16 : i32
    %eq3A_385 = vector.broadcast %eq3A_384 : i32 to vector<1000x1xi32>
    %eq3A_386 = arith.cmpi eq, %get3A_69, %eq3A_385 : vector<1000x1xi32>
    %jit3A_387 = arith.constant 0.000000e+00 : f32
    %jit3A_388 = arith.constant 0xFF800000 : f32
    %broadcast_in_dim3A_389 = vector.broadcast %jit3A_387 : f32 to vector<1000x1xf32>
    %broadcast_in_dim3A_390 = vector.broadcast %jit3A_388 : f32 to vector<1000x1xf32>
    %select_n3A_391 = arith.select %eq3A_386, %broadcast_in_dim3A_389, %broadcast_in_dim3A_390 : vector<1000x1xi1>, vector<1000x1xf32>
    %add3A_392 = vector.broadcast %select_n3A_391 : vector<1000x1xf32> to vector<1000x128xf32>
    %add3A_393 = arith.addf %add3A_66, %add3A_392 : vector<1000x128xf32>
    %reduce_max3A_394 = arith.constant dense<0xFF800000> : vector<128xf32>
    %reduce_max3A_395 = vector.multi_reduction <maximumf>, %add3A_393, %reduce_max3A_394 [0] : vector<1000x128xf32> to vector<128xf32>
    %broadcast_in_dim3A_396 = vector.shape_cast %reduce_max3A_395 : vector<128xf32> to vector<1x128xf32>
    %get3A_397 = arith.constant 16 : index
    %get3A_398 = arith.constant 0 : index
    %get3A_399 = vector.load %arg14[%get3A_397, %get3A_398] : memref<32x128xf32, #tpu.memory_space<vmem>>, vector<1x128xf32>
    %max3A_400 = arith.maximumf %get3A_399, %broadcast_in_dim3A_396 : vector<1x128xf32>
    %swap3A_401 = arith.constant 16 : index
    %swap3A_402 = arith.constant 0 : index
    %swap3A_403 = vector.load %arg14[%swap3A_401, %swap3A_402] : memref<32x128xf32, #tpu.memory_space<vmem>>, vector<1x128xf32>
    tpu.vector_store %arg14[%swap3A_401, %swap3A_402], %max3A_400 {strides = array<i32>} : memref<32x128xf32, #tpu.memory_space<vmem>>, vector<1x128xf32>,
    %eq3A_404 = arith.constant 17 : i32
    %eq3A_405 = vector.broadcast %eq3A_404 : i32 to vector<1000x1xi32>
    %eq3A_406 = arith.cmpi eq, %get3A_69, %eq3A_405 : vector<1000x1xi32>
    %jit3A_407 = arith.constant 0.000000e+00 : f32
    %jit3A_408 = arith.constant 0xFF800000 : f32
    %broadcast_in_dim3A_409 = vector.broadcast %jit3A_407 : f32 to vector<1000x1xf32>
    %broadcast_in_dim3A_410 = vector.broadcast %jit3A_408 : f32 to vector<1000x1xf32>
    %select_n3A_411 = arith.select %eq3A_406, %broadcast_in_dim3A_409, %broadcast_in_dim3A_410 : vector<1000x1xi1>, vector<1000x1xf32>
    %add3A_412 = vector.broadcast %select_n3A_411 : vector<1000x1xf32> to vector<1000x128xf32>
    %add3A_413 = arith.addf %add3A_66, %add3A_412 : vector<1000x128xf32>
    %reduce_max3A_414 = arith.constant dense<0xFF800000> : vector<128xf32>
    %reduce_max3A_415 = vector.multi_reduction <maximumf>, %add3A_413, %reduce_max3A_414 [0] : vector<1000x128xf32> to vector<128xf32>
    %broadcast_in_dim3A_416 = vector.shape_cast %reduce_max3A_415 : vector<128xf32> to vector<1x128xf32>
    %get3A_417 = arith.constant 17 : index
    %get3A_418 = arith.constant 0 : index
    %get3A_419 = vector.load %arg14[%get3A_417, %get3A_418] : memref<32x128xf32, #tpu.memory_space<vmem>>, vector<1x128xf32>
    %max3A_420 = arith.maximumf %get3A_419, %broadcast_in_dim3A_416 : vector<1x128xf32>
    %swap3A_421 = arith.constant 17 : index
    %swap3A_422 = arith.constant 0 : index
    %swap3A_423 = vector.load %arg14[%swap3A_421, %swap3A_422] : memref<32x128xf32, #tpu.memory_space<vmem>>, vector<1x128xf32>
    tpu.vector_store %arg14[%swap3A_421, %swap3A_422], %max3A_420 {strides = array<i32>} : memref<32x128xf32, #tpu.memory_space<vmem>>, vector<1x128xf32>,
    %eq3A_424 = arith.constant 18 : i32
    %eq3A_425 = vector.broadcast %eq3A_424 : i32 to vector<1000x1xi32>
    %eq3A_426 = arith.cmpi eq, %get3A_69, %eq3A_425 : vector<1000x1xi32>
    %jit3A_427 = arith.constant 0.000000e+00 : f32
    %jit3A_428 = arith.constant 0xFF800000 : f32
    %broadcast_in_dim3A_429 = vector.broadcast %jit3A_427 : f32 to vector<1000x1xf32>
    %broadcast_in_dim3A_430 = vector.broadcast %jit3A_428 : f32 to vector<1000x1xf32>
    %select_n3A_431 = arith.select %eq3A_426, %broadcast_in_dim3A_429, %broadcast_in_dim3A_430 : vector<1000x1xi1>, vector<1000x1xf32>
    %add3A_432 = vector.broadcast %select_n3A_431 : vector<1000x1xf32> to vector<1000x128xf32>
    %add3A_433 = arith.addf %add3A_66, %add3A_432 : vector<1000x128xf32>
    %reduce_max3A_434 = arith.constant dense<0xFF800000> : vector<128xf32>
    %reduce_max3A_435 = vector.multi_reduction <maximumf>, %add3A_433, %reduce_max3A_434 [0] : vector<1000x128xf32> to vector<128xf32>
    %broadcast_in_dim3A_436 = vector.shape_cast %reduce_max3A_435 : vector<128xf32> to vector<1x128xf32>
    %get3A_437 = arith.constant 18 : index
    %get3A_438 = arith.constant 0 : index
    %get3A_439 = vector.load %arg14[%get3A_437, %get3A_438] : memref<32x128xf32, #tpu.memory_space<vmem>>, vector<1x128xf32>
    %max3A_440 = arith.maximumf %get3A_439, %broadcast_in_dim3A_436 : vector<1x128xf32>
    %swap3A_441 = arith.constant 18 : index
    %swap3A_442 = arith.constant 0 : index
    %swap3A_443 = vector.load %arg14[%swap3A_441, %swap3A_442] : memref<32x128xf32, #tpu.memory_space<vmem>>, vector<1x128xf32>
    tpu.vector_store %arg14[%swap3A_441, %swap3A_442], %max3A_440 {strides = array<i32>} : memref<32x128xf32, #tpu.memory_space<vmem>>, vector<1x128xf32>,
    %eq3A_444 = arith.constant 19 : i32
    %eq3A_445 = vector.broadcast %eq3A_444 : i32 to vector<1000x1xi32>
    %eq3A_446 = arith.cmpi eq, %get3A_69, %eq3A_445 : vector<1000x1xi32>
    %jit3A_447 = arith.constant 0.000000e+00 : f32
    %jit3A_448 = arith.constant 0xFF800000 : f32
    %broadcast_in_dim3A_449 = vector.broadcast %jit3A_447 : f32 to vector<1000x1xf32>
    %broadcast_in_dim3A_450 = vector.broadcast %jit3A_448 : f32 to vector<1000x1xf32>
    %select_n3A_451 = arith.select %eq3A_446, %broadcast_in_dim3A_449, %broadcast_in_dim3A_450 : vector<1000x1xi1>, vector<1000x1xf32>
    %add3A_452 = vector.broadcast %select_n3A_451 : vector<1000x1xf32> to vector<1000x128xf32>
    %add3A_453 = arith.addf %add3A_66, %add3A_452 : vector<1000x128xf32>
    %reduce_max3A_454 = arith.constant dense<0xFF800000> : vector<128xf32>
    %reduce_max3A_455 = vector.multi_reduction <maximumf>, %add3A_453, %reduce_max3A_454 [0] : vector<1000x128xf32> to vector<128xf32>
    %broadcast_in_dim3A_456 = vector.shape_cast %reduce_max3A_455 : vector<128xf32> to vector<1x128xf32>
    %get3A_457 = arith.constant 19 : index
    %get3A_458 = arith.constant 0 : index
    %get3A_459 = vector.load %arg14[%get3A_457, %get3A_458] : memref<32x128xf32, #tpu.memory_space<vmem>>, vector<1x128xf32>
    %max3A_460 = arith.maximumf %get3A_459, %broadcast_in_dim3A_456 : vector<1x128xf32>
    %swap3A_461 = arith.constant 19 : index
    %swap3A_462 = arith.constant 0 : index
    %swap3A_463 = vector.load %arg14[%swap3A_461, %swap3A_462] : memref<32x128xf32, #tpu.memory_space<vmem>>, vector<1x128xf32>
    tpu.vector_store %arg14[%swap3A_461, %swap3A_462], %max3A_460 {strides = array<i32>} : memref<32x128xf32, #tpu.memory_space<vmem>>, vector<1x128xf32>,
    %eq3A_464 = arith.constant 20 : i32
    %eq3A_465 = vector.broadcast %eq3A_464 : i32 to vector<1000x1xi32>
    %eq3A_466 = arith.cmpi eq, %get3A_69, %eq3A_465 : vector<1000x1xi32>
    %jit3A_467 = arith.constant 0.000000e+00 : f32
    %jit3A_468 = arith.constant 0xFF800000 : f32
    %broadcast_in_dim3A_469 = vector.broadcast %jit3A_467 : f32 to vector<1000x1xf32>
    %broadcast_in_dim3A_470 = vector.broadcast %jit3A_468 : f32 to vector<1000x1xf32>
    %select_n3A_471 = arith.select %eq3A_466, %broadcast_in_dim3A_469, %broadcast_in_dim3A_470 : vector<1000x1xi1>, vector<1000x1xf32>
    %add3A_472 = vector.broadcast %select_n3A_471 : vector<1000x1xf32> to vector<1000x128xf32>
    %add3A_473 = arith.addf %add3A_66, %add3A_472 : vector<1000x128xf32>
    %reduce_max3A_474 = arith.constant dense<0xFF800000> : vector<128xf32>
    %reduce_max3A_475 = vector.multi_reduction <maximumf>, %add3A_473, %reduce_max3A_474 [0] : vector<1000x128xf32> to vector<128xf32>
    %broadcast_in_dim3A_476 = vector.shape_cast %reduce_max3A_475 : vector<128xf32> to vector<1x128xf32>
    %get3A_477 = arith.constant 20 : index
    %get3A_478 = arith.constant 0 : index
    %get3A_479 = vector.load %arg14[%get3A_477, %get3A_478] : memref<32x128xf32, #tpu.memory_space<vmem>>, vector<1x128xf32>
    %max3A_480 = arith.maximumf %get3A_479, %broadcast_in_dim3A_476 : vector<1x128xf32>
    %swap3A_481 = arith.constant 20 : index
    %swap3A_482 = arith.constant 0 : index
    %swap3A_483 = vector.load %arg14[%swap3A_481, %swap3A_482] : memref<32x128xf32, #tpu.memory_space<vmem>>, vector<1x128xf32>
    tpu.vector_store %arg14[%swap3A_481, %swap3A_482], %max3A_480 {strides = array<i32>} : memref<32x128xf32, #tpu.memory_space<vmem>>, vector<1x128xf32>,
    %eq3A_484 = arith.constant 21 : i32
    %eq3A_485 = vector.broadcast %eq3A_484 : i32 to vector<1000x1xi32>
    %eq3A_486 = arith.cmpi eq, %get3A_69, %eq3A_485 : vector<1000x1xi32>
    %jit3A_487 = arith.constant 0.000000e+00 : f32
    %jit3A_488 = arith.constant 0xFF800000 : f32
    %broadcast_in_dim3A_489 = vector.broadcast %jit3A_487 : f32 to vector<1000x1xf32>
    %broadcast_in_dim3A_490 = vector.broadcast %jit3A_488 : f32 to vector<1000x1xf32>
    %select_n3A_491 = arith.select %eq3A_486, %broadcast_in_dim3A_489, %broadcast_in_dim3A_490 : vector<1000x1xi1>, vector<1000x1xf32>
    %add3A_492 = vector.broadcast %select_n3A_491 : vector<1000x1xf32> to vector<1000x128xf32>
    %add3A_493 = arith.addf %add3A_66, %add3A_492 : vector<1000x128xf32>
    %reduce_max3A_494 = arith.constant dense<0xFF800000> : vector<128xf32>
    %reduce_max3A_495 = vector.multi_reduction <maximumf>, %add3A_493, %reduce_max3A_494 [0] : vector<1000x128xf32> to vector<128xf32>
    %broadcast_in_dim3A_496 = vector.shape_cast %reduce_max3A_495 : vector<128xf32> to vector<1x128xf32>
    %get3A_497 = arith.constant 21 : index
    %get3A_498 = arith.constant 0 : index
    %get3A_499 = vector.load %arg14[%get3A_497, %get3A_498] : memref<32x128xf32, #tpu.memory_space<vmem>>, vector<1x128xf32>
    %max3A_500 = arith.maximumf %get3A_499, %broadcast_in_dim3A_496 : vector<1x128xf32>
    %swap3A_501 = arith.constant 21 : index
    %swap3A_502 = arith.constant 0 : index
    %swap3A_503 = vector.load %arg14[%swap3A_501, %swap3A_502] : memref<32x128xf32, #tpu.memory_space<vmem>>, vector<1x128xf32>
    tpu.vector_store %arg14[%swap3A_501, %swap3A_502], %max3A_500 {strides = array<i32>} : memref<32x128xf32, #tpu.memory_space<vmem>>, vector<1x128xf32>,
    %eq3A_504 = arith.constant 22 : i32
    %eq3A_505 = vector.broadcast %eq3A_504 : i32 to vector<1000x1xi32>
    %eq3A_506 = arith.cmpi eq, %get3A_69, %eq3A_505 : vector<1000x1xi32>
    %jit3A_507 = arith.constant 0.000000e+00 : f32
    %jit3A_508 = arith.constant 0xFF800000 : f32
    %broadcast_in_dim3A_509 = vector.broadcast %jit3A_507 : f32 to vector<1000x1xf32>
    %broadcast_in_dim3A_510 = vector.broadcast %jit3A_508 : f32 to vector<1000x1xf32>
    %select_n3A_511 = arith.select %eq3A_506, %broadcast_in_dim3A_509, %broadcast_in_dim3A_510 : vector<1000x1xi1>, vector<1000x1xf32>
    %add3A_512 = vector.broadcast %select_n3A_511 : vector<1000x1xf32> to vector<1000x128xf32>
    %add3A_513 = arith.addf %add3A_66, %add3A_512 : vector<1000x128xf32>
    %reduce_max3A_514 = arith.constant dense<0xFF800000> : vector<128xf32>
    %reduce_max3A_515 = vector.multi_reduction <maximumf>, %add3A_513, %reduce_max3A_514 [0] : vector<1000x128xf32> to vector<128xf32>
    %broadcast_in_dim3A_516 = vector.shape_cast %reduce_max3A_515 : vector<128xf32> to vector<1x128xf32>
    %get3A_517 = arith.constant 22 : index
    %get3A_518 = arith.constant 0 : index
    %get3A_519 = vector.load %arg14[%get3A_517, %get3A_518] : memref<32x128xf32, #tpu.memory_space<vmem>>, vector<1x128xf32>
    %max3A_520 = arith.maximumf %get3A_519, %broadcast_in_dim3A_516 : vector<1x128xf32>
    %swap3A_521 = arith.constant 22 : index
    %swap3A_522 = arith.constant 0 : index
    %swap3A_523 = vector.load %arg14[%swap3A_521, %swap3A_522] : memref<32x128xf32, #tpu.memory_space<vmem>>, vector<1x128xf32>
    tpu.vector_store %arg14[%swap3A_521, %swap3A_522], %max3A_520 {strides = array<i32>} : memref<32x128xf32, #tpu.memory_space<vmem>>, vector<1x128xf32>,
    %eq3A_524 = arith.constant 23 : i32
    %eq3A_525 = vector.broadcast %eq3A_524 : i32 to vector<1000x1xi32>
    %eq3A_526 = arith.cmpi eq, %get3A_69, %eq3A_525 : vector<1000x1xi32>
    %jit3A_527 = arith.constant 0.000000e+00 : f32
    %jit3A_528 = arith.constant 0xFF800000 : f32
    %broadcast_in_dim3A_529 = vector.broadcast %jit3A_527 : f32 to vector<1000x1xf32>
    %broadcast_in_dim3A_530 = vector.broadcast %jit3A_528 : f32 to vector<1000x1xf32>
    %select_n3A_531 = arith.select %eq3A_526, %broadcast_in_dim3A_529, %broadcast_in_dim3A_530 : vector<1000x1xi1>, vector<1000x1xf32>
    %add3A_532 = vector.broadcast %select_n3A_531 : vector<1000x1xf32> to vector<1000x128xf32>
    %add3A_533 = arith.addf %add3A_66, %add3A_532 : vector<1000x128xf32>
    %reduce_max3A_534 = arith.constant dense<0xFF800000> : vector<128xf32>
    %reduce_max3A_535 = vector.multi_reduction <maximumf>, %add3A_533, %reduce_max3A_534 [0] : vector<1000x128xf32> to vector<128xf32>
    %broadcast_in_dim3A_536 = vector.shape_cast %reduce_max3A_535 : vector<128xf32> to vector<1x128xf32>
    %get3A_537 = arith.constant 23 : index
    %get3A_538 = arith.constant 0 : index
    %get3A_539 = vector.load %arg14[%get3A_537, %get3A_538] : memref<32x128xf32, #tpu.memory_space<vmem>>, vector<1x128xf32>
    %max3A_540 = arith.maximumf %get3A_539, %broadcast_in_dim3A_536 : vector<1x128xf32>
    %swap3A_541 = arith.constant 23 : index
    %swap3A_542 = arith.constant 0 : index
    %swap3A_543 = vector.load %arg14[%swap3A_541, %swap3A_542] : memref<32x128xf32, #tpu.memory_space<vmem>>, vector<1x128xf32>
    tpu.vector_store %arg14[%swap3A_541, %swap3A_542], %max3A_540 {strides = array<i32>} : memref<32x128xf32, #tpu.memory_space<vmem>>, vector<1x128xf32>,
    %eq3A_544 = arith.constant 24 : i32
    %eq3A_545 = vector.broadcast %eq3A_544 : i32 to vector<1000x1xi32>
    %eq3A_546 = arith.cmpi eq, %get3A_69, %eq3A_545 : vector<1000x1xi32>
    %jit3A_547 = arith.constant 0.000000e+00 : f32
    %jit3A_548 = arith.constant 0xFF800000 : f32
    %broadcast_in_dim3A_549 = vector.broadcast %jit3A_547 : f32 to vector<1000x1xf32>
    %broadcast_in_dim3A_550 = vector.broadcast %jit3A_548 : f32 to vector<1000x1xf32>
    %select_n3A_551 = arith.select %eq3A_546, %broadcast_in_dim3A_549, %broadcast_in_dim3A_550 : vector<1000x1xi1>, vector<1000x1xf32>
    %add3A_552 = vector.broadcast %select_n3A_551 : vector<1000x1xf32> to vector<1000x128xf32>
    %add3A_553 = arith.addf %add3A_66, %add3A_552 : vector<1000x128xf32>
    %reduce_max3A_554 = arith.constant dense<0xFF800000> : vector<128xf32>
    %reduce_max3A_555 = vector.multi_reduction <maximumf>, %add3A_553, %reduce_max3A_554 [0] : vector<1000x128xf32> to vector<128xf32>
    %broadcast_in_dim3A_556 = vector.shape_cast %reduce_max3A_555 : vector<128xf32> to vector<1x128xf32>
    %get3A_557 = arith.constant 24 : index
    %get3A_558 = arith.constant 0 : index
    %get3A_559 = vector.load %arg14[%get3A_557, %get3A_558] : memref<32x128xf32, #tpu.memory_space<vmem>>, vector<1x128xf32>
    %max3A_560 = arith.maximumf %get3A_559, %broadcast_in_dim3A_556 : vector<1x128xf32>
    %swap3A_561 = arith.constant 24 : index
    %swap3A_562 = arith.constant 0 : index
    %swap3A_563 = vector.load %arg14[%swap3A_561, %swap3A_562] : memref<32x128xf32, #tpu.memory_space<vmem>>, vector<1x128xf32>
    tpu.vector_store %arg14[%swap3A_561, %swap3A_562], %max3A_560 {strides = array<i32>} : memref<32x128xf32, #tpu.memory_space<vmem>>, vector<1x128xf32>,
    %eq3A_564 = arith.constant 25 : i32
    %eq3A_565 = vector.broadcast %eq3A_564 : i32 to vector<1000x1xi32>
    %eq3A_566 = arith.cmpi eq, %get3A_69, %eq3A_565 : vector<1000x1xi32>
    %jit3A_567 = arith.constant 0.000000e+00 : f32
    %jit3A_568 = arith.constant 0xFF800000 : f32
    %broadcast_in_dim3A_569 = vector.broadcast %jit3A_567 : f32 to vector<1000x1xf32>
    %broadcast_in_dim3A_570 = vector.broadcast %jit3A_568 : f32 to vector<1000x1xf32>
    %select_n3A_571 = arith.select %eq3A_566, %broadcast_in_dim3A_569, %broadcast_in_dim3A_570 : vector<1000x1xi1>, vector<1000x1xf32>
    %add3A_572 = vector.broadcast %select_n3A_571 : vector<1000x1xf32> to vector<1000x128xf32>
    %add3A_573 = arith.addf %add3A_66, %add3A_572 : vector<1000x128xf32>
    %reduce_max3A_574 = arith.constant dense<0xFF800000> : vector<128xf32>
    %reduce_max3A_575 = vector.multi_reduction <maximumf>, %add3A_573, %reduce_max3A_574 [0] : vector<1000x128xf32> to vector<128xf32>
    %broadcast_in_dim3A_576 = vector.shape_cast %reduce_max3A_575 : vector<128xf32> to vector<1x128xf32>
    %get3A_577 = arith.constant 25 : index
    %get3A_578 = arith.constant 0 : index
    %get3A_579 = vector.load %arg14[%get3A_577, %get3A_578] : memref<32x128xf32, #tpu.memory_space<vmem>>, vector<1x128xf32>
    %max3A_580 = arith.maximumf %get3A_579, %broadcast_in_dim3A_576 : vector<1x128xf32>
    %swap3A_581 = arith.constant 25 : index
    %swap3A_582 = arith.constant 0 : index
    %swap3A_583 = vector.load %arg14[%swap3A_581, %swap3A_582] : memref<32x128xf32, #tpu.memory_space<vmem>>, vector<1x128xf32>
    tpu.vector_store %arg14[%swap3A_581, %swap3A_582], %max3A_580 {strides = array<i32>} : memref<32x128xf32, #tpu.memory_space<vmem>>, vector<1x128xf32>,
    %eq3A_584 = arith.constant 26 : i32
    %eq3A_585 = vector.broadcast %eq3A_584 : i32 to vector<1000x1xi32>
    %eq3A_586 = arith.cmpi eq, %get3A_69, %eq3A_585 : vector<1000x1xi32>
    %jit3A_587 = arith.constant 0.000000e+00 : f32
    %jit3A_588 = arith.constant 0xFF800000 : f32
    %broadcast_in_dim3A_589 = vector.broadcast %jit3A_587 : f32 to vector<1000x1xf32>
    %broadcast_in_dim3A_590 = vector.broadcast %jit3A_588 : f32 to vector<1000x1xf32>
    %select_n3A_591 = arith.select %eq3A_586, %broadcast_in_dim3A_589, %broadcast_in_dim3A_590 : vector<1000x1xi1>, vector<1000x1xf32>
    %add3A_592 = vector.broadcast %select_n3A_591 : vector<1000x1xf32> to vector<1000x128xf32>
    %add3A_593 = arith.addf %add3A_66, %add3A_592 : vector<1000x128xf32>
    %reduce_max3A_594 = arith.constant dense<0xFF800000> : vector<128xf32>
    %reduce_max3A_595 = vector.multi_reduction <maximumf>, %add3A_593, %reduce_max3A_594 [0] : vector<1000x128xf32> to vector<128xf32>
    %broadcast_in_dim3A_596 = vector.shape_cast %reduce_max3A_595 : vector<128xf32> to vector<1x128xf32>
    %get3A_597 = arith.constant 26 : index
    %get3A_598 = arith.constant 0 : index
    %get3A_599 = vector.load %arg14[%get3A_597, %get3A_598] : memref<32x128xf32, #tpu.memory_space<vmem>>, vector<1x128xf32>
    %max3A_600 = arith.maximumf %get3A_599, %broadcast_in_dim3A_596 : vector<1x128xf32>
    %swap3A_601 = arith.constant 26 : index
    %swap3A_602 = arith.constant 0 : index
    %swap3A_603 = vector.load %arg14[%swap3A_601, %swap3A_602] : memref<32x128xf32, #tpu.memory_space<vmem>>, vector<1x128xf32>
    tpu.vector_store %arg14[%swap3A_601, %swap3A_602], %max3A_600 {strides = array<i32>} : memref<32x128xf32, #tpu.memory_space<vmem>>, vector<1x128xf32>,
    %eq3A_604 = arith.constant 27 : i32
    %eq3A_605 = vector.broadcast %eq3A_604 : i32 to vector<1000x1xi32>
    %eq3A_606 = arith.cmpi eq, %get3A_69, %eq3A_605 : vector<1000x1xi32>
    %jit3A_607 = arith.constant 0.000000e+00 : f32
    %jit3A_608 = arith.constant 0xFF800000 : f32
    %broadcast_in_dim3A_609 = vector.broadcast %jit3A_607 : f32 to vector<1000x1xf32>
    %broadcast_in_dim3A_610 = vector.broadcast %jit3A_608 : f32 to vector<1000x1xf32>
    %select_n3A_611 = arith.select %eq3A_606, %broadcast_in_dim3A_609, %broadcast_in_dim3A_610 : vector<1000x1xi1>, vector<1000x1xf32>
    %add3A_612 = vector.broadcast %select_n3A_611 : vector<1000x1xf32> to vector<1000x128xf32>
    %add3A_613 = arith.addf %add3A_66, %add3A_612 : vector<1000x128xf32>
    %reduce_max3A_614 = arith.constant dense<0xFF800000> : vector<128xf32>
    %reduce_max3A_615 = vector.multi_reduction <maximumf>, %add3A_613, %reduce_max3A_614 [0] : vector<1000x128xf32> to vector<128xf32>
    %broadcast_in_dim3A_616 = vector.shape_cast %reduce_max3A_615 : vector<128xf32> to vector<1x128xf32>
    %get3A_617 = arith.constant 27 : index
    %get3A_618 = arith.constant 0 : index
    %get3A_619 = vector.load %arg14[%get3A_617, %get3A_618] : memref<32x128xf32, #tpu.memory_space<vmem>>, vector<1x128xf32>
    %max3A_620 = arith.maximumf %get3A_619, %broadcast_in_dim3A_616 : vector<1x128xf32>
    %swap3A_621 = arith.constant 27 : index
    %swap3A_622 = arith.constant 0 : index
    %swap3A_623 = vector.load %arg14[%swap3A_621, %swap3A_622] : memref<32x128xf32, #tpu.memory_space<vmem>>, vector<1x128xf32>
    tpu.vector_store %arg14[%swap3A_621, %swap3A_622], %max3A_620 {strides = array<i32>} : memref<32x128xf32, #tpu.memory_space<vmem>>, vector<1x128xf32>,
    %eq3A_624 = arith.constant 28 : i32
    %eq3A_625 = vector.broadcast %eq3A_624 : i32 to vector<1000x1xi32>
    %eq3A_626 = arith.cmpi eq, %get3A_69, %eq3A_625 : vector<1000x1xi32>
    %jit3A_627 = arith.constant 0.000000e+00 : f32
    %jit3A_628 = arith.constant 0xFF800000 : f32
    %broadcast_in_dim3A_629 = vector.broadcast %jit3A_627 : f32 to vector<1000x1xf32>
    %broadcast_in_dim3A_630 = vector.broadcast %jit3A_628 : f32 to vector<1000x1xf32>
    %select_n3A_631 = arith.select %eq3A_626, %broadcast_in_dim3A_629, %broadcast_in_dim3A_630 : vector<1000x1xi1>, vector<1000x1xf32>
    %add3A_632 = vector.broadcast %select_n3A_631 : vector<1000x1xf32> to vector<1000x128xf32>
    %add3A_633 = arith.addf %add3A_66, %add3A_632 : vector<1000x128xf32>
    %reduce_max3A_634 = arith.constant dense<0xFF800000> : vector<128xf32>
    %reduce_max3A_635 = vector.multi_reduction <maximumf>, %add3A_633, %reduce_max3A_634 [0] : vector<1000x128xf32> to vector<128xf32>
    %broadcast_in_dim3A_636 = vector.shape_cast %reduce_max3A_635 : vector<128xf32> to vector<1x128xf32>
    %get3A_637 = arith.constant 28 : index
    %get3A_638 = arith.constant 0 : index
    %get3A_639 = vector.load %arg14[%get3A_637, %get3A_638] : memref<32x128xf32, #tpu.memory_space<vmem>>, vector<1x128xf32>
    %max3A_640 = arith.maximumf %get3A_639, %broadcast_in_dim3A_636 : vector<1x128xf32>
    %swap3A_641 = arith.constant 28 : index
    %swap3A_642 = arith.constant 0 : index
    %swap3A_643 = vector.load %arg14[%swap3A_641, %swap3A_642] : memref<32x128xf32, #tpu.memory_space<vmem>>, vector<1x128xf32>
    tpu.vector_store %arg14[%swap3A_641, %swap3A_642], %max3A_640 {strides = array<i32>} : memref<32x128xf32, #tpu.memory_space<vmem>>, vector<1x128xf32>,
    %eq3A_644 = arith.constant 29 : i32
    %eq3A_645 = vector.broadcast %eq3A_644 : i32 to vector<1000x1xi32>
    %eq3A_646 = arith.cmpi eq, %get3A_69, %eq3A_645 : vector<1000x1xi32>
    %jit3A_647 = arith.constant 0.000000e+00 : f32
    %jit3A_648 = arith.constant 0xFF800000 : f32
    %broadcast_in_dim3A_649 = vector.broadcast %jit3A_647 : f32 to vector<1000x1xf32>
    %broadcast_in_dim3A_650 = vector.broadcast %jit3A_648 : f32 to vector<1000x1xf32>
    %select_n3A_651 = arith.select %eq3A_646, %broadcast_in_dim3A_649, %broadcast_in_dim3A_650 : vector<1000x1xi1>, vector<1000x1xf32>
    %add3A_652 = vector.broadcast %select_n3A_651 : vector<1000x1xf32> to vector<1000x128xf32>
    %add3A_653 = arith.addf %add3A_66, %add3A_652 : vector<1000x128xf32>
    %reduce_max3A_654 = arith.constant dense<0xFF800000> : vector<128xf32>
    %reduce_max3A_655 = vector.multi_reduction <maximumf>, %add3A_653, %reduce_max3A_654 [0] : vector<1000x128xf32> to vector<128xf32>
    %broadcast_in_dim3A_656 = vector.shape_cast %reduce_max3A_655 : vector<128xf32> to vector<1x128xf32>
    %get3A_657 = arith.constant 29 : index
    %get3A_658 = arith.constant 0 : index
    %get3A_659 = vector.load %arg14[%get3A_657, %get3A_658] : memref<32x128xf32, #tpu.memory_space<vmem>>, vector<1x128xf32>
    %max3A_660 = arith.maximumf %get3A_659, %broadcast_in_dim3A_656 : vector<1x128xf32>
    %swap3A_661 = arith.constant 29 : index
    %swap3A_662 = arith.constant 0 : index
    %swap3A_663 = vector.load %arg14[%swap3A_661, %swap3A_662] : memref<32x128xf32, #tpu.memory_space<vmem>>, vector<1x128xf32>
    tpu.vector_store %arg14[%swap3A_661, %swap3A_662], %max3A_660 {strides = array<i32>} : memref<32x128xf32, #tpu.memory_space<vmem>>, vector<1x128xf32>,
    %eq3A_664 = arith.constant 30 : i32
    %eq3A_665 = vector.broadcast %eq3A_664 : i32 to vector<1000x1xi32>
    %eq3A_666 = arith.cmpi eq, %get3A_69, %eq3A_665 : vector<1000x1xi32>
    %jit3A_667 = arith.constant 0.000000e+00 : f32
    %jit3A_668 = arith.constant 0xFF800000 : f32
    %broadcast_in_dim3A_669 = vector.broadcast %jit3A_667 : f32 to vector<1000x1xf32>
    %broadcast_in_dim3A_670 = vector.broadcast %jit3A_668 : f32 to vector<1000x1xf32>
    %select_n3A_671 = arith.select %eq3A_666, %broadcast_in_dim3A_669, %broadcast_in_dim3A_670 : vector<1000x1xi1>, vector<1000x1xf32>
    %add3A_672 = vector.broadcast %select_n3A_671 : vector<1000x1xf32> to vector<1000x128xf32>
    %add3A_673 = arith.addf %add3A_66, %add3A_672 : vector<1000x128xf32>
    %reduce_max3A_674 = arith.constant dense<0xFF800000> : vector<128xf32>
    %reduce_max3A_675 = vector.multi_reduction <maximumf>, %add3A_673, %reduce_max3A_674 [0] : vector<1000x128xf32> to vector<128xf32>
    %broadcast_in_dim3A_676 = vector.shape_cast %reduce_max3A_675 : vector<128xf32> to vector<1x128xf32>
    %get3A_677 = arith.constant 30 : index
    %get3A_678 = arith.constant 0 : index
    %get3A_679 = vector.load %arg14[%get3A_677, %get3A_678] : memref<32x128xf32, #tpu.memory_space<vmem>>, vector<1x128xf32>
    %max3A_680 = arith.maximumf %get3A_679, %broadcast_in_dim3A_676 : vector<1x128xf32>
    %swap3A_681 = arith.constant 30 : index
    %swap3A_682 = arith.constant 0 : index
    %swap3A_683 = vector.load %arg14[%swap3A_681, %swap3A_682] : memref<32x128xf32, #tpu.memory_space<vmem>>, vector<1x128xf32>
    tpu.vector_store %arg14[%swap3A_681, %swap3A_682], %max3A_680 {strides = array<i32>} : memref<32x128xf32, #tpu.memory_space<vmem>>, vector<1x128xf32>,
    %eq3A_684 = arith.constant 31 : i32
    %eq3A_685 = vector.broadcast %eq3A_684 : i32 to vector<1000x1xi32>
    %eq3A_686 = arith.cmpi eq, %get3A_69, %eq3A_685 : vector<1000x1xi32>
    %jit3A_687 = arith.constant 0.000000e+00 : f32
    %jit3A_688 = arith.constant 0xFF800000 : f32
    %broadcast_in_dim3A_689 = vector.broadcast %jit3A_687 : f32 to vector<1000x1xf32>
    %broadcast_in_dim3A_690 = vector.broadcast %jit3A_688 : f32 to vector<1000x1xf32>
    %select_n3A_691 = arith.select %eq3A_686, %broadcast_in_dim3A_689, %broadcast_in_dim3A_690 : vector<1000x1xi1>, vector<1000x1xf32>
    %add3A_692 = vector.broadcast %select_n3A_691 : vector<1000x1xf32> to vector<1000x128xf32>
    %add3A_693 = arith.addf %add3A_66, %add3A_692 : vector<1000x128xf32>
    %reduce_max3A_694 = arith.constant dense<0xFF800000> : vector<128xf32>
    %reduce_max3A_695 = vector.multi_reduction <maximumf>, %add3A_693, %reduce_max3A_694 [0] : vector<1000x128xf32> to vector<128xf32>
    %broadcast_in_dim3A_696 = vector.shape_cast %reduce_max3A_695 : vector<128xf32> to vector<1x128xf32>
    %get3A_697 = arith.constant 31 : index
    %get3A_698 = arith.constant 0 : index
    %get3A_699 = vector.load %arg14[%get3A_697, %get3A_698] : memref<32x128xf32, #tpu.memory_space<vmem>>, vector<1x128xf32>
    %max3A_700 = arith.maximumf %get3A_699, %broadcast_in_dim3A_696 : vector<1x128xf32>
    %swap3A_701 = arith.constant 31 : index
    %swap3A_702 = arith.constant 0 : index
    %swap3A_703 = vector.load %arg14[%swap3A_701, %swap3A_702] : memref<32x128xf32, #tpu.memory_space<vmem>>, vector<1x128xf32>
    tpu.vector_store %arg14[%swap3A_701, %swap3A_702], %max3A_700 {strides = array<i32>} : memref<32x128xf32, #tpu.memory_space<vmem>>, vector<1x128xf32>,
    %eq3A_704 = arith.constant 9 : i32
    %eq3A_705 = arith.cmpi eq, %arg0, %eq3A_704 : i32
    %convert_element_type3A_706 = arith.extui %eq3A_705 : i1 to i32
    %cond3A_707 = arith.constant 0 : i32
    %cond3A_708 = arith.cmpi ne, %convert_element_type3A_706, %cond3A_707 : i32
    scf.if %cond3A_708 {
      %get3A_709 = arith.constant 0 : index
      %get3A_710 = arith.constant 0 : index
      %get3A_711 = vector.load %arg14[%get3A_709, %get3A_710] : memref<32x128xf32, #tpu.memory_space<vmem>>, vector<32x128xf32>
      %get3A_712 = arith.constant 0 : index
      %get3A_713 = arith.constant 0 : index
      %get3A_714 = vector.load %arg11[%get3A_712, %get3A_713] : memref<128x1xf32, #tpu.memory_space<vmem>>, vector<128x1xf32>
      %dot_general3A_715 = arith.constant dense<0.000000e+00> : vector<32x1xf32>
      %dot_general3A_716 = tpu.matmul %get3A_711, %get3A_714, %dot_general3A_715 {dimension_numbers = #tpu.dot_dimension_numbers<[1], [0], [0], [1], [0, 0, 1, 1], [], []>, transpose_lhs_hint = false} : vector<32x128xf32>, vector<128x1xf32>, vector<32x1xf32> -> vector<32x1xf32>
      %get3A_717 = arith.constant 0 : index
      %get3A_718 = arith.constant 0 : index
      %get3A_719 = vector.load %arg12[%get3A_717, %get3A_718] : memref<1x1xf32, #tpu.memory_space<vmem>>, vector<1x1xf32>
      %add3A_720 = vector.broadcast %get3A_719 : vector<1x1xf32> to vector<32x1xf32>
      %add3A_721 = arith.addf %dot_general3A_716, %add3A_720 : vector<32x1xf32>
      %logistic3A_722 = arith.negf %add3A_721 : vector<32x1xf32>
      %logistic3A_723 = math.exp %logistic3A_722 : vector<32x1xf32>
      %logistic3A_724 = arith.constant 1.000000e+00 : f32
      %logistic3A_725 = vector.broadcast %logistic3A_724 : f32 to vector<32x1xf32>
      %logistic3A_726 = arith.addf %logistic3A_725, %logistic3A_723 : vector<32x1xf32>
      %logistic3A_727 = arith.divf %logistic3A_725, %logistic3A_726 : vector<32x1xf32>
      %swap3A_728 = arith.constant 0 : index
      %swap3A_729 = arith.constant 0 : index
      %swap3A_730 = vector.load %arg13[%swap3A_728, %swap3A_729] : memref<32x1xf32, #tpu.memory_space<vmem>>, vector<32x1xf32>
      tpu.vector_store %arg13[%swap3A_728, %swap3A_729], %logistic3A_727 {strides = array<i32>} : memref<32x1xf32, #tpu.memory_space<vmem>>, vector<32x1xf32>,
    } else {
    }
    return
  }
  func.func @transform_0(%arg0: i32) -> (i32, i32, i32) {
    %c0_i32 = arith.constant 0 : i32
    %c0_i32_0 = arith.constant 0 : i32
    %c0_i32_1 = arith.constant 0 : i32
    return %c0_i32, %arg0, %c0_i32_0 : i32, i32, i32
  }
  func.func @transform_1(%arg0: i32) -> (i32, i32, i32) {
    %c1_i32 = arith.constant 1 : i32
    %c0_i32 = arith.constant 0 : i32
    %c0_i32_0 = arith.constant 0 : i32
    return %c1_i32, %arg0, %c0_i32 : i32, i32, i32
  }
  func.func @transform_2(%arg0: i32) -> (i32, i32) {
    %c0_i32 = arith.constant 0 : i32
    %c0_i32_0 = arith.constant 0 : i32
    return %arg0, %c0_i32 : i32, i32
  }
  func.func @transform_3(%arg0: i32) -> (i32, i32) {
    %c0_i32 = arith.constant 0 : i32
    %c0_i32_0 = arith.constant 0 : i32
    %c0_i32_1 = arith.constant 0 : i32
    return %c0_i32, %c0_i32_0 : i32, i32
  }
  func.func @transform_4(%arg0: i32) -> (i32, i32) {
    %c0_i32 = arith.constant 0 : i32
    %c0_i32_0 = arith.constant 0 : i32
    %c0_i32_1 = arith.constant 0 : i32
    return %c0_i32, %c0_i32_0 : i32, i32
  }
  func.func @transform_5(%arg0: i32) -> (i32, i32) {
    %c0_i32 = arith.constant 0 : i32
    %c0_i32_0 = arith.constant 0 : i32
    %c0_i32_1 = arith.constant 0 : i32
    return %c0_i32, %c0_i32_0 : i32, i32
  }
  func.func @transform_6(%arg0: i32) -> (i32, i32) {
    %c0_i32 = arith.constant 0 : i32
    %c0_i32_0 = arith.constant 0 : i32
    %c0_i32_1 = arith.constant 0 : i32
    return %c0_i32, %c0_i32_0 : i32, i32
  }
  func.func @transform_7(%arg0: i32) -> (i32, i32) {
    %c0_i32 = arith.constant 0 : i32
    %c0_i32_0 = arith.constant 0 : i32
    return %arg0, %c0_i32 : i32, i32
  }
  func.func @transform_8(%arg0: i32) -> (i32, i32) {
    %c0_i32 = arith.constant 0 : i32
    %c0_i32_0 = arith.constant 0 : i32
    %c0_i32_1 = arith.constant 0 : i32
    return %c0_i32, %c0_i32_0 : i32, i32
  }
  func.func @transform_9(%arg0: i32) -> (i32, i32) {
    %c0_i32 = arith.constant 0 : i32
    %c0_i32_0 = arith.constant 0 : i32
    %c0_i32_1 = arith.constant 0 : i32
    return %c0_i32, %c0_i32_0 : i32, i32
  }
  func.func @transform_10(%arg0: i32) -> (i32, i32) {
    %c0_i32 = arith.constant 0 : i32
    %c0_i32_0 = arith.constant 0 : i32
    %c0_i32_1 = arith.constant 0 : i32
    return %c0_i32, %c0_i32_0 : i32, i32
  }
  func.func @transform_11(%arg0: i32) -> (i32, i32) {
    %c0_i32 = arith.constant 0 : i32
    %c0_i32_0 = arith.constant 0 : i32
    %c0_i32_1 = arith.constant 0 : i32
    return %c0_i32, %c0_i32_0 : i32, i32
  }
  func.func @transform_12(%arg0: i32) -> (i32, i32) {
    %c0_i32 = arith.constant 0 : i32
    %c0_i32_0 = arith.constant 0 : i32
    %c0_i32_1 = arith.constant 0 : i32
    return %c0_i32, %c0_i32_0 : i32, i32
  }
}

</mosaic_0001>

<sc_bundles>
// kernel: kernel.10.cloned.1.call-start
scs
__scs_entry_jumppad:
0x0: {  	(pc) =	sbr.rel $0x88, $3  }
0x1: {  	(tag) =	ssettag $0x0;
	lr =	simm.s32 $0x1  }
0x2: {  	[smem:$0x3F95] =	sst lr;
	_ =	strace $0xD0000000  }
0x3: {  	_ = 	snop  }
0x4: {  	_ = 	snop  }
0x5: {  	_ = 	snop  }
0x6: {  	_ = 	snop  }
0x7: {  	_ = 	snop  }
__scs_overlays_trampoline_lowered:
0x8: {  	[smem:$0x3FA4] =	sst s0  }
0x9: {  	[smem:$0x3FA5] =	sst s1  }
0xa: {  	[smem:$0x3FA6] =	sst s2  }
0xb: {  	[smem:$0x3FA7] =	sst s3  }
0xc: {  	[smem:$0x3FA8] =	sst s4  }
0xd: {  	[smem:$0x3FA9] =	sst s5  }
0xe: {  	[smem:$0x3FAA] =	sst s6  }
0xf: {  	[smem:$0x3FAB] =	sst s7  }
0x10: {  	[smem:$0x3FAC] =	sst s8  }
0x11: {  	[smem:$0x3FAD] =	sst s9;
	s0 =	simm.s32 @!p0 $0x0  }
0x12: {  	s1 =	sld [smem:$0x3F93];
	s0 =	simm.s32 @p0 $0x1  }
0x13: {  	[smem:$0x3FAE] =	sst s0;
	s0 =	simm.s32 @!p1 $0x0  }
0x14: {  	s2 =	sld [smem:$0x3F92];
	s0 =	simm.s32 @p1 $0x1  }
0x15: {  	[smem:$0x3FAF] =	sst s0;
	s0 =	simm.s32 @!p2 $0x0  }
0x16: {  	s3 =	sld [smem:$0x3FDB];
	s0 =	simm.s32 @p2 $0x1  }
0x17: {  	s4 =	simm.s32 $0x1BF5;
	[smem:$0x3FB1] =	sst s0  }
0x18: {  	s0 =	sld [smem:$0x3F94];
	_ =	swait.ge [sflag:s4], $0x0  }
0x19: {  	s7 =	sld [smem:$0x3F95]  }
0x1a: {  	s8 =	sadd.s32 $0xFFFFE003, lr  }
0x1b: {  	s9 =	sadd.s32 $0xFFFFFEF7, lr;
	s5 =	simm.s32 $0xFFFFFFFF;
	p2 =	slt.u32 s8, $0xFFFFF086  }
0x1c: {  	p1 =	slt.u32 s9, $0xF7A;
	s5 =	simm.s32 @!p2 $0x0  }
0x1d: {  	s5 =	simm.s32 @p1 $0x1;
	p0 =	seq.s32 s7, s2  }
0x1e: {  	s7 =	smul.u32 @!p0 $0xF7A, s2;
	p2 =	seq.s32 @!p0 s5, $0x0  }
0x1f: {  	s9 =	smul.u32 $0xF7A, s1;
	s8 =	simm.s32 @!p0 $0x1BF5;
	p2 =	por !p2, p0  }
0x20: {  	[sflag:s8] =	ssyncset.s32 @!p0 $0xFFFFF086;
	s6 =	sadd.s32 @!p0 s3, s7;
	s7 =	simm.s32 @!p0 $0x108  }
0x21: {  	s3 =	sadd.s32 s3, s9;
	s6 =	sadd.s32 @!p0 $0x88, s6;
	s7 =	simm.s32 @p2 $0x1082  }
0x22: {  	[simem:s7], [sflag:s8] =	dma.local @!p0 [hbm:s6], $0xF7A  }
0x23: {  	s9 =	sor.u32 $0xD0000000, s2;
	s6 =	simm.s32 $0x108;
	_ =	swait.ge @!p0 [sflag:s8], $0x0  }
0x24: {  	s3 =	sadd.s32 $0x88, s3;
	s6 =	simm.s32 @!p1 $0x1082;
	[sflag:s4] =	ssyncset.s32 $0xFFFFF086  }
0x25: {  	[simem:s6], [sflag:s4] =	dma.local [hbm:s3], $0xF7A  }
0x26: {  	[smem:$0x3F95] =	sst s1;
	(tag) =	ssettag s2;
	_ =	strace s9  }
0x27: {  	s1 =	sld [smem:$0x3FA5]  }
0x28: {  	s2 =	sld [smem:$0x3FA6]  }
0x29: {  	s4 =	sld [smem:$0x3FA8]  }
0x2a: {  	p0 =	seq.s32 s5, $0x0;
	s5 =	sld [smem:$0x3FA9]  }
0x2b: {  	s6 =	sld [smem:$0x3FAA]  }
0x2c: {  	s7 =	sld [smem:$0x3FAB]  }
0x2d: {  	s3 =	simm.s32 $0x108;
	s8 =	sld [smem:$0x3FAC]  }
0x2e: {  	s3 =	simm.s32 @!p0 $0x1082;
	s9 =	sld [smem:$0x3FAD]  }
0x2f: {  	lr =	sadd.s32 s0, s3;
	s0 =	sld [smem:$0x3FA4]  }
0x30: {  	s3 =	sld [smem:$0x3FA7]  }
0x31: {  	[smem:$0x3FB0] =	sst s10  }
0x32: {  	s10 =	sld [smem:$0x3FAE];
	_ =	sdelay $0x3  }
0x33: {  	p0 =	seq.s32 s10, $0x1;
	s10 =	sld [smem:$0x3FB0];
	_ =	sdelay $0x3  }
0x34: {  	[smem:$0x3FB0] =	sst s10  }
0x35: {  	s10 =	sld [smem:$0x3FAF];
	_ =	sdelay $0x3  }
0x36: {  	p1 =	seq.s32 s10, $0x1;
	s10 =	sld [smem:$0x3FB0];
	_ =	sdelay $0x3  }
0x37: {  	[smem:$0x3FB0] =	sst s10  }
0x38: {  	s10 =	sld [smem:$0x3FB1]  }
0x39: {  	_ = 	snop;
	(pc) =	sbr.ind lr, $3  }
0x3a: {  	_ = 	snop  }
0x3b: {  	_ = 	snop  }
0x3c: {  	p2 =	seq.s32 s10, $0x1;
	s10 =	sld [smem:$0x3FB0]  }
0x3d: {  	_ =	shalt  }
0x3e: {  	_ =	shalt  }
0x3f: {  	_ =	shalt  }
0x40: {  	_ =	shalt  }
0x41: {  	_ =	shalt  }
0x42: {  	_ =	shalt  }
0x43: {  	_ =	shalt  }
0x44: {  	_ =	shalt  }
0x45: {  	_ =	shalt  }
0x46: {  	_ =	shalt  }
0x47: {  	_ =	shalt  }
0x48: {  	_ =	shalt  }
0x49: {  	_ =	shalt  }
0x4a: {  	_ =	shalt  }
0x4b: {  	_ =	shalt  }
0x4c: {  	_ =	shalt  }
0x4d: {  	_ =	shalt  }
0x4e: {  	_ =	shalt  }
0x4f: {  	_ =	shalt  }
0x50: {  	_ =	shalt  }
0x51: {  	_ =	shalt  }
0x52: {  	_ =	shalt  }
0x53: {  	_ =	shalt  }
0x54: {  	_ =	shalt  }
0x55: {  	_ =	shalt  }
0x56: {  	_ =	shalt  }
0x57: {  	_ =	shalt  }
0x58: {  	_ =	shalt  }
0x59: {  	_ =	shalt  }
0x5a: {  	_ =	shalt  }
0x5b: {  	_ =	shalt  }
0x5c: {  	_ =	shalt  }
0x5d: {  	_ =	shalt  }
0x5e: {  	_ =	shalt  }
0x5f: {  	_ =	shalt  }
0x60: {  	_ =	shalt  }
0x61: {  	_ =	shalt  }
0x62: {  	_ =	shalt  }
0x63: {  	_ =	shalt  }
0x64: {  	_ =	shalt  }
0x65: {  	_ =	shalt  }
0x66: {  	_ =	shalt  }
0x67: {  	_ =	shalt  }
0x68: {  	_ =	shalt  }
0x69: {  	_ =	shalt  }
0x6a: {  	_ =	shalt  }
0x6b: {  	_ =	shalt  }
0x6c: {  	_ =	shalt  }
0x6d: {  	_ =	shalt  }
0x6e: {  	_ =	shalt  }
0x6f: {  	_ =	shalt  }
0x70: {  	_ =	shalt  }
0x71: {  	_ =	shalt  }
0x72: {  	_ =	shalt  }
0x73: {  	_ =	shalt  }
0x74: {  	_ =	shalt  }
0x75: {  	_ =	shalt  }
0x76: {  	_ =	shalt  }
0x77: {  	_ =	shalt  }
0x78: {  	_ =	shalt  }
0x79: {  	_ =	shalt  }
0x7a: {  	_ =	shalt  }
0x7b: {  	_ =	shalt  }
0x7c: {  	_ =	shalt  }
0x7d: {  	_ =	shalt  }
0x7e: {  	_ =	shalt  }
0x7f: {  	_ =	shalt  }
0x80: {  	_ =	shalt  }
0x81: {  	_ =	shalt  }
0x82: {  	_ =	shalt  }
0x83: {  	_ =	shalt  }
0x84: {  	_ =	shalt  }
0x85: {  	_ =	shalt  }
0x86: {  	_ =	shalt  }
0x87: {  	_ =	shalt  }
.Lfunc_end0:
.L_simem_size_0:
called_computation.1_lowered:
.L_overlay_start_0:
0x88: {  	s2 =	sld [smem:$0x3FD9]  }
0x89: {  	s3 =	sld [smem:$0x3FFE];
	_ =	sdelay $0x1  }
0x8a: {  	s1 =	srdreg.scid  }
0x8b: {  	s0 =	sand.u32 $0x1, s1  }
0x8c: {  	s16 =	sshll.u32 s0, $0xA;
	s2 =	sadd.s32 s3, s2  }
0x8d: {  	s2 =	sadd.s32 s2, s16  }
0x8e: {  	[smem:$0x3FBC] =	sst s2  }
0x8f: {  	_ = 	snop  }
0x90: {  	(tm) =	ssettm $0x1  }
0x91: {  	s17 =	sld [smem:$0x3FFB];
	_ =	sdelay $0x3  }
0x92: {  	_ =	strace s17  }
0x93: {  	s2 =	sld [smem:$0x3FFC];
	_ =	sdelay $0x3  }
0x94: {  	_ =	strace s2  }
0x95: {  	s2 =	sld [smem:$0x3FFD];
	_ =	sdelay $0x3  }
0x96: {  	_ =	strace s2  }
0x97: {  	_ =	strace $0x8FFFFFFF  }
0x98: {  	s18 =	sld [smem:$0x3FDB];
	_ =	sdelay $0x1  }
0x99: {  	s19 =	simm.s32 $_scs_section_size  }
0x9a: {  	s4 =	simm.s32 $_size__tile_overlayer_lowered;
	s5 =	simm.s32 $_tile_overlayer_lowered  }
0x9b: {  	s22 =	simm.s32 $0x1BFF;
	s21 =	sshll.u32 s5, $0x1;
	s2 =	sadd.s32 s19, s18  }
0x9c: {  	s6 =	simm.s32 $0x0;
	s20 =	sshll.u32 s4, $0x1;
	s4 =	sadd.s32 s21, s2  }
0x9d: {  	[timem:s6], [sflag:s22] =	dma.local [hbm:s4], s20  }
0x9e: {  	_ =	swait.ge [sflag:s22], s20  }
0x9f: {  	s3 =	ssub.s32 $0x0, s20;
	[sflag:s22] =	ssyncset.done $0x0  }
0xa0: {  	[sflag:s22] =	ssyncadd.s32 s3;
	_ =	sdelay $0x1  }
0xa1: {  	s23 =	simm.s32 $0x1B8B  }
0xa2: {  	_ =	swait.ge [sflag:s23], $0x1  }
0xa3: {  	[sflag:s23] =	ssyncset.done $0x0  }
0xa4: {  	s25 =	simm.s32 $0x1B8E;
	s24 =	sld [smem:$0x3FFE];
	[sflag:s23] =	ssyncadd.s32 $0xFFFFFFFF  }
0xa5: {  	s26 =	simm.s32 $execute0_lowered;
	[smem:$0x3FD2] =	sst s25  }
0xa6: {  	s4 =	sshll.u32 s26, $0x1;
	_ =	strace $0x80000049;
	[dreg:$0x1] =	wrdreg $0xFFFFFFFF  }
0xa7: {  	s28 =	simm.s32 $_size_execute0_lowered;
	s2 =	sadd.s32 s2, s4;
	[dreg:$0x0] =	wrdreg $0x0  }
0xa8: {  	s4 =	sshll.u32 s28, $0x1;
	[dreg:$0x2] =	wrdreg s2  }
0xa9: {  	[dreg:$0x3] =	wrdreg s4  }
0xaa: {  	[dreg:$0x4] =	wrdreg $0xC0  }
0xab: {  	_ =	task [dreg:s6], $0x5FFFF  }
0xac: {  	[dreg:$0x1] =	wrdreg $0xFFFFFFFF  }
0xad: {  	[dreg:$0x0] =	wrdreg $0x60  }
0xae: {  	[dreg:$0x2] =	wrdreg s24  }
0xaf: {  	[dreg:$0x3] =	wrdreg $0x0  }
0xb0: {  	[dreg:$0x4] =	wrdreg $0x9  }
0xb1: {  	_ =	task.clear_ibuf [dreg:s6], $0x5FFFF;
	_ =	strace $0x90000049  }
0xb2: {  	s29 =	simm.s32 $0x9;
	_ =	strace $0x8000004B  }
0xb3: {  	_ =	swait.ge [sflag:s29], $0x1  }
0xb4: {  	[sflag:s29] =	ssyncadd.s32 $0xFFFFFFFF  }
0xb5: {  	_ =	strace $0x9000004B  }
0xb6: {  	_ =	sfence  }
0xb7: {  	s30 =	sld [smem:$0x0];
	_ =	sdelay $0x2  }
0xb8: {  	s31 =	sshll.u32 s1, $0xD;
	s1 =	sshrl.u32 s1, $0x2  }
0xb9: {  	s3 =	sand.u32 $0x4000, s31;
	s1 =	sadd.s32 s1, s30  }
0xba: {  	s0 =	sor.u32 s3, s0;
	s1 =	sshll.u32 s1, $0x11  }
0xbb: {  	s0 =	sor.u32 s1, s0  }
0xbc: {  	s0 =	sadd.s32 $0x8F2B, s0  }
0xbd: {  	[sflag:s0] =	ssyncadd.remote.s32 $0x1  }
0xbe: {  	_ =	sfence.sel $0xFFFF  }
0xbf: {  	[dreg:$0x0] =	wrdreg $0xFFFFFFFF;
	(pc) =	sbr.abs _section_cstart, $3  }
0xc0: {  	[dreg:$0x1] =	wrdreg $0xFFFFFFFF  }
0xc1: {  	_ =	task.clear_ibuf [dreg:s6], $0x2FFFF;
	_ =	strace $0x9FFFFFFF  }
0xc2: {  	(tm) =	ssettm $0x7FFFFFFF  }
0xc3: {  	_ =	shalt  }
tec
execute0_lowered:
.L_overlay_start_1:
0x0: {  	(tag) =	ssettag $0x1  }
0x1: {  	s0 =	rddreg [dreg:$0x0]  }
0x2: {  	s1 =	rddreg [dreg:$0x1];
	s2 =	simm.s32 $0x0;
	s4 =	srdreg.scid  }
0x3: {  	s5 =	stileid.u32;
	s28 =	simm.s32 $0x14000;
	s29 =	simm.s32 $0x2  }
0x4: {  	s30 =	simm.s32 $0x18000;
	s31 =	simm.s32 $0x7;
	[smem:$0x7FF] =	sst s2  }
0x5: {  	s3 =	sadd.s32 $0x3200, s0;
	s6 =	sadd.s32 $0x33200, s0;
	s9 =	smul.u32 $0x4F000, s5  }
0x6: {  	s4 =	sand.u32 $0x1, s4;
	s7 =	sshll.u32 s5, $0x1;
	s15 =	smul.u32 $0x13800, s5  }
0x7: {  	s10 =	sadd.s32 $0x47200, s0;
	s0 =	sadd.s32 $0x49A00, s0;
	s17 =	smul.u32 $0xA000, s5  }
0x8: {  	s11 =	sshll.u32 s5, $0x6;
	s18 =	smul.u32 $0x4E000, s5;
	p0 =	sne.s32 s5, $0x0  }
0x9: {  	s5 =	simm.s32 $0x6;
	_ =	strace $0x8000004A;
	s8 =	ssub.s32 $0x2, s4  }
0xa: {  	s7 =	sor.u32 s4, s7;
	[dreg:$0x3] =	wrdreg s10;
	s14 =	smul.u32 $0x138800, s4  }
0xb: {  	[dreg:$0x4] =	wrdreg s11;
	s11 =	sor.u32 $0x1C07, s11;
	s4 =	smul.u32 $0x5000, s4  }
0xc: {  	s13 =	sshrl.u32 s8, $0x1;
	s7 =	smul.u32 $0x5000, s7;
	s9 =	sshrl.u32 s9, $0x2  }
0xd: {  	[dreg:$0x6] =	wrdreg s11;
	s20 =	sshrl.u32 s18, $0x2;
	s11 =	simm.s32 $0x13E80  }
0xe: {  	s8 =	ssub.s32 s8, s13;
	s9 =	sadd.s32 s9, s1;
	s19 =	sshrl.u32 s14, $0x3  }
0xf: {  	s4 =	sadd.s32 s4, s17;
	s10 =	sadd.s32 s20, s1;
	s20 =	simm.s32 $0x13D00  }
0x10: {  	s7 =	sshrl.u32 s7, $0x3;
	s21 =	sor.u32 $0x700, s4;
	s8 =	smax.u32 s8, $0x1  }
0x11: {  	s23 =	sor.u32 $0x600, s4;
	s24 =	sor.u32 $0x500, s4;
	s4 =	sor.u32 $0x400, s4  }
0x12: {  	s25 =	sshrl.u32 s9, $0x3;
	s26 =	sshrl.u32 s10, $0x3;
	s9 =	simm.s32 $0x13D80  }
0x13: {  	s10 =	simm.s32 $0x4;
	s12 =	sadd.s32 s6, s7;
	s7 =	sadd.s32 s15, s14  }
0x14: {  	s22 =	sshrl.u32 s21, $0x3;
	[dreg:$0xc] =	wrdreg s8;
	s8 =	sshrl.u32 s24, $0x3  }
0x15: {  	s4 =	sshrl.u32 s4, $0x3;
	[dreg:$0xd] =	wrdreg s25;
	s21 =	simm.s32 $0x13E00  }
0x16: {  	[dreg:$0xe] =	wrdreg s26;
	s26 =	simm.s32 $0x80;
	s16 =	sadd.s32 $0x20, s12  }
0x17: {  	s13 =	sadd.s32 $0x40, s12;
	[dreg:$0x5] =	wrdreg s12;
	s12 =	sadd.s32 $0x60, s12  }
0x18: {  	s7 =	sshrl.u32 s7, $0x3;
	s14 =	sadd.s32 s22, s6;
	[dreg:$0x7] =	wrdreg s16  }
0x19: {  	s17 =	sadd.s32 s4, s6;
	s22 =	simm.s32 $0x13F00;
	[dreg:$0x8] =	wrdreg s13  }
0x1a: {  	s4 =	simm.s32 $0x13C80;
	[dreg:$0x9] =	wrdreg s12;
	s7 =	sadd.s32 s0, s7  }
0x1b: {  	s0 =	sadd.s32 s0, s19;
	s16 =	sadd.s32 s8, s6;
	s19 =	simm.s32 $0x13C00  }
.Ltmp0:
0x1c: {  	s8 =	simm.s32 $0x3;
	s12 =	simm.s32 $0x0;
	(pc) =	sbr.rel .LBB2_1-.Ltmp0, $4  }
0x1d: {  	[dreg:$0xa] =	wrdreg s7;
	s0 =	sadd.s32 $0x27000, s0;
	s7 =	sadd.s32 $0x138000, s1  }
0x1e: {  	[dreg:$0xb] =	wrdreg s0;
	s0 =	sshrl.u32 s23, $0x3;
	s23 =	simm.s32 $0x1  }
0x1f: {  	s15 =	sadd.s32 s0, s6;
	s0 =	sshrl.u32 @!p0 s7, $0x3;
	s7 =	simm.s32 $0x8  }
0x20: {  	s6 =	simm.s32 $0x13F80;
	[dreg:$0xf] =	wrdreg s0;
	s0 =	simm.s32 $0x5  }
.LBB2_4:
0x21: {  	_ =	swait.ge [sflag:s5], $0x4000  }
0x22: {  	[sflag:s5] =	ssyncset.done $0x0  }
0x23: {  	[sflag:s5] =	ssyncadd.s32 $0xFFFFC000  }
0x24: {  	[spmem:s1] =	stream.indirect.scatter.add.f32 [tilespmem:s30], [sflag:$0x8], $0x80, s6, s26, $0xb8;
	[tilespmem:$0x1C000] =	vst v63  }
0x25: {  	_ =	swait.ge [sflag:s7], $0x4000  }
0x26: {  	[sflag:s7] =	ssyncset.done $0x0  }
0x27: {  	[sflag:s7] =	ssyncadd.s32 $0xFFFFC000  }
0x28: {  	[bflag:$0x0] =	sbarrier.arrive $0xFFFF  }
0x29: {  	s13 =	rddreg [dreg:$0x4]  }
0x2a: {  	s18 =	rddreg [dreg:$0xa]  }
0x2b: {  	s24 =	rddreg [dreg:$0xe];
	s13 =	sor.u32 $0x1C08, s13  }
0x2c: {  	[hbm:s18], [sflag:s13] =	dma.local [spmem:s24], $0x2700  }
0x2d: {  	_ =	swait.ge [sflag:s7], $0x2700  }
0x2e: {  	[sflag:s7] =	ssyncset.done $0x0;
	s18 =	rddreg [dreg:$0xb]  }
0x2f: {  	s24 =	rddreg [dreg:$0xf];
	[sflag:s7] =	ssyncadd.s32 $0xFFFFD900  }
0x30: {  	[hbm:s18], [sflag:s13] =	dma.local @!p0 [spmem:s24], $0x100  }
0x31: {  	s13 =	simm.s32 @!p0 $0x8  }
0x32: {  	_ =	swait.ge @!p0 [sflag:s13], $0x100  }
0x33: {  	s12 =	sadd.s32 $0x1, s12;
	s25 =	rddreg [dreg:$0xc]  }
0x34: {  	p1 =	sne.s32 s12, s25  }
.Ltmp1:
0x35: {  	_ = 	snop;
	(pc) =	sbr.rel @!p1 .LBB2_5-.Ltmp1, $3  }
0x36: {  	_ =	sdelay $0x1  }
0x37: {  	[sflag:s13] =	ssyncset.done @!p0 $0x0  }
0x38: {  	[sflag:s13] =	ssyncadd.s32 @!p0 $0xFFFFFF00  }
.LBB2_1:
0x39: {  	s13 =	rddreg [dreg:$0x3]  }
0x3a: {  	s18 =	rddreg [dreg:$0x6]  }
0x3b: {  	s24 =	rddreg [dreg:$0xd]  }
0x3c: {  	[spmem:s24], [sflag:s18] =	dma.local [hbm:s13], $0x2780  }
0x3d: {  	s13 =	rddreg [dreg:$0x5]  }
0x3e: {  	[tilespmem:s19], [sflag:$0x1] =	stream.linear.gather [hbm4b:s13+s2], $0x100, $0x38;
	[tilespmem:$0x1C000] =	vst v63  }
0x3f: {  	s18 =	rddreg [dreg:$0x7]  }
0x40: {  	[tilespmem:s20], [sflag:$0x2] =	stream.linear.gather [hbm4b:s18+s2], $0x100, $0x38;
	[tilespmem:$0x1C000] =	vst v63  }
0x41: {  	s24 =	rddreg [dreg:$0x8]  }
0x42: {  	[tilespmem:s21], [sflag:$0x3] =	stream.linear.gather [hbm4b:s24+s2], $0x100, $0x38;
	[tilespmem:$0x1C000] =	vst v63  }
0x43: {  	s25 =	rddreg [dreg:$0x9]  }
0x44: {  	[tilespmem:s22], [sflag:$0x4] =	stream.linear.gather [hbm4b:s25+s2], $0x100, $0x38;
	[tilespmem:$0x1C000] =	vst v63  }
0x45: {  	_ =	swait.ge [sflag:s23], $0x100  }
0x46: {  	[sflag:s23] =	ssyncset.done $0x0  }
0x47: {  	[sflag:s23] =	ssyncadd.s32 $0xFFFFFF00  }
0x48: {  	[tilespmem:s28], [sflag:$0x5] =	stream.indirect.gather [hbm4b:s3+s26], $0x80, s19, s26, $0xb8;
	[tilespmem:$0x1C000] =	vst v63  }
0x49: {  	_ =	swait.ge [sflag:s29], $0x100  }
0x4a: {  	[sflag:s29] =	ssyncset.done $0x0  }
0x4b: {  	[sflag:s29] =	ssyncadd.s32 $0xFFFFFF00  }
0x4c: {  	[tilespmem:s30], [sflag:$0x6] =	stream.indirect.gather [hbm4b:s3+s26], $0x80, s20, s26, $0xb8;
	[tilespmem:$0x1C000] =	vst v63  }
0x4d: {  	_ =	swait.ge [sflag:s31], $0x2780  }
0x4e: {  	[sflag:s31] =	ssyncset.done $0x0  }
0x4f: {  	[sflag:s31] =	ssyncadd.s32 $0xFFFFD880  }
0x50: {  	s13 =	simm.s32 $0x0;
	[bflag:$0x0] =	sbarrier.arrive $0xFFFF  }
.LBB2_2:
0x51: {  	_ =	swait.ge [sflag:s0], $0x4000  }
0x52: {  	[sflag:s0] =	ssyncset.done $0x0  }
0x53: {  	[sflag:s0] =	ssyncadd.s32 $0xFFFFC000  }
0x54: {  	[spmem:s1] =	stream.indirect.scatter.add.f32 [tilespmem:s28], [sflag:$0x8], $0x80, s4, s26, $0xb8;
	[tilespmem:$0x1C000] =	vst v63  }
0x55: {  	p1 =	seq.s32 s13, $0x980;
	_ =	swait.ge [sflag:s7], $0x4000  }
0x56: {  	s18 =	sadd.s32 @!p1 s13, s17;
	[sflag:s7] =	ssyncset.done $0x0  }
0x57: {  	s24 =	simm.s32 @!p1 $0x0;
	s25 =	simm.s32 @!p1 $0x13C00;
	[sflag:s7] =	ssyncadd.s32 $0xFFFFC000  }
0x58: {  	[tilespmem:s25], [sflag:$0x1] =	stream.linear.gather @!p1 [hbm4b:s18+s24], $0x100, $0x38;
	[tilespmem:$0x1C000] =	vst v63  }
0x59: {  	_ =	swait.ge [sflag:s8], $0x100  }
0x5a: {  	[sflag:s8] =	ssyncset.done $0x0  }
0x5b: {  	[sflag:s8] =	ssyncadd.s32 $0xFFFFFF00  }
0x5c: {  	[tilespmem:s28], [sflag:$0x5] =	stream.indirect.gather [hbm4b:s3+s26], $0x80, s21, s26, $0xb8;
	[tilespmem:$0x1C000] =	vst v63  }
0x5d: {  	_ =	swait.ge [sflag:s5], $0x4000  }
0x5e: {  	[sflag:s5] =	ssyncset.done $0x0  }
0x5f: {  	[sflag:s5] =	ssyncadd.s32 $0xFFFFC000  }
0x60: {  	[spmem:s1] =	stream.indirect.scatter.add.f32 [tilespmem:s30], [sflag:$0x8], $0x80, s9, s26, $0xb8;
	[tilespmem:$0x1C000] =	vst v63  }
0x61: {  	_ =	swait.ge [sflag:s7], $0x4000  }
0x62: {  	[sflag:s7] =	ssyncset.done $0x0  }
0x63: {  	s18 =	sadd.s32 @!p1 s13, s16;
	s25 =	simm.s32 @!p1 $0x13D00;
	[sflag:s7] =	ssyncadd.s32 $0xFFFFC000  }
0x64: {  	[tilespmem:s25], [sflag:$0x2] =	stream.linear.gather @!p1 [hbm4b:s18+s24], $0x100, $0x38;
	[tilespmem:$0x1C000] =	vst v63  }
0x65: {  	_ =	swait.ge [sflag:s10], $0x100  }
0x66: {  	[sflag:s10] =	ssyncset.done $0x0  }
0x67: {  	[sflag:s10] =	ssyncadd.s32 $0xFFFFFF00  }
0x68: {  	[tilespmem:s30], [sflag:$0x6] =	stream.indirect.gather [hbm4b:s3+s26], $0x80, s22, s26, $0xb8;
	[tilespmem:$0x1C000] =	vst v63  }
0x69: {  	_ =	swait.ge [sflag:s0], $0x4000  }
0x6a: {  	[sflag:s0] =	ssyncset.done $0x0  }
.Ltmp2:
0x6b: {  	[sflag:s0] =	ssyncadd.s32 $0xFFFFC000;
	(pc) =	sbr.rel @p1 .LBB2_4-.Ltmp2, $4  }
0x6c: {  	[spmem:s1] =	stream.indirect.scatter.add.f32 [tilespmem:s28], [sflag:$0x8], $0x80, s11, s26, $0xb8;
	[tilespmem:$0x1C000] =	vst v63  }
0x6d: {  	_ =	swait.ge [sflag:s7], $0x4000  }
0x6e: {  	[sflag:s7] =	ssyncset.done $0x0  }
0x6f: {  	[sflag:s7] =	ssyncadd.s32 $0xFFFFC000  }
0x70: {  	s18 =	sadd.s32 s13, s15  }
0x71: {  	[tilespmem:s21], [sflag:$0x3] =	stream.linear.gather [hbm4b:s18+s2], $0x100, $0x38;
	[tilespmem:$0x1C000] =	vst v63  }
0x72: {  	_ =	swait.ge [sflag:s23], $0x100  }
0x73: {  	[sflag:s23] =	ssyncset.done $0x0  }
0x74: {  	[sflag:s23] =	ssyncadd.s32 $0xFFFFFF00  }
0x75: {  	[tilespmem:s28], [sflag:$0x5] =	stream.indirect.gather [hbm4b:s3+s26], $0x80, s19, s26, $0xb8;
	[tilespmem:$0x1C000] =	vst v63  }
0x76: {  	_ =	swait.ge [sflag:s5], $0x4000  }
0x77: {  	[sflag:s5] =	ssyncset.done $0x0  }
0x78: {  	[sflag:s5] =	ssyncadd.s32 $0xFFFFC000  }
0x79: {  	[spmem:s1] =	stream.indirect.scatter.add.f32 [tilespmem:s30], [sflag:$0x8], $0x80, s6, s26, $0xb8;
	[tilespmem:$0x1C000] =	vst v63  }
0x7a: {  	_ =	swait.ge [sflag:s7], $0x4000  }
0x7b: {  	[sflag:s7] =	ssyncset.done $0x0  }
0x7c: {  	s25 =	sadd.s32 s13, s14;
	[sflag:s7] =	ssyncadd.s32 $0xFFFFC000  }
0x7d: {  	[tilespmem:s22], [sflag:$0x4] =	stream.linear.gather [hbm4b:s25+s2], $0x100, $0x38;
	[tilespmem:$0x1C000] =	vst v63  }
.Ltmp3:
0x7e: {  	_ = 	snop;
	(pc) =	sbr.rel .LBB2_2-.Ltmp3, $4  }
0x7f: {  	_ =	swait.ge [sflag:s29], $0x100  }
0x80: {  	[sflag:s29] =	ssyncset.done $0x0  }
0x81: {  	s13 =	sadd.s32 $0x80, s13;
	[sflag:s29] =	ssyncadd.s32 $0xFFFFFF00  }
0x82: {  	[tilespmem:s30], [sflag:$0x6] =	stream.indirect.gather [hbm4b:s3+s26], $0x80, s20, s26, $0xb8;
	[tilespmem:$0x1C000] =	vst v63  }
.LBB2_5:
0x83: {  	_ =	sfence.sel $0x180000  }
0x84: {  	[bflag:$0x0] =	sbarrier.arrive $0xFFFF  }
0x85: {  	_ =	strace $0x9000004A  }
0x86: {  	[bflag:$0x2] =	sbarrier.arrive $0xFFFF  }
0x87: {  	s0 =	rddreg [dreg:$0x2]  }
0x88: {  	s0 =	sadd.s32 @!p0 $0x100000, s0  }
0x89: {  	[sflag:s0] =	ssyncadd.tile.s32 @!p0 $0x1;
	_ =	shalt  }
.Lfunc_end2:
_tile_overlayer_lowered:
.L_overlay_start_2:
0x8a: {  	(tag) =	ssettag $0x2  }
0x8b: {  	s0 =	rddreg [dreg:$0x0];
	s2 =	stileid.u32  }
0x8c: {  	s1 =	rddreg [dreg:$0x1];
	p0 =	sne.s32 s2, $0x0  }
0x8d: {  	s3 =	rddreg [dreg:$0x2];
	[bflag:$0x3] =	sbarrier.arrive $0xFFFF;
	s2 =	simm.s32 @!p0 $0x1C08  }
0x8e: {  	[timem:s3], [sflag:s2] =	dma.local @!p0 [hbm:s0], s1  }
0x8f: {  	s0 =	simm.s32 @!p0 $0x8  }
0x90: {  	_ =	swait.ge @!p0 [sflag:s0], s1  }
0x91: {  	s1 =	ssub.s32 @!p0 $0x0, s1;
	[sflag:s0] =	ssyncset.done @!p0 $0x0  }
0x92: {  	[sflag:s0] =	ssyncadd.s32 @!p0 s1  }
0x93: {  	[bflag:$0x3] =	sbarrier.arrive $0xFFFF  }
0x94: {  	_ =	shalt  }

// kernel: kernel.13.cloned.1.call-start
scs
__scs_entry_jumppad:
0x0: {  	(pc) =	sbr.rel $0x88, $3  }
0x1: {  	(tag) =	ssettag $0x0;
	lr =	simm.s32 $0x1  }
0x2: {  	[smem:$0x3F95] =	sst lr;
	_ =	strace $0xD0000000  }
0x3: {  	_ = 	snop  }
0x4: {  	_ = 	snop  }
0x5: {  	_ = 	snop  }
0x6: {  	_ = 	snop  }
0x7: {  	_ = 	snop  }
__scs_overlays_trampoline_lowered:
0x8: {  	[smem:$0x3FA4] =	sst s0  }
0x9: {  	[smem:$0x3FA5] =	sst s1  }
0xa: {  	[smem:$0x3FA6] =	sst s2  }
0xb: {  	[smem:$0x3FA7] =	sst s3  }
0xc: {  	[smem:$0x3FA8] =	sst s4  }
0xd: {  	[smem:$0x3FA9] =	sst s5  }
0xe: {  	[smem:$0x3FAA] =	sst s6  }
0xf: {  	[smem:$0x3FAB] =	sst s7  }
0x10: {  	[smem:$0x3FAC] =	sst s8  }
0x11: {  	[smem:$0x3FAD] =	sst s9;
	s0 =	simm.s32 @!p0 $0x0  }
0x12: {  	s1 =	sld [smem:$0x3F93];
	s0 =	simm.s32 @p0 $0x1  }
0x13: {  	[smem:$0x3FAE] =	sst s0;
	s0 =	simm.s32 @!p1 $0x0  }
0x14: {  	s2 =	sld [smem:$0x3F92];
	s0 =	simm.s32 @p1 $0x1  }
0x15: {  	[smem:$0x3FAF] =	sst s0;
	s0 =	simm.s32 @!p2 $0x0  }
0x16: {  	s3 =	sld [smem:$0x3FDB];
	s0 =	simm.s32 @p2 $0x1  }
0x17: {  	s4 =	simm.s32 $0x1BF5;
	[smem:$0x3FB1] =	sst s0  }
0x18: {  	s0 =	sld [smem:$0x3F94];
	_ =	swait.ge [sflag:s4], $0x0  }
0x19: {  	s7 =	sld [smem:$0x3F95]  }
0x1a: {  	s8 =	sadd.s32 $0xFFFFE003, lr  }
0x1b: {  	s9 =	sadd.s32 $0xFFFFFEF7, lr;
	s5 =	simm.s32 $0xFFFFFFFF;
	p2 =	slt.u32 s8, $0xFFFFF086  }
0x1c: {  	p1 =	slt.u32 s9, $0xF7A;
	s5 =	simm.s32 @!p2 $0x0  }
0x1d: {  	s5 =	simm.s32 @p1 $0x1;
	p0 =	seq.s32 s7, s2  }
0x1e: {  	s7 =	smul.u32 @!p0 $0xF7A, s2;
	p2 =	seq.s32 @!p0 s5, $0x0  }
0x1f: {  	s9 =	smul.u32 $0xF7A, s1;
	s8 =	simm.s32 @!p0 $0x1BF5;
	p2 =	por !p2, p0  }
0x20: {  	[sflag:s8] =	ssyncset.s32 @!p0 $0xFFFFF086;
	s6 =	sadd.s32 @!p0 s3, s7;
	s7 =	simm.s32 @!p0 $0x108  }
0x21: {  	s3 =	sadd.s32 s3, s9;
	s6 =	sadd.s32 @!p0 $0x88, s6;
	s7 =	simm.s32 @p2 $0x1082  }
0x22: {  	[simem:s7], [sflag:s8] =	dma.local @!p0 [hbm:s6], $0xF7A  }
0x23: {  	s9 =	sor.u32 $0xD0000000, s2;
	s6 =	simm.s32 $0x108;
	_ =	swait.ge @!p0 [sflag:s8], $0x0  }
0x24: {  	s3 =	sadd.s32 $0x88, s3;
	s6 =	simm.s32 @!p1 $0x1082;
	[sflag:s4] =	ssyncset.s32 $0xFFFFF086  }
0x25: {  	[simem:s6], [sflag:s4] =	dma.local [hbm:s3], $0xF7A  }
0x26: {  	[smem:$0x3F95] =	sst s1;
	(tag) =	ssettag s2;
	_ =	strace s9  }
0x27: {  	s1 =	sld [smem:$0x3FA5]  }
0x28: {  	s2 =	sld [smem:$0x3FA6]  }
0x29: {  	s4 =	sld [smem:$0x3FA8]  }
0x2a: {  	p0 =	seq.s32 s5, $0x0;
	s5 =	sld [smem:$0x3FA9]  }
0x2b: {  	s6 =	sld [smem:$0x3FAA]  }
0x2c: {  	s7 =	sld [smem:$0x3FAB]  }
0x2d: {  	s3 =	simm.s32 $0x108;
	s8 =	sld [smem:$0x3FAC]  }
0x2e: {  	s3 =	simm.s32 @!p0 $0x1082;
	s9 =	sld [smem:$0x3FAD]  }
0x2f: {  	lr =	sadd.s32 s0, s3;
	s0 =	sld [smem:$0x3FA4]  }
0x30: {  	s3 =	sld [smem:$0x3FA7]  }
0x31: {  	[smem:$0x3FB0] =	sst s10  }
0x32: {  	s10 =	sld [smem:$0x3FAE];
	_ =	sdelay $0x3  }
0x33: {  	p0 =	seq.s32 s10, $0x1;
	s10 =	sld [smem:$0x3FB0];
	_ =	sdelay $0x3  }
0x34: {  	[smem:$0x3FB0] =	sst s10  }
0x35: {  	s10 =	sld [smem:$0x3FAF];
	_ =	sdelay $0x3  }
0x36: {  	p1 =	seq.s32 s10, $0x1;
	s10 =	sld [smem:$0x3FB0];
	_ =	sdelay $0x3  }
0x37: {  	[smem:$0x3FB0] =	sst s10  }
0x38: {  	s10 =	sld [smem:$0x3FB1]  }
0x39: {  	_ = 	snop;
	(pc) =	sbr.ind lr, $3  }
0x3a: {  	_ = 	snop  }
0x3b: {  	_ = 	snop  }
0x3c: {  	p2 =	seq.s32 s10, $0x1;
	s10 =	sld [smem:$0x3FB0]  }
0x3d: {  	_ =	shalt  }
0x3e: {  	_ =	shalt  }
0x3f: {  	_ =	shalt  }
0x40: {  	_ =	shalt  }
0x41: {  	_ =	shalt  }
0x42: {  	_ =	shalt  }
0x43: {  	_ =	shalt  }
0x44: {  	_ =	shalt  }
0x45: {  	_ =	shalt  }
0x46: {  	_ =	shalt  }
0x47: {  	_ =	shalt  }
0x48: {  	_ =	shalt  }
0x49: {  	_ =	shalt  }
0x4a: {  	_ =	shalt  }
0x4b: {  	_ =	shalt  }
0x4c: {  	_ =	shalt  }
0x4d: {  	_ =	shalt  }
0x4e: {  	_ =	shalt  }
0x4f: {  	_ =	shalt  }
0x50: {  	_ =	shalt  }
0x51: {  	_ =	shalt  }
0x52: {  	_ =	shalt  }
0x53: {  	_ =	shalt  }
0x54: {  	_ =	shalt  }
0x55: {  	_ =	shalt  }
0x56: {  	_ =	shalt  }
0x57: {  	_ =	shalt  }
0x58: {  	_ =	shalt  }
0x59: {  	_ =	shalt  }
0x5a: {  	_ =	shalt  }
0x5b: {  	_ =	shalt  }
0x5c: {  	_ =	shalt  }
0x5d: {  	_ =	shalt  }
0x5e: {  	_ =	shalt  }
0x5f: {  	_ =	shalt  }
0x60: {  	_ =	shalt  }
0x61: {  	_ =	shalt  }
0x62: {  	_ =	shalt  }
0x63: {  	_ =	shalt  }
0x64: {  	_ =	shalt  }
0x65: {  	_ =	shalt  }
0x66: {  	_ =	shalt  }
0x67: {  	_ =	shalt  }
0x68: {  	_ =	shalt  }
0x69: {  	_ =	shalt  }
0x6a: {  	_ =	shalt  }
0x6b: {  	_ =	shalt  }
0x6c: {  	_ =	shalt  }
0x6d: {  	_ =	shalt  }
0x6e: {  	_ =	shalt  }
0x6f: {  	_ =	shalt  }
0x70: {  	_ =	shalt  }
0x71: {  	_ =	shalt  }
0x72: {  	_ =	shalt  }
0x73: {  	_ =	shalt  }
0x74: {  	_ =	shalt  }
0x75: {  	_ =	shalt  }
0x76: {  	_ =	shalt  }
0x77: {  	_ =	shalt  }
0x78: {  	_ =	shalt  }
0x79: {  	_ =	shalt  }
0x7a: {  	_ =	shalt  }
0x7b: {  	_ =	shalt  }
0x7c: {  	_ =	shalt  }
0x7d: {  	_ =	shalt  }
0x7e: {  	_ =	shalt  }
0x7f: {  	_ =	shalt  }
0x80: {  	_ =	shalt  }
0x81: {  	_ =	shalt  }
0x82: {  	_ =	shalt  }
0x83: {  	_ =	shalt  }
0x84: {  	_ =	shalt  }
0x85: {  	_ =	shalt  }
0x86: {  	_ =	shalt  }
0x87: {  	_ =	shalt  }
.Lfunc_end0:
.L_simem_size_0:
called_computation.2_lowered:
.L_overlay_start_0:
0x88: {  	s2 =	sld [smem:$0x3FD9]  }
0x89: {  	s3 =	sld [smem:$0x3FFE];
	_ =	sdelay $0x1  }
0x8a: {  	s1 =	srdreg.scid  }
0x8b: {  	s0 =	sand.u32 $0x1, s1  }
0x8c: {  	s16 =	sshll.u32 s0, $0xA;
	s2 =	sadd.s32 s3, s2  }
0x8d: {  	s2 =	sadd.s32 s2, s16  }
0x8e: {  	[smem:$0x3FBC] =	sst s2  }
0x8f: {  	_ = 	snop  }
0x90: {  	(tm) =	ssettm $0x1  }
0x91: {  	s17 =	sld [smem:$0x3FFB];
	_ =	sdelay $0x3  }
0x92: {  	_ =	strace s17  }
0x93: {  	s2 =	sld [smem:$0x3FFC];
	_ =	sdelay $0x3  }
0x94: {  	_ =	strace s2  }
0x95: {  	s2 =	sld [smem:$0x3FFD];
	_ =	sdelay $0x3  }
0x96: {  	_ =	strace s2  }
0x97: {  	_ =	strace $0x8FFFFFFF  }
0x98: {  	s18 =	sld [smem:$0x3FDB];
	_ =	sdelay $0x1  }
0x99: {  	s19 =	simm.s32 $_scs_section_size  }
0x9a: {  	s4 =	simm.s32 $_size__tile_overlayer_lowered;
	s5 =	simm.s32 $_tile_overlayer_lowered  }
0x9b: {  	s22 =	simm.s32 $0x1BFF;
	s21 =	sshll.u32 s5, $0x1;
	s2 =	sadd.s32 s19, s18  }
0x9c: {  	s6 =	simm.s32 $0x0;
	s20 =	sshll.u32 s4, $0x1;
	s4 =	sadd.s32 s21, s2  }
0x9d: {  	[timem:s6], [sflag:s22] =	dma.local [hbm:s4], s20  }
0x9e: {  	_ =	swait.ge [sflag:s22], s20  }
0x9f: {  	s3 =	ssub.s32 $0x0, s20;
	[sflag:s22] =	ssyncset.done $0x0  }
0xa0: {  	[sflag:s22] =	ssyncadd.s32 s3;
	_ =	sdelay $0x1  }
0xa1: {  	s23 =	simm.s32 $0x1B8B  }
0xa2: {  	_ =	swait.ge [sflag:s23], $0x1  }
0xa3: {  	[sflag:s23] =	ssyncset.done $0x0  }
0xa4: {  	s25 =	simm.s32 $0x1B8E;
	s24 =	sld [smem:$0x3FFE];
	[sflag:s23] =	ssyncadd.s32 $0xFFFFFFFF  }
0xa5: {  	s26 =	simm.s32 $execute0_lowered;
	[smem:$0x3FD2] =	sst s25  }
0xa6: {  	s4 =	sshll.u32 s26, $0x1;
	_ =	strace $0x8000004C;
	[dreg:$0x1] =	wrdreg $0xFFFFFFFF  }
0xa7: {  	s28 =	simm.s32 $_size_execute0_lowered;
	s2 =	sadd.s32 s2, s4;
	[dreg:$0x0] =	wrdreg $0x0  }
0xa8: {  	s4 =	sshll.u32 s28, $0x1;
	[dreg:$0x2] =	wrdreg s2  }
0xa9: {  	[dreg:$0x3] =	wrdreg s4  }
0xaa: {  	[dreg:$0x4] =	wrdreg $0xC0  }
0xab: {  	_ =	task [dreg:s6], $0x5FFFF  }
0xac: {  	[dreg:$0x1] =	wrdreg $0xFFFFFFFF  }
0xad: {  	[dreg:$0x0] =	wrdreg $0x60  }
0xae: {  	[dreg:$0x2] =	wrdreg s24  }
0xaf: {  	[dreg:$0x3] =	wrdreg $0x0  }
0xb0: {  	[dreg:$0x4] =	wrdreg $0x9  }
0xb1: {  	_ =	task.clear_ibuf [dreg:s6], $0x5FFFF;
	_ =	strace $0x9000004C  }
0xb2: {  	s29 =	simm.s32 $0x9;
	_ =	strace $0x8000004E  }
0xb3: {  	_ =	swait.ge [sflag:s29], $0x1  }
0xb4: {  	[sflag:s29] =	ssyncadd.s32 $0xFFFFFFFF  }
0xb5: {  	_ =	strace $0x9000004E  }
0xb6: {  	_ =	sfence  }
0xb7: {  	s30 =	sld [smem:$0x0];
	_ =	sdelay $0x2  }
0xb8: {  	s31 =	sshll.u32 s1, $0xD;
	s1 =	sshrl.u32 s1, $0x2  }
0xb9: {  	s3 =	sand.u32 $0x4000, s31;
	s1 =	sadd.s32 s1, s30  }
0xba: {  	s0 =	sor.u32 s3, s0;
	s1 =	sshll.u32 s1, $0x11  }
0xbb: {  	s0 =	sor.u32 s1, s0  }
0xbc: {  	s0 =	sadd.s32 $0x8F2B, s0  }
0xbd: {  	[sflag:s0] =	ssyncadd.remote.s32 $0x1  }
0xbe: {  	_ =	sfence.sel $0xFFFF  }
0xbf: {  	[dreg:$0x0] =	wrdreg $0xFFFFFFFF;
	(pc) =	sbr.abs _section_cstart, $3  }
0xc0: {  	[dreg:$0x1] =	wrdreg $0xFFFFFFFF  }
0xc1: {  	_ =	task.clear_ibuf [dreg:s6], $0x2FFFF;
	_ =	strace $0x9FFFFFFF  }
0xc2: {  	(tm) =	ssettm $0x7FFFFFFF  }
0xc3: {  	_ =	shalt  }
tec
execute0_lowered:
.L_overlay_start_1:
0x0: {  	(tag) =	ssettag $0x1  }
0x1: {  	s0 =	rddreg [dreg:$0x0]  }
0x2: {  	s1 =	rddreg [dreg:$0x1];
	s2 =	simm.s32 $0x0;
	s4 =	srdreg.scid  }
0x3: {  	s5 =	stileid.u32;
	s28 =	simm.s32 $0x14000;
	s29 =	simm.s32 $0x2  }
0x4: {  	s30 =	simm.s32 $0x18000;
	s31 =	simm.s32 $0x7;
	[smem:$0x7FF] =	sst s2  }
0x5: {  	s3 =	sadd.s32 $0x2A00, s0;
	s6 =	sadd.s32 $0x33200, s0;
	s9 =	smul.u32 $0x4F000, s5  }
0x6: {  	s4 =	sand.u32 $0x1, s4;
	s7 =	sshll.u32 s5, $0x1;
	s15 =	smul.u32 $0x13800, s5  }
0x7: {  	s10 =	sadd.s32 $0x47200, s0;
	s0 =	sadd.s32 $0x49A00, s0;
	s17 =	smul.u32 $0xA000, s5  }
0x8: {  	s11 =	sshll.u32 s5, $0x6;
	s18 =	smul.u32 $0x4E000, s5;
	p0 =	sne.s32 s5, $0x0  }
0x9: {  	s5 =	simm.s32 $0x6;
	_ =	strace $0x8000004D;
	s8 =	ssub.s32 $0x2, s4  }
0xa: {  	s7 =	sor.u32 s4, s7;
	[dreg:$0x3] =	wrdreg s10;
	s14 =	smul.u32 $0x138800, s4  }
0xb: {  	[dreg:$0x4] =	wrdreg s11;
	s11 =	sor.u32 $0x1C07, s11;
	s4 =	smul.u32 $0x5000, s4  }
0xc: {  	s13 =	sshrl.u32 s8, $0x1;
	s7 =	smul.u32 $0x5000, s7;
	s9 =	sshrl.u32 s9, $0x2  }
0xd: {  	[dreg:$0x6] =	wrdreg s11;
	s20 =	sshrl.u32 s18, $0x2;
	s11 =	simm.s32 $0x13E80  }
0xe: {  	s8 =	ssub.s32 s8, s13;
	s9 =	sadd.s32 s9, s1;
	s19 =	sshrl.u32 s14, $0x3  }
0xf: {  	s4 =	sadd.s32 s4, s17;
	s10 =	sadd.s32 s20, s1;
	s20 =	simm.s32 $0x13D00  }
0x10: {  	s7 =	sshrl.u32 s7, $0x3;
	s21 =	sor.u32 $0x700, s4;
	s8 =	smax.u32 s8, $0x1  }
0x11: {  	s23 =	sor.u32 $0x600, s4;
	s24 =	sor.u32 $0x500, s4;
	s4 =	sor.u32 $0x400, s4  }
0x12: {  	s25 =	sshrl.u32 s9, $0x3;
	s26 =	sshrl.u32 s10, $0x3;
	s9 =	simm.s32 $0x13D80  }
0x13: {  	s10 =	simm.s32 $0x4;
	s12 =	sadd.s32 s6, s7;
	s7 =	sadd.s32 s15, s14  }
0x14: {  	s22 =	sshrl.u32 s21, $0x3;
	[dreg:$0xc] =	wrdreg s8;
	s8 =	sshrl.u32 s24, $0x3  }
0x15: {  	s4 =	sshrl.u32 s4, $0x3;
	[dreg:$0xd] =	wrdreg s25;
	s21 =	simm.s32 $0x13E00  }
0x16: {  	[dreg:$0xe] =	wrdreg s26;
	s26 =	simm.s32 $0x80;
	s16 =	sadd.s32 $0x20, s12  }
0x17: {  	s13 =	sadd.s32 $0x40, s12;
	[dreg:$0x5] =	wrdreg s12;
	s12 =	sadd.s32 $0x60, s12  }
0x18: {  	s7 =	sshrl.u32 s7, $0x3;
	s14 =	sadd.s32 s22, s6;
	[dreg:$0x7] =	wrdreg s16  }
0x19: {  	s17 =	sadd.s32 s4, s6;
	s22 =	simm.s32 $0x13F00;
	[dreg:$0x8] =	wrdreg s13  }
0x1a: {  	s4 =	simm.s32 $0x13C80;
	[dreg:$0x9] =	wrdreg s12;
	s7 =	sadd.s32 s0, s7  }
0x1b: {  	s0 =	sadd.s32 s0, s19;
	s16 =	sadd.s32 s8, s6;
	s19 =	simm.s32 $0x13C00  }
.Ltmp0:
0x1c: {  	s8 =	simm.s32 $0x3;
	s12 =	simm.s32 $0x0;
	(pc) =	sbr.rel .LBB2_1-.Ltmp0, $4  }
0x1d: {  	[dreg:$0xa] =	wrdreg s7;
	s0 =	sadd.s32 $0x27000, s0;
	s7 =	sadd.s32 $0x138000, s1  }
0x1e: {  	[dreg:$0xb] =	wrdreg s0;
	s0 =	sshrl.u32 s23, $0x3;
	s23 =	simm.s32 $0x1  }
0x1f: {  	s15 =	sadd.s32 s0, s6;
	s0 =	sshrl.u32 @!p0 s7, $0x3;
	s7 =	simm.s32 $0x8  }
0x20: {  	s6 =	simm.s32 $0x13F80;
	[dreg:$0xf] =	wrdreg s0;
	s0 =	simm.s32 $0x5  }
.LBB2_4:
0x21: {  	_ =	swait.ge [sflag:s5], $0x4000  }
0x22: {  	[sflag:s5] =	ssyncset.done $0x0  }
0x23: {  	[sflag:s5] =	ssyncadd.s32 $0xFFFFC000  }
0x24: {  	[spmem:s1] =	stream.indirect.scatter.add.f32 [tilespmem:s30], [sflag:$0x8], $0x80, s6, s26, $0xb8;
	[tilespmem:$0x1C000] =	vst v63  }
0x25: {  	_ =	swait.ge [sflag:s7], $0x4000  }
0x26: {  	[sflag:s7] =	ssyncset.done $0x0  }
0x27: {  	[sflag:s7] =	ssyncadd.s32 $0xFFFFC000  }
0x28: {  	[bflag:$0x0] =	sbarrier.arrive $0xFFFF  }
0x29: {  	s13 =	rddreg [dreg:$0x4]  }
0x2a: {  	s18 =	rddreg [dreg:$0xa]  }
0x2b: {  	s24 =	rddreg [dreg:$0xe];
	s13 =	sor.u32 $0x1C08, s13  }
0x2c: {  	[hbm:s18], [sflag:s13] =	dma.local [spmem:s24], $0x2700  }
0x2d: {  	_ =	swait.ge [sflag:s7], $0x2700  }
0x2e: {  	[sflag:s7] =	ssyncset.done $0x0;
	s18 =	rddreg [dreg:$0xb]  }
0x2f: {  	s24 =	rddreg [dreg:$0xf];
	[sflag:s7] =	ssyncadd.s32 $0xFFFFD900  }
0x30: {  	[hbm:s18], [sflag:s13] =	dma.local @!p0 [spmem:s24], $0x100  }
0x31: {  	s13 =	simm.s32 @!p0 $0x8  }
0x32: {  	_ =	swait.ge @!p0 [sflag:s13], $0x100  }
0x33: {  	s12 =	sadd.s32 $0x1, s12;
	s25 =	rddreg [dreg:$0xc]  }
0x34: {  	p1 =	sne.s32 s12, s25  }
.Ltmp1:
0x35: {  	_ = 	snop;
	(pc) =	sbr.rel @!p1 .LBB2_5-.Ltmp1, $3  }
0x36: {  	_ =	sdelay $0x1  }
0x37: {  	[sflag:s13] =	ssyncset.done @!p0 $0x0  }
0x38: {  	[sflag:s13] =	ssyncadd.s32 @!p0 $0xFFFFFF00  }
.LBB2_1:
0x39: {  	s13 =	rddreg [dreg:$0x3]  }
0x3a: {  	s18 =	rddreg [dreg:$0x6]  }
0x3b: {  	s24 =	rddreg [dreg:$0xd]  }
0x3c: {  	[spmem:s24], [sflag:s18] =	dma.local [hbm:s13], $0x2780  }
0x3d: {  	s13 =	rddreg [dreg:$0x5]  }
0x3e: {  	[tilespmem:s19], [sflag:$0x1] =	stream.linear.gather [hbm4b:s13+s2], $0x100, $0x38;
	[tilespmem:$0x1C000] =	vst v63  }
0x3f: {  	s18 =	rddreg [dreg:$0x7]  }
0x40: {  	[tilespmem:s20], [sflag:$0x2] =	stream.linear.gather [hbm4b:s18+s2], $0x100, $0x38;
	[tilespmem:$0x1C000] =	vst v63  }
0x41: {  	s24 =	rddreg [dreg:$0x8]  }
0x42: {  	[tilespmem:s21], [sflag:$0x3] =	stream.linear.gather [hbm4b:s24+s2], $0x100, $0x38;
	[tilespmem:$0x1C000] =	vst v63  }
0x43: {  	s25 =	rddreg [dreg:$0x9]  }
0x44: {  	[tilespmem:s22], [sflag:$0x4] =	stream.linear.gather [hbm4b:s25+s2], $0x100, $0x38;
	[tilespmem:$0x1C000] =	vst v63  }
0x45: {  	_ =	swait.ge [sflag:s23], $0x100  }
0x46: {  	[sflag:s23] =	ssyncset.done $0x0  }
0x47: {  	[sflag:s23] =	ssyncadd.s32 $0xFFFFFF00  }
0x48: {  	[tilespmem:s28], [sflag:$0x5] =	stream.indirect.gather [hbm4b:s3+s26], $0x80, s19, s26, $0xb8;
	[tilespmem:$0x1C000] =	vst v63  }
0x49: {  	_ =	swait.ge [sflag:s29], $0x100  }
0x4a: {  	[sflag:s29] =	ssyncset.done $0x0  }
0x4b: {  	[sflag:s29] =	ssyncadd.s32 $0xFFFFFF00  }
0x4c: {  	[tilespmem:s30], [sflag:$0x6] =	stream.indirect.gather [hbm4b:s3+s26], $0x80, s20, s26, $0xb8;
	[tilespmem:$0x1C000] =	vst v63  }
0x4d: {  	_ =	swait.ge [sflag:s31], $0x2780  }
0x4e: {  	[sflag:s31] =	ssyncset.done $0x0  }
0x4f: {  	[sflag:s31] =	ssyncadd.s32 $0xFFFFD880  }
0x50: {  	s13 =	simm.s32 $0x0;
	[bflag:$0x0] =	sbarrier.arrive $0xFFFF  }
.LBB2_2:
0x51: {  	_ =	swait.ge [sflag:s0], $0x4000  }
0x52: {  	[sflag:s0] =	ssyncset.done $0x0  }
0x53: {  	[sflag:s0] =	ssyncadd.s32 $0xFFFFC000  }
0x54: {  	[spmem:s1] =	stream.indirect.scatter.add.f32 [tilespmem:s28], [sflag:$0x8], $0x80, s4, s26, $0xb8;
	[tilespmem:$0x1C000] =	vst v63  }
0x55: {  	p1 =	seq.s32 s13, $0x980;
	_ =	swait.ge [sflag:s7], $0x4000  }
0x56: {  	s18 =	sadd.s32 @!p1 s13, s17;
	[sflag:s7] =	ssyncset.done $0x0  }
0x57: {  	s24 =	simm.s32 @!p1 $0x0;
	s25 =	simm.s32 @!p1 $0x13C00;
	[sflag:s7] =	ssyncadd.s32 $0xFFFFC000  }
0x58: {  	[tilespmem:s25], [sflag:$0x1] =	stream.linear.gather @!p1 [hbm4b:s18+s24], $0x100, $0x38;
	[tilespmem:$0x1C000] =	vst v63  }
0x59: {  	_ =	swait.ge [sflag:s8], $0x100  }
0x5a: {  	[sflag:s8] =	ssyncset.done $0x0  }
0x5b: {  	[sflag:s8] =	ssyncadd.s32 $0xFFFFFF00  }
0x5c: {  	[tilespmem:s28], [sflag:$0x5] =	stream.indirect.gather [hbm4b:s3+s26], $0x80, s21, s26, $0xb8;
	[tilespmem:$0x1C000] =	vst v63  }
0x5d: {  	_ =	swait.ge [sflag:s5], $0x4000  }
0x5e: {  	[sflag:s5] =	ssyncset.done $0x0  }
0x5f: {  	[sflag:s5] =	ssyncadd.s32 $0xFFFFC000  }
0x60: {  	[spmem:s1] =	stream.indirect.scatter.add.f32 [tilespmem:s30], [sflag:$0x8], $0x80, s9, s26, $0xb8;
	[tilespmem:$0x1C000] =	vst v63  }
0x61: {  	_ =	swait.ge [sflag:s7], $0x4000  }
0x62: {  	[sflag:s7] =	ssyncset.done $0x0  }
0x63: {  	s18 =	sadd.s32 @!p1 s13, s16;
	s25 =	simm.s32 @!p1 $0x13D00;
	[sflag:s7] =	ssyncadd.s32 $0xFFFFC000  }
0x64: {  	[tilespmem:s25], [sflag:$0x2] =	stream.linear.gather @!p1 [hbm4b:s18+s24], $0x100, $0x38;
	[tilespmem:$0x1C000] =	vst v63  }
0x65: {  	_ =	swait.ge [sflag:s10], $0x100  }
0x66: {  	[sflag:s10] =	ssyncset.done $0x0  }
0x67: {  	[sflag:s10] =	ssyncadd.s32 $0xFFFFFF00  }
0x68: {  	[tilespmem:s30], [sflag:$0x6] =	stream.indirect.gather [hbm4b:s3+s26], $0x80, s22, s26, $0xb8;
	[tilespmem:$0x1C000] =	vst v63  }
0x69: {  	_ =	swait.ge [sflag:s0], $0x4000  }
0x6a: {  	[sflag:s0] =	ssyncset.done $0x0  }
.Ltmp2:
0x6b: {  	[sflag:s0] =	ssyncadd.s32 $0xFFFFC000;
	(pc) =	sbr.rel @p1 .LBB2_4-.Ltmp2, $4  }
0x6c: {  	[spmem:s1] =	stream.indirect.scatter.add.f32 [tilespmem:s28], [sflag:$0x8], $0x80, s11, s26, $0xb8;
	[tilespmem:$0x1C000] =	vst v63  }
0x6d: {  	_ =	swait.ge [sflag:s7], $0x4000  }
0x6e: {  	[sflag:s7] =	ssyncset.done $0x0  }
0x6f: {  	[sflag:s7] =	ssyncadd.s32 $0xFFFFC000  }
0x70: {  	s18 =	sadd.s32 s13, s15  }
0x71: {  	[tilespmem:s21], [sflag:$0x3] =	stream.linear.gather [hbm4b:s18+s2], $0x100, $0x38;
	[tilespmem:$0x1C000] =	vst v63  }
0x72: {  	_ =	swait.ge [sflag:s23], $0x100  }
0x73: {  	[sflag:s23] =	ssyncset.done $0x0  }
0x74: {  	[sflag:s23] =	ssyncadd.s32 $0xFFFFFF00  }
0x75: {  	[tilespmem:s28], [sflag:$0x5] =	stream.indirect.gather [hbm4b:s3+s26], $0x80, s19, s26, $0xb8;
	[tilespmem:$0x1C000] =	vst v63  }
0x76: {  	_ =	swait.ge [sflag:s5], $0x4000  }
0x77: {  	[sflag:s5] =	ssyncset.done $0x0  }
0x78: {  	[sflag:s5] =	ssyncadd.s32 $0xFFFFC000  }
0x79: {  	[spmem:s1] =	stream.indirect.scatter.add.f32 [tilespmem:s30], [sflag:$0x8], $0x80, s6, s26, $0xb8;
	[tilespmem:$0x1C000] =	vst v63  }
0x7a: {  	_ =	swait.ge [sflag:s7], $0x4000  }
0x7b: {  	[sflag:s7] =	ssyncset.done $0x0  }
0x7c: {  	s25 =	sadd.s32 s13, s14;
	[sflag:s7] =	ssyncadd.s32 $0xFFFFC000  }
0x7d: {  	[tilespmem:s22], [sflag:$0x4] =	stream.linear.gather [hbm4b:s25+s2], $0x100, $0x38;
	[tilespmem:$0x1C000] =	vst v63  }
.Ltmp3:
0x7e: {  	_ = 	snop;
	(pc) =	sbr.rel .LBB2_2-.Ltmp3, $4  }
0x7f: {  	_ =	swait.ge [sflag:s29], $0x100  }
0x80: {  	[sflag:s29] =	ssyncset.done $0x0  }
0x81: {  	s13 =	sadd.s32 $0x80, s13;
	[sflag:s29] =	ssyncadd.s32 $0xFFFFFF00  }
0x82: {  	[tilespmem:s30], [sflag:$0x6] =	stream.indirect.gather [hbm4b:s3+s26], $0x80, s20, s26, $0xb8;
	[tilespmem:$0x1C000] =	vst v63  }
.LBB2_5:
0x83: {  	_ =	sfence.sel $0x180000  }
0x84: {  	[bflag:$0x0] =	sbarrier.arrive $0xFFFF  }
0x85: {  	_ =	strace $0x9000004D  }
0x86: {  	[bflag:$0x2] =	sbarrier.arrive $0xFFFF  }
0x87: {  	s0 =	rddreg [dreg:$0x2]  }
0x88: {  	s0 =	sadd.s32 @!p0 $0x100000, s0  }
0x89: {  	[sflag:s0] =	ssyncadd.tile.s32 @!p0 $0x1;
	_ =	shalt  }
.Lfunc_end2:
_tile_overlayer_lowered:
.L_overlay_start_2:
0x8a: {  	(tag) =	ssettag $0x2  }
0x8b: {  	s0 =	rddreg [dreg:$0x0];
	s2 =	stileid.u32  }
0x8c: {  	s1 =	rddreg [dreg:$0x1];
	p0 =	sne.s32 s2, $0x0  }
0x8d: {  	s3 =	rddreg [dreg:$0x2];
	[bflag:$0x3] =	sbarrier.arrive $0xFFFF;
	s2 =	simm.s32 @!p0 $0x1C08  }
0x8e: {  	[timem:s3], [sflag:s2] =	dma.local @!p0 [hbm:s0], s1  }
0x8f: {  	s0 =	simm.s32 @!p0 $0x8  }
0x90: {  	_ =	swait.ge @!p0 [sflag:s0], s1  }
0x91: {  	s1 =	ssub.s32 @!p0 $0x0, s1;
	[sflag:s0] =	ssyncset.done @!p0 $0x0  }
0x92: {  	[sflag:s0] =	ssyncadd.s32 @!p0 s1  }
0x93: {  	[bflag:$0x3] =	sbarrier.arrive $0xFFFF  }
0x94: {  	_ =	shalt  }

// kernel: kernel.7.cloned.1.call-start
scs
__scs_entry_jumppad:
0x0: {  	(pc) =	sbr.rel $0x88, $3  }
0x1: {  	(tag) =	ssettag $0x0;
	lr =	simm.s32 $0x1  }
0x2: {  	[smem:$0x3F95] =	sst lr;
	_ =	strace $0xD0000000  }
0x3: {  	_ = 	snop  }
0x4: {  	_ = 	snop  }
0x5: {  	_ = 	snop  }
0x6: {  	_ = 	snop  }
0x7: {  	_ = 	snop  }
__scs_overlays_trampoline_lowered:
0x8: {  	[smem:$0x3FA4] =	sst s0  }
0x9: {  	[smem:$0x3FA5] =	sst s1  }
0xa: {  	[smem:$0x3FA6] =	sst s2  }
0xb: {  	[smem:$0x3FA7] =	sst s3  }
0xc: {  	[smem:$0x3FA8] =	sst s4  }
0xd: {  	[smem:$0x3FA9] =	sst s5  }
0xe: {  	[smem:$0x3FAA] =	sst s6  }
0xf: {  	[smem:$0x3FAB] =	sst s7  }
0x10: {  	[smem:$0x3FAC] =	sst s8  }
0x11: {  	[smem:$0x3FAD] =	sst s9;
	s0 =	simm.s32 @!p0 $0x0  }
0x12: {  	s1 =	sld [smem:$0x3F93];
	s0 =	simm.s32 @p0 $0x1  }
0x13: {  	[smem:$0x3FAE] =	sst s0;
	s0 =	simm.s32 @!p1 $0x0  }
0x14: {  	s2 =	sld [smem:$0x3F92];
	s0 =	simm.s32 @p1 $0x1  }
0x15: {  	[smem:$0x3FAF] =	sst s0;
	s0 =	simm.s32 @!p2 $0x0  }
0x16: {  	s3 =	sld [smem:$0x3FDB];
	s0 =	simm.s32 @p2 $0x1  }
0x17: {  	s4 =	simm.s32 $0x1BF5;
	[smem:$0x3FB1] =	sst s0  }
0x18: {  	s0 =	sld [smem:$0x3F94];
	_ =	swait.ge [sflag:s4], $0x0  }
0x19: {  	s7 =	sld [smem:$0x3F95]  }
0x1a: {  	s8 =	sadd.s32 $0xFFFFE003, lr  }
0x1b: {  	s9 =	sadd.s32 $0xFFFFFEF7, lr;
	s5 =	simm.s32 $0xFFFFFFFF;
	p2 =	slt.u32 s8, $0xFFFFF086  }
0x1c: {  	p1 =	slt.u32 s9, $0xF7A;
	s5 =	simm.s32 @!p2 $0x0  }
0x1d: {  	s5 =	simm.s32 @p1 $0x1;
	p0 =	seq.s32 s7, s2  }
0x1e: {  	s7 =	smul.u32 @!p0 $0xF7A, s2;
	p2 =	seq.s32 @!p0 s5, $0x0  }
0x1f: {  	s9 =	smul.u32 $0xF7A, s1;
	s8 =	simm.s32 @!p0 $0x1BF5;
	p2 =	por !p2, p0  }
0x20: {  	[sflag:s8] =	ssyncset.s32 @!p0 $0xFFFFF086;
	s6 =	sadd.s32 @!p0 s3, s7;
	s7 =	simm.s32 @!p0 $0x108  }
0x21: {  	s3 =	sadd.s32 s3, s9;
	s6 =	sadd.s32 @!p0 $0x88, s6;
	s7 =	simm.s32 @p2 $0x1082  }
0x22: {  	[simem:s7], [sflag:s8] =	dma.local @!p0 [hbm:s6], $0xF7A  }
0x23: {  	s9 =	sor.u32 $0xD0000000, s2;
	s6 =	simm.s32 $0x108;
	_ =	swait.ge @!p0 [sflag:s8], $0x0  }
0x24: {  	s3 =	sadd.s32 $0x88, s3;
	s6 =	simm.s32 @!p1 $0x1082;
	[sflag:s4] =	ssyncset.s32 $0xFFFFF086  }
0x25: {  	[simem:s6], [sflag:s4] =	dma.local [hbm:s3], $0xF7A  }
0x26: {  	[smem:$0x3F95] =	sst s1;
	(tag) =	ssettag s2;
	_ =	strace s9  }
0x27: {  	s1 =	sld [smem:$0x3FA5]  }
0x28: {  	s2 =	sld [smem:$0x3FA6]  }
0x29: {  	s4 =	sld [smem:$0x3FA8]  }
0x2a: {  	p0 =	seq.s32 s5, $0x0;
	s5 =	sld [smem:$0x3FA9]  }
0x2b: {  	s6 =	sld [smem:$0x3FAA]  }
0x2c: {  	s7 =	sld [smem:$0x3FAB]  }
0x2d: {  	s3 =	simm.s32 $0x108;
	s8 =	sld [smem:$0x3FAC]  }
0x2e: {  	s3 =	simm.s32 @!p0 $0x1082;
	s9 =	sld [smem:$0x3FAD]  }
0x2f: {  	lr =	sadd.s32 s0, s3;
	s0 =	sld [smem:$0x3FA4]  }
0x30: {  	s3 =	sld [smem:$0x3FA7]  }
0x31: {  	[smem:$0x3FB0] =	sst s10  }
0x32: {  	s10 =	sld [smem:$0x3FAE];
	_ =	sdelay $0x3  }
0x33: {  	p0 =	seq.s32 s10, $0x1;
	s10 =	sld [smem:$0x3FB0];
	_ =	sdelay $0x3  }
0x34: {  	[smem:$0x3FB0] =	sst s10  }
0x35: {  	s10 =	sld [smem:$0x3FAF];
	_ =	sdelay $0x3  }
0x36: {  	p1 =	seq.s32 s10, $0x1;
	s10 =	sld [smem:$0x3FB0];
	_ =	sdelay $0x3  }
0x37: {  	[smem:$0x3FB0] =	sst s10  }
0x38: {  	s10 =	sld [smem:$0x3FB1]  }
0x39: {  	_ = 	snop;
	(pc) =	sbr.ind lr, $3  }
0x3a: {  	_ = 	snop  }
0x3b: {  	_ = 	snop  }
0x3c: {  	p2 =	seq.s32 s10, $0x1;
	s10 =	sld [smem:$0x3FB0]  }
0x3d: {  	_ =	shalt  }
0x3e: {  	_ =	shalt  }
0x3f: {  	_ =	shalt  }
0x40: {  	_ =	shalt  }
0x41: {  	_ =	shalt  }
0x42: {  	_ =	shalt  }
0x43: {  	_ =	shalt  }
0x44: {  	_ =	shalt  }
0x45: {  	_ =	shalt  }
0x46: {  	_ =	shalt  }
0x47: {  	_ =	shalt  }
0x48: {  	_ =	shalt  }
0x49: {  	_ =	shalt  }
0x4a: {  	_ =	shalt  }
0x4b: {  	_ =	shalt  }
0x4c: {  	_ =	shalt  }
0x4d: {  	_ =	shalt  }
0x4e: {  	_ =	shalt  }
0x4f: {  	_ =	shalt  }
0x50: {  	_ =	shalt  }
0x51: {  	_ =	shalt  }
0x52: {  	_ =	shalt  }
0x53: {  	_ =	shalt  }
0x54: {  	_ =	shalt  }
0x55: {  	_ =	shalt  }
0x56: {  	_ =	shalt  }
0x57: {  	_ =	shalt  }
0x58: {  	_ =	shalt  }
0x59: {  	_ =	shalt  }
0x5a: {  	_ =	shalt  }
0x5b: {  	_ =	shalt  }
0x5c: {  	_ =	shalt  }
0x5d: {  	_ =	shalt  }
0x5e: {  	_ =	shalt  }
0x5f: {  	_ =	shalt  }
0x60: {  	_ =	shalt  }
0x61: {  	_ =	shalt  }
0x62: {  	_ =	shalt  }
0x63: {  	_ =	shalt  }
0x64: {  	_ =	shalt  }
0x65: {  	_ =	shalt  }
0x66: {  	_ =	shalt  }
0x67: {  	_ =	shalt  }
0x68: {  	_ =	shalt  }
0x69: {  	_ =	shalt  }
0x6a: {  	_ =	shalt  }
0x6b: {  	_ =	shalt  }
0x6c: {  	_ =	shalt  }
0x6d: {  	_ =	shalt  }
0x6e: {  	_ =	shalt  }
0x6f: {  	_ =	shalt  }
0x70: {  	_ =	shalt  }
0x71: {  	_ =	shalt  }
0x72: {  	_ =	shalt  }
0x73: {  	_ =	shalt  }
0x74: {  	_ =	shalt  }
0x75: {  	_ =	shalt  }
0x76: {  	_ =	shalt  }
0x77: {  	_ =	shalt  }
0x78: {  	_ =	shalt  }
0x79: {  	_ =	shalt  }
0x7a: {  	_ =	shalt  }
0x7b: {  	_ =	shalt  }
0x7c: {  	_ =	shalt  }
0x7d: {  	_ =	shalt  }
0x7e: {  	_ =	shalt  }
0x7f: {  	_ =	shalt  }
0x80: {  	_ =	shalt  }
0x81: {  	_ =	shalt  }
0x82: {  	_ =	shalt  }
0x83: {  	_ =	shalt  }
0x84: {  	_ =	shalt  }
0x85: {  	_ =	shalt  }
0x86: {  	_ =	shalt  }
0x87: {  	_ =	shalt  }
.Lfunc_end0:
.L_simem_size_0:
called_computation_lowered:
.L_overlay_start_0:
0x88: {  	s2 =	sld [smem:$0x3FD9]  }
0x89: {  	s3 =	sld [smem:$0x3FFE];
	_ =	sdelay $0x1  }
0x8a: {  	s1 =	srdreg.scid  }
0x8b: {  	s0 =	sand.u32 $0x1, s1  }
0x8c: {  	s17 =	sshll.u32 s0, $0xA;
	s2 =	sadd.s32 s3, s2  }
0x8d: {  	s2 =	sadd.s32 s2, s17  }
0x8e: {  	[smem:$0x3FBC] =	sst s2  }
0x8f: {  	_ = 	snop  }
0x90: {  	s2 =	sld [smem:$0x3FC6];
	(tm) =	ssettm $0x1  }
0x91: {  	s18 =	sld [smem:$0x3FFB];
	_ =	sdelay $0x3  }
0x92: {  	_ =	strace s18  }
0x93: {  	s3 =	sld [smem:$0x3FFC];
	_ =	sdelay $0x3  }
0x94: {  	_ =	strace s3  }
0x95: {  	s3 =	sld [smem:$0x3FFD];
	_ =	sdelay $0x3  }
0x96: {  	_ =	strace s3  }
0x97: {  	_ =	strace $0x8FFFFFFF  }
0x98: {  	s19 =	sld [smem:$0x3FDB];
	_ =	sdelay $0x1  }
0x99: {  	s4 =	simm.s32 $_scs_section_size  }
0x9a: {  	s5 =	simm.s32 $_size__tile_overlayer_lowered;
	s6 =	simm.s32 $_tile_overlayer_lowered  }
0x9b: {  	s22 =	simm.s32 $0x1BFF;
	s21 =	sshll.u32 s6, $0x1;
	s3 =	sadd.s32 s4, s19  }
0x9c: {  	s7 =	simm.s32 $0x0;
	s20 =	sshll.u32 s5, $0x1;
	s5 =	sadd.s32 s21, s3  }
0x9d: {  	[timem:s7], [sflag:s22] =	dma.local [hbm:s5], s20  }
0x9e: {  	_ =	swait.ge [sflag:s22], s20  }
0x9f: {  	s4 =	ssub.s32 $0x0, s20;
	[sflag:s22] =	ssyncset.done $0x0  }
0xa0: {  	[sflag:s22] =	ssyncadd.s32 s4;
	_ =	sdelay $0x1  }
0xa1: {  	s23 =	simm.s32 $0x1B8B  }
0xa2: {  	_ =	swait.ge [sflag:s23], $0x1  }
0xa3: {  	[sflag:s23] =	ssyncset.done $0x0  }
0xa4: {  	s25 =	simm.s32 $0x1B8E;
	s24 =	sld [smem:$0x3FFE];
	[sflag:s23] =	ssyncadd.s32 $0xFFFFFFFF  }
0xa5: {  	s26 =	simm.s32 $execute0_lowered;
	[smem:$0x3FD2] =	sst s25  }
0xa6: {  	s5 =	sshll.u32 s26, $0x1;
	_ =	strace $0x80000046;
	[dreg:$0x1] =	wrdreg $0xFFFFFFFF  }
0xa7: {  	s28 =	simm.s32 $_size_execute0_lowered;
	s3 =	sadd.s32 s3, s5;
	[dreg:$0x0] =	wrdreg $0x0  }
0xa8: {  	s5 =	sshll.u32 s28, $0x1;
	[dreg:$0x2] =	wrdreg s3  }
0xa9: {  	[dreg:$0x3] =	wrdreg s5  }
0xaa: {  	[dreg:$0x4] =	wrdreg $0xC0  }
0xab: {  	_ =	task [dreg:s7], $0x5FFFF  }
0xac: {  	[dreg:$0x1] =	wrdreg $0xFFFFFFFF  }
0xad: {  	[dreg:$0x0] =	wrdreg $0x60  }
0xae: {  	[dreg:$0x2] =	wrdreg s2  }
0xaf: {  	[dreg:$0x3] =	wrdreg s24  }
0xb0: {  	[dreg:$0x4] =	wrdreg $0x9  }
0xb1: {  	_ =	task.clear_ibuf [dreg:s7], $0x5FFFF;
	_ =	strace $0x90000046  }
0xb2: {  	s29 =	simm.s32 $0x9;
	_ =	strace $0x80000048  }
0xb3: {  	_ =	swait.ge [sflag:s29], $0x1  }
0xb4: {  	[sflag:s29] =	ssyncadd.s32 $0xFFFFFFFF  }
0xb5: {  	_ =	strace $0x90000048  }
0xb6: {  	_ =	sfence  }
0xb7: {  	s30 =	sld [smem:$0x0];
	_ =	sdelay $0x2  }
0xb8: {  	s31 =	sshll.u32 s1, $0xD;
	s1 =	sshrl.u32 s1, $0x2  }
0xb9: {  	s3 =	sand.u32 $0x4000, s31;
	s1 =	sadd.s32 s1, s30  }
0xba: {  	s0 =	sor.u32 s3, s0;
	s1 =	sshll.u32 s1, $0x11  }
0xbb: {  	s0 =	sor.u32 s1, s0  }
0xbc: {  	s0 =	sadd.s32 $0x8F2B, s0  }
0xbd: {  	[sflag:s0] =	ssyncadd.remote.s32 $0x1  }
0xbe: {  	_ =	sfence.sel $0xFFFF  }
0xbf: {  	[dreg:$0x0] =	wrdreg $0xFFFFFFFF;
	(pc) =	sbr.abs _section_cstart, $3  }
0xc0: {  	[dreg:$0x1] =	wrdreg $0xFFFFFFFF  }
0xc1: {  	_ =	task.clear_ibuf [dreg:s7], $0x2FFFF;
	_ =	strace $0x9FFFFFFF  }
0xc2: {  	(tm) =	ssettm $0x7FFFFFFF  }
0xc3: {  	_ =	shalt  }
tec
execute0_lowered:
.L_overlay_start_1:
0x0: {  	(tag) =	ssettag $0x1  }
0x1: {  	s1 =	srdreg.scid;
	s0 =	stileid.u32  }
0x2: {  	s18 =	sand.u32 $0x1, s1;
	s30 =	sshll.u32 s0, $0x1  }
0x3: {  	s2 =	rddreg [dreg:$0x0];
	s13 =	sor.u32 s18, s30  }
0x4: {  	s12 =	rddreg [dreg:$0x1];
	s3 =	simm.s32 $0x0;
	s4 =	sshll.u32 s13, $0x6  }
0x5: {  	s5 =	simm.s32 $0x5;
	[smem:$0x7FF] =	sst s3;
	s4 =	sadd.s32 s4, s12  }
0x6: {  	s1 =	rddreg [dreg:$0x2];
	_ =	strace $0x80000047;
	s4 =	sadd.s32 $0x2A00, s4  }
0x7: {  	[tilespmem:s3], [sflag:$0x5] =	stream.linear.gather [hbm4b:s4+s3], $0x180, $0x38;
	[tilespmem:$0xC200] =	vst v63  }
0x8: {  	_ =	swait.ge [sflag:s5], $0x180  }
0x9: {  	[sflag:s5] =	ssyncset.done $0x0  }
0xa: {  	s6 =	simm.s32 $0x80;
	s7 =	simm.s32 $0x200;
	[sflag:s5] =	ssyncadd.s32 $0xFFFFFE80  }
0xb: {  	[tilespmem:s7], [sflag:$0x1] =	stream.indirect.gather [hbm4b:s2+s6], $0x80, s3, s6, $0xb8;
	[tilespmem:$0xC200] =	vst v63  }
0xc: {  	s8 =	simm.s32 $0x4200  }
0xd: {  	[tilespmem:s8], [sflag:$0x2] =	stream.indirect.gather [hbm4b:s2+s6], $0x80, s6, s6, $0xb8;
	[tilespmem:$0xC200] =	vst v63  }
0xe: {  	s9 =	simm.s32 $0x100;
	s10 =	simm.s32 $0x8200;
	s11 =	simm.s32 $0x1  }
0xf: {  	[tilespmem:s10], [sflag:$0x3] =	stream.indirect.gather [hbm4b:s2+s6], $0x80, s9, s6, $0xb8;
	[tilespmem:$0xC200] =	vst v63  }
0x10: {  	s14 =	smul.u32 $0x1800, s13;
	_ =	swait.ge [sflag:s11], $0x4000  }
0x11: {  	s15 =	sadd.s32 $0x3200, s12;
	s31 =	smul.u32 $0xC000, s13;
	[sflag:s11] =	ssyncset.done $0x0  }
0x12: {  	s13 =	simm.s32 $0x2;
	s12 =	sadd.s32 s15, s14;
	[sflag:s11] =	ssyncadd.s32 $0xFFFFC000  }
0x13: {  	[hbm4b:s12+s3] =	stream.linear.scatter [tilespmem:s7], [sflag:$0x4], $0x4000, $0x38;
	[tilespmem:$0xC200] =	vst v63  }
0x14: {  	s14 =	sshrl.u32 s31, $0x3;
	_ =	swait.ge [sflag:s13], $0x4000  }
0x15: {  	s16 =	sadd.s32 s15, s14;
	[sflag:s13] =	ssyncset.done $0x0  }
0x16: {  	s15 =	simm.s32 $0x3;
	s14 =	sadd.s32 $0x800, s16;
	[sflag:s13] =	ssyncadd.s32 $0xFFFFC000  }
0x17: {  	[hbm4b:s14+s3] =	stream.linear.scatter [tilespmem:s8], [sflag:$0x4], $0x4000, $0x38;
	[tilespmem:$0xC200] =	vst v63  }
0x18: {  	s18 =	ssub.s32 $0x2, s18;
	_ =	swait.ge [sflag:s15], $0x4000  }
0x19: {  	s19 =	sshrl.u32 s18, $0x1;
	[sflag:s15] =	ssyncset.done $0x0  }
0x1a: {  	s17 =	sadd.s32 $0x1000, s16;
	s16 =	simm.s32 $0x4;
	[sflag:s15] =	ssyncadd.s32 $0xFFFFC000  }
0x1b: {  	[hbm4b:s17+s3] =	stream.linear.scatter [tilespmem:s10], [sflag:$0x4], $0x4000, $0x38;
	[tilespmem:$0xC200] =	vst v63  }
0x1c: {  	s18 =	ssub.s32 s18, s19;
	_ =	swait.ge [sflag:s16], $0x4000  }
0x1d: {  	s18 =	smax.u32 s18, $0x1;
	[sflag:s16] =	ssyncset.done $0x0  }
0x1e: {  	p0 =	sne.s32 s18, $0x1;
	[sflag:s16] =	ssyncadd.s32 $0xFFFFC000  }
.Ltmp0:
0x1f: {  	_ =	swait.ge [sflag:s16], $0x4000;
	(pc) =	sbr.rel @!p0 .LBB2_2-.Ltmp0, $4  }
0x20: {  	[sflag:s16] =	ssyncset.done $0x0  }
0x21: {  	[sflag:s16] =	ssyncadd.s32 $0xFFFFC000  }
0x22: {  	_ =	swait.ge [sflag:s16], $0x4000  }
0x23: {  	s18 =	sadd.s32 $0xFFFFFFFF, s18;
	[sflag:s16] =	ssyncset.done $0x0  }
.LBB2_1:
0x24: {  	p0 =	sne.s32 s18, $0x1;
	s18 =	sadd.s32 $0xFFFFFFFF, s18;
	[sflag:s16] =	ssyncadd.s32 $0xFFFFC000  }
0x25: {  	[tilespmem:s3], [sflag:$0x5] =	stream.linear.gather [hbm4b:s4+s3], $0x180, $0x38;
	[tilespmem:$0xC200] =	vst v63  }
0x26: {  	_ =	swait.ge [sflag:s5], $0x180  }
0x27: {  	[sflag:s5] =	ssyncset.done $0x0  }
0x28: {  	[sflag:s5] =	ssyncadd.s32 $0xFFFFFE80  }
0x29: {  	[tilespmem:s7], [sflag:$0x1] =	stream.indirect.gather [hbm4b:s2+s6], $0x80, s3, s6, $0xb8;
	[tilespmem:$0xC200] =	vst v63  }
0x2a: {  	_ = 	snop  }
0x2b: {  	[tilespmem:s8], [sflag:$0x2] =	stream.indirect.gather [hbm4b:s2+s6], $0x80, s6, s6, $0xb8;
	[tilespmem:$0xC200] =	vst v63  }
0x2c: {  	_ = 	snop  }
0x2d: {  	[tilespmem:s10], [sflag:$0x3] =	stream.indirect.gather [hbm4b:s2+s6], $0x80, s9, s6, $0xb8;
	[tilespmem:$0xC200] =	vst v63  }
0x2e: {  	_ =	swait.ge [sflag:s11], $0x4000  }
0x2f: {  	[sflag:s11] =	ssyncset.done $0x0  }
0x30: {  	[sflag:s11] =	ssyncadd.s32 $0xFFFFC000  }
0x31: {  	[hbm4b:s12+s3] =	stream.linear.scatter [tilespmem:s7], [sflag:$0x4], $0x4000, $0x38;
	[tilespmem:$0xC200] =	vst v63  }
0x32: {  	_ =	swait.ge [sflag:s13], $0x4000  }
0x33: {  	[sflag:s13] =	ssyncset.done $0x0  }
0x34: {  	[sflag:s13] =	ssyncadd.s32 $0xFFFFC000  }
0x35: {  	[hbm4b:s14+s3] =	stream.linear.scatter [tilespmem:s8], [sflag:$0x4], $0x4000, $0x38;
	[tilespmem:$0xC200] =	vst v63  }
0x36: {  	_ =	swait.ge [sflag:s15], $0x4000  }
0x37: {  	[sflag:s15] =	ssyncset.done $0x0  }
0x38: {  	[sflag:s15] =	ssyncadd.s32 $0xFFFFC000  }
0x39: {  	[hbm4b:s17+s3] =	stream.linear.scatter [tilespmem:s10], [sflag:$0x4], $0x4000, $0x38;
	[tilespmem:$0xC200] =	vst v63  }
0x3a: {  	_ =	swait.ge [sflag:s16], $0x4000  }
0x3b: {  	[sflag:s16] =	ssyncset.done $0x0  }
0x3c: {  	[sflag:s16] =	ssyncadd.s32 $0xFFFFC000  }
.Ltmp1:
0x3d: {  	_ =	swait.ge [sflag:s16], $0x4000;
	(pc) =	sbr.rel @p0 .LBB2_1-.Ltmp1, $4  }
0x3e: {  	[sflag:s16] =	ssyncset.done $0x0  }
0x3f: {  	[sflag:s16] =	ssyncadd.s32 $0xFFFFC000  }
0x40: {  	_ =	swait.ge [sflag:s16], $0x4000  }
0x41: {  	[sflag:s16] =	ssyncset.done $0x0  }
.LBB2_2:
0x42: {  	[sflag:s16] =	ssyncadd.s32 $0xFFFFC000  }
0x43: {  	_ =	sfence.sel $0x180000  }
0x44: {  	[bflag:$0x0] =	sbarrier.arrive $0xFFFF  }
0x45: {  	p0 =	sne.s32 s0, $0x0;
	_ =	strace $0x90000047  }
0x46: {  	s0 =	sadd.s32 @!p0 $0x100000, s1;
	[bflag:$0x2] =	sbarrier.arrive $0xFFFF  }
0x47: {  	[sflag:s0] =	ssyncadd.tile.s32 @!p0 $0x1;
	_ =	shalt  }
.Lfunc_end2:
_tile_overlayer_lowered:
.L_overlay_start_2:
0x48: {  	(tag) =	ssettag $0x2  }
0x49: {  	s0 =	rddreg [dreg:$0x0];
	s2 =	stileid.u32  }
0x4a: {  	s1 =	rddreg [dreg:$0x1];
	p0 =	sne.s32 s2, $0x0  }
0x4b: {  	s3 =	rddreg [dreg:$0x2];
	[bflag:$0x3] =	sbarrier.arrive $0xFFFF;
	s2 =	simm.s32 @!p0 $0x1C05  }
0x4c: {  	[timem:s3], [sflag:s2] =	dma.local @!p0 [hbm:s0], s1  }
0x4d: {  	s0 =	simm.s32 @!p0 $0x5  }
0x4e: {  	_ =	swait.ge @!p0 [sflag:s0], s1  }
0x4f: {  	s1 =	ssub.s32 @!p0 $0x0, s1;
	[sflag:s0] =	ssyncset.done @!p0 $0x0  }
0x50: {  	[sflag:s0] =	ssyncadd.s32 @!p0 s1  }
0x51: {  	[bflag:$0x3] =	sbarrier.arrive $0xFFFF  }
0x52: {  	_ =	shalt  }

</sc_bundles>
